<compile_context>
chip_gen: v7x
topology: tpu7x:2x2x1
jax: 0.10.2.dev20260603
libtpu: 0.0.44.dev20260713+nightly
codegen_flags: <defaults>
</compile_context>

<pallas_src>
import functools

import jax
import jax.numpy as jnp
from jax import lax
from jax.experimental import pallas as pl
from jax.experimental.pallas import tpu as pltpu
from jax.experimental.pallas import tpu_sc as plsc

_INFO = plsc.get_sparse_core_info()
_NC = _INFO.num_cores
_NS = _INFO.num_subcores
_NW = _NC * _NS

V = 1000000
D = 64
SEQ = 200
BATCH = 4096
VFULL = (V // 128) * 128
NJ3 = VFULL // 384
SROWS = V // 2

CHUNK = 256
NBUF = 4


def _k1_relayout(table_t, tail_packed):
  mesh = plsc.VectorSubcoreMesh(core_axis_name="c", subcore_axis_name="s")

  @functools.partial(
      pl.kernel,
      mesh=mesh,
      out_type=jax.ShapeDtypeStruct((SROWS, 128), jnp.float32),
      compiler_params=pltpu.CompilerParams(
          use_tc_tiling_on_sc=True, needs_layout_passes=False),
      scratch_types=[
          pltpu.VMEM((2, 64, 384), jnp.float32),
          pltpu.VMEM((2, 192, 128), jnp.float32),
          pltpu.VMEM((32, 128), jnp.float32),
          pltpu.SemaphoreType.DMA((2,)),
          pltpu.SemaphoreType.DMA((2,)),
          pltpu.SemaphoreType.DMA,
      ],
  )
  def k1(t_hbm, tail_hbm, s_hbm, ib, ob, tb, gsem, wsem, tsem):
    wid = lax.axis_index("s") * _NC + lax.axis_index("c")
    iota = lax.iota(jnp.int32, 16)
    dlanes = [iota + (g * 16) for g in range(4)]

    n_rounds = NJ3 // _NW + 1

    def in_dma(k, b):
      j = wid + k * _NW
      return pltpu.make_async_copy(
          t_hbm.at[:, pl.ds(j * 384, 384)], ib.at[b], gsem.at[b])

    def out_dma(k, b):
      j = wid + k * _NW
      return pltpu.make_async_copy(
          ob.at[b], s_hbm.at[pl.ds(j * 192, 192)], wsem.at[b])

    in_dma(0, 0).start()
    in_dma(1, 1).start()

    def body(k, carry):
      j = wid + k * _NW

      @pl.when(j < NJ3)
      def _():
        for b in range(2):
          @pl.when(lax.rem(k, 2) == b)
          def _():
            in_dma(k, b).wait()

            @pl.when(k >= 2)
            def _():
              out_dma(k - 2, b).wait()

            @plsc.parallel_loop(0, 192, unroll=8)
            def _(rr):
              for p in range(2):
                vcol = jnp.full((16,), 2 * rr + p, jnp.int32)
                for g in range(4):
                  vals = plsc.load_gather(ib.at[b], [dlanes[g], vcol])
                  ob[b, rr, pl.ds(p * 64 + g * 16, 16)] = vals

            out_dma(k, b).start()

            @pl.when(j + 2 * _NW < NJ3)
            def _():
              in_dma(k + 2, b).start()
      return carry

    lax.fori_loop(0, n_rounds, body, 0)

    pltpu.make_async_copy(
        ob.at[0], s_hbm.at[pl.ds(0, 192)], wsem.at[0]).wait()
    pltpu.make_async_copy(
        ob.at[1], s_hbm.at[pl.ds(0, 192)], wsem.at[1]).wait()

    @pl.when(wid == 0)
    def _():
      pltpu.async_copy(tail_hbm, tb, tsem).wait()
      pltpu.sync_copy(tb, s_hbm.at[pl.ds(SROWS - 32, 32)])

  return k1(table_t, tail_packed)


def _gather_rows(table, idx2, n_workers, n_chunks, d):
  npad = n_workers * n_chunks * CHUNK
  per_w = n_chunks * CHUNK
  mesh = plsc.VectorSubcoreMesh(core_axis_name="c", subcore_axis_name="s")
  info = plsc.get_sparse_core_info()

  @functools.partial(
      pl.kernel,
      mesh=mesh,
      out_type=jax.ShapeDtypeStruct((npad, d), jnp.float32),
      compiler_params=pltpu.CompilerParams(use_tc_tiling_on_sc=False),
      scratch_types=[
          pltpu.VMEM((per_w,), jnp.int32),
          pltpu.VMEM((NBUF, CHUNK, d), jnp.float32),
          pltpu.SemaphoreType.DMA((NBUF,)),
          pltpu.SemaphoreType.DMA((NBUF,)),
      ],
  )
  def k(table_hbm, idx_hbm, out_hbm, idx_v, rows_v, gsem, wsem):
    wid = lax.axis_index("s") * info.num_cores + lax.axis_index("c")
    pltpu.sync_copy(idx_hbm.at[wid], idx_v)
    base = wid * per_w

    def gfire(j, b):
      pltpu.async_copy(
          table_hbm.at[idx_v.at[pl.ds(j * CHUNK, CHUNK)]],
          rows_v.at[b], gsem.at[b])

    def gwait(j, b):
      pltpu.make_async_copy(
          table_hbm.at[idx_v.at[pl.ds(j * CHUNK, CHUNK)]],
          rows_v.at[b], gsem.at[b]).wait()

    def wfire(j, b):
      pltpu.async_copy(
          rows_v.at[b], out_hbm.at[pl.ds(base + j * CHUNK, CHUNK)], wsem.at[b])

    def wwait(j, b):
      pltpu.make_async_copy(
          rows_v.at[b], out_hbm.at[pl.ds(base + j * CHUNK, CHUNK)],
          wsem.at[b]).wait()

    for b in range(NBUF):
      gfire(b, b)

    def body(i, carry):
      for b in range(NBUF):
        j = i * NBUF + b
        gwait(j, b)
        wfire(j, b)
        wwait(j, b)
        gfire(j + NBUF, b)
      return carry

    lax.fori_loop(0, n_chunks // NBUF - 1, body, 0)

    for b in range(NBUF):
      j = n_chunks - NBUF + b
      gwait(j, b)
      wfire(j, b)
      wwait(j, b)

  return k(table, idx2)


def kernel(table, indices):
  b, s = indices.shape
  v, d = table.shape
  n = b * s

  table_t = table.T
  tail_packed = table[VFULL:].reshape(32, 128)
  scratch = _k1_relayout(table_t, tail_packed)
  table_lin = scratch.reshape(v, d)

  idx = indices.T.reshape(n).astype(jnp.int32)
  n_chunks = n // (_NW * CHUNK)
  idx2 = idx.reshape(_NW, n_chunks * CHUNK)

  out = _gather_rows(table_lin, idx2, _NW, n_chunks, d)
  return out.reshape(s, b, d).transpose(1, 0, 2)

# --- scband reference (transcript-rebuilt; emitter-appended) ---
"""Pipeline reference for scband-embedding-layer-6133213299303 (READ-ONLY COPY).

The authoritative reference and input builder live on the scoring server;
editing this copy changes nothing except your own understanding.
"""

import jax, jax.numpy as jnp
import numpy as np

VOCAB = 1000000
EMB_DIM = 64
BATCH = 4096
SEQ = 200
PAD_IDX = 0

def setup_inputs(seed: int = 0) -> dict:
    key = jax.random.key(seed)
    k1, k2 = jax.random.split(key)
    table = jax.random.normal(k1, (VOCAB, EMB_DIM), dtype=jnp.float32)
    # padding_idx row is zeroed, matching nn.Embedding.from_pretrained(..., padding_idx=vocab['[PAD]']) with embs[PAD]=0
    table = table.at[PAD_IDX].set(0.0)
    indices = jax.random.randint(k2, (BATCH, SEQ), 0, VOCAB, dtype=jnp.int64)
    return {"table": table, "indices": indices}

def reference(table, indices):
    # DiscocatEmbedding.forward: output = self.embs(input)  (plain embedding lookup)
    return jnp.take(table, indices, axis=0)

if __name__ == "__main__":
    import jax
    _d = setup_inputs()
    print(jax.jit(kernel)(*tuple(_d.values())))

</pallas_src>

<mosaic_0001>
#map = affine_map<(d0, d1) -> (0, 0)>
module attributes {stable_mosaic.version = 14 : i64} {
  func.func @k(%arg0: i32, %arg1: i32, %arg2: memref<1000000x64xf32, #tpu.memory_space<hbm>>, %arg3: memref<32x25600xi32, #tpu.memory_space<hbm>>, %arg4: memref<819200x64xf32, #tpu.memory_space<hbm>>, %arg5: memref<25600xi32, #tpu.memory_space<vmem>>, %arg6: memref<4x256x64xf32, #tpu.memory_space<vmem>>, %arg7: memref<4x!tpu.dma_semaphore, #tpu.memory_space<semaphore_mem>>, %arg8: memref<4x!tpu.dma_semaphore, #tpu.memory_space<semaphore_mem>>) attributes {dimension_semantics = [#tpu.dimension_semantics<core_parallel>, #tpu.dimension_semantics<subcore_parallel>], iteration_bounds = array<i64: 2, 16>, scalar_prefetch = 0 : i64, scratch_operands = 4 : i64, tpu.core_type = #tpu.core_type<sc_vector_subcore>, window_params = [{transform_indices = #map}, {transform_indices = #map}, {transform_indices = #map}]} {
    %mul3A = arith.constant 2 : i32
    %mul3A_0 = arith.muli %arg1, %mul3A : i32
    %add3A = arith.addi %mul3A_0, %arg0 : i32
    "tpu.region"() ({
      %run_scoped3A = tpu.sem_alloc : memref<!tpu.dma_semaphore, #tpu.memory_space<semaphore_mem>>
      %dma_start3A_254 = arith.constant 0 : i32
      %dma_start3A_255 = tpu.memref_slice %arg3[%add3A, %dma_start3A_254] : memref<32x25600xi32, #tpu.memory_space<hbm>> -> memref<1x25600xi32, #tpu.memory_space<hbm>>
      %dma_start3A_256 = tpu.memref_squeeze %dma_start3A_255 : memref<1x25600xi32, #tpu.memory_space<hbm>> -> memref<25600xi32, #tpu.memory_space<hbm>>
      %dma_start3A_257 = arith.constant 0 : i32
      %dma_start3A_258 = tpu.memref_slice %arg3[%add3A, %dma_start3A_257] : memref<32x25600xi32, #tpu.memory_space<hbm>> -> memref<1x25600xi32, #tpu.memory_space<hbm>>
      %dma_start3A_259 = tpu.memref_squeeze %dma_start3A_258 : memref<1x25600xi32, #tpu.memory_space<hbm>> -> memref<25600xi32, #tpu.memory_space<hbm>>
      tpu.enqueue_dma source(%dma_start3A_259 : memref<25600xi32, #tpu.memory_space<hbm>>) target(%arg5 : memref<25600xi32, #tpu.memory_space<vmem>>) target_semaphore(%run_scoped3A : memref<!tpu.dma_semaphore, #tpu.memory_space<semaphore_mem>>)
      %dma_wait3A_260 = arith.constant 0 : i32
      %dma_wait3A_261 = tpu.memref_slice %arg3[%add3A, %dma_wait3A_260] : memref<32x25600xi32, #tpu.memory_space<hbm>> -> memref<1x25600xi32, #tpu.memory_space<hbm>>
      %dma_wait3A_262 = tpu.memref_squeeze %dma_wait3A_261 : memref<1x25600xi32, #tpu.memory_space<hbm>> -> memref<25600xi32, #tpu.memory_space<hbm>>
      %dma_wait3A_263 = arith.constant 0 : i32
      %dma_wait3A_264 = tpu.memref_slice %arg3[%add3A, %dma_wait3A_263] : memref<32x25600xi32, #tpu.memory_space<hbm>> -> memref<1x25600xi32, #tpu.memory_space<hbm>>
      %dma_wait3A_265 = tpu.memref_squeeze %dma_wait3A_264 : memref<1x25600xi32, #tpu.memory_space<hbm>> -> memref<25600xi32, #tpu.memory_space<hbm>>
      tpu.wait_dma2 semaphore(%run_scoped3A : memref<!tpu.dma_semaphore, #tpu.memory_space<semaphore_mem>>) src(%dma_wait3A_265 : memref<25600xi32, #tpu.memory_space<hbm>>) dst(%arg5 : memref<25600xi32, #tpu.memory_space<vmem>>)
      tpu.yield
    }) : () -> ()
    %mul3A_1 = arith.constant 25600 : i32
    %mul3A_2 = arith.muli %add3A, %mul3A_1 : i32
    %dma_start3A = arith.constant 0 : i32
    %dma_start3A_3 = arith.constant 0 : i32
    %dma_start3A_4 = arith.constant 0 : i32
    %dma_start3A_5 = arith.constant 0 : i32
    %dma_start3A_6 = tpu.memref_slice %arg6[%dma_start3A, %dma_start3A_4, %dma_start3A_5] : memref<4x256x64xf32, #tpu.memory_space<vmem>> -> memref<1x256x64xf32, #tpu.memory_space<vmem>>
    %dma_start3A_7 = tpu.memref_squeeze %dma_start3A_6 : memref<1x256x64xf32, #tpu.memory_space<vmem>> -> memref<256x64xf32, #tpu.memory_space<vmem>>
    %dma_start3A_8 = arith.constant 0 : i32
    %dma_start3A_9 = tpu.memref_slice %arg5[%dma_start3A_8] : memref<25600xi32, #tpu.memory_space<vmem>> -> memref<256xi32, #tpu.memory_space<vmem>>
    %dma_start3A_10 = arith.constant 0 : i32
    %dma_start3A_11 = arith.constant 0 : i32
    %dma_start3A_12 = tpu.memref_slice %arg2[%dma_start3A_10, %dma_start3A_11] : memref<1000000x64xf32, #tpu.memory_space<hbm>> -> memref<1000000x64xf32, #tpu.memory_space<hbm>>
    %dma_start3A_13 = tpu.memref_slice %arg7[%dma_start3A_3] : memref<4x!tpu.dma_semaphore, #tpu.memory_space<semaphore_mem>> -> memref<1x!tpu.dma_semaphore, #tpu.memory_space<semaphore_mem>>
    %dma_start3A_14 = tpu.memref_squeeze %dma_start3A_13 : memref<1x!tpu.dma_semaphore, #tpu.memory_space<semaphore_mem>> -> memref<!tpu.dma_semaphore, #tpu.memory_space<semaphore_mem>>
    tpu.enqueue_indirect_dma source(%dma_start3A_12 : memref<1000000x64xf32, #tpu.memory_space<hbm>>) target(%dma_start3A_7 : memref<256x64xf32, #tpu.memory_space<vmem>>) offsets(%dma_start3A_9 : memref<256xi32, #tpu.memory_space<vmem>>) semaphore(%dma_start3A_14 : memref<!tpu.dma_semaphore, #tpu.memory_space<semaphore_mem>>)
    %dma_start3A_15 = arith.constant 1 : i32
    %dma_start3A_16 = arith.constant 1 : i32
    %dma_start3A_17 = arith.constant 0 : i32
    %dma_start3A_18 = arith.constant 0 : i32
    %dma_start3A_19 = tpu.memref_slice %arg6[%dma_start3A_15, %dma_start3A_17, %dma_start3A_18] : memref<4x256x64xf32, #tpu.memory_space<vmem>> -> memref<1x256x64xf32, #tpu.memory_space<vmem>>
    %dma_start3A_20 = tpu.memref_squeeze %dma_start3A_19 : memref<1x256x64xf32, #tpu.memory_space<vmem>> -> memref<256x64xf32, #tpu.memory_space<vmem>>
    %dma_start3A_21 = arith.constant 256 : i32
    %dma_start3A_22 = tpu.memref_slice %arg5[%dma_start3A_21] : memref<25600xi32, #tpu.memory_space<vmem>> -> memref<256xi32, #tpu.memory_space<vmem>>
    %dma_start3A_23 = arith.constant 0 : i32
    %dma_start3A_24 = arith.constant 0 : i32
    %dma_start3A_25 = tpu.memref_slice %arg2[%dma_start3A_23, %dma_start3A_24] : memref<1000000x64xf32, #tpu.memory_space<hbm>> -> memref<1000000x64xf32, #tpu.memory_space<hbm>>
    %dma_start3A_26 = tpu.memref_slice %arg7[%dma_start3A_16] : memref<4x!tpu.dma_semaphore, #tpu.memory_space<semaphore_mem>> -> memref<1x!tpu.dma_semaphore, #tpu.memory_space<semaphore_mem>>
    %dma_start3A_27 = tpu.memref_squeeze %dma_start3A_26 : memref<1x!tpu.dma_semaphore, #tpu.memory_space<semaphore_mem>> -> memref<!tpu.dma_semaphore, #tpu.memory_space<semaphore_mem>>
    tpu.enqueue_indirect_dma source(%dma_start3A_25 : memref<1000000x64xf32, #tpu.memory_space<hbm>>) target(%dma_start3A_20 : memref<256x64xf32, #tpu.memory_space<vmem>>) offsets(%dma_start3A_22 : memref<256xi32, #tpu.memory_space<vmem>>) semaphore(%dma_start3A_27 : memref<!tpu.dma_semaphore, #tpu.memory_space<semaphore_mem>>)
    %dma_start3A_28 = arith.constant 2 : i32
    %dma_start3A_29 = arith.constant 2 : i32
    %dma_start3A_30 = arith.constant 0 : i32
    %dma_start3A_31 = arith.constant 0 : i32
    %dma_start3A_32 = tpu.memref_slice %arg6[%dma_start3A_28, %dma_start3A_30, %dma_start3A_31] : memref<4x256x64xf32, #tpu.memory_space<vmem>> -> memref<1x256x64xf32, #tpu.memory_space<vmem>>
    %dma_start3A_33 = tpu.memref_squeeze %dma_start3A_32 : memref<1x256x64xf32, #tpu.memory_space<vmem>> -> memref<256x64xf32, #tpu.memory_space<vmem>>
    %dma_start3A_34 = arith.constant 512 : i32
    %dma_start3A_35 = tpu.memref_slice %arg5[%dma_start3A_34] : memref<25600xi32, #tpu.memory_space<vmem>> -> memref<256xi32, #tpu.memory_space<vmem>>
    %dma_start3A_36 = arith.constant 0 : i32
    %dma_start3A_37 = arith.constant 0 : i32
    %dma_start3A_38 = tpu.memref_slice %arg2[%dma_start3A_36, %dma_start3A_37] : memref<1000000x64xf32, #tpu.memory_space<hbm>> -> memref<1000000x64xf32, #tpu.memory_space<hbm>>
    %dma_start3A_39 = tpu.memref_slice %arg7[%dma_start3A_29] : memref<4x!tpu.dma_semaphore, #tpu.memory_space<semaphore_mem>> -> memref<1x!tpu.dma_semaphore, #tpu.memory_space<semaphore_mem>>
    %dma_start3A_40 = tpu.memref_squeeze %dma_start3A_39 : memref<1x!tpu.dma_semaphore, #tpu.memory_space<semaphore_mem>> -> memref<!tpu.dma_semaphore, #tpu.memory_space<semaphore_mem>>
    tpu.enqueue_indirect_dma source(%dma_start3A_38 : memref<1000000x64xf32, #tpu.memory_space<hbm>>) target(%dma_start3A_33 : memref<256x64xf32, #tpu.memory_space<vmem>>) offsets(%dma_start3A_35 : memref<256xi32, #tpu.memory_space<vmem>>) semaphore(%dma_start3A_40 : memref<!tpu.dma_semaphore, #tpu.memory_space<semaphore_mem>>)
    %dma_start3A_41 = arith.constant 3 : i32
    %dma_start3A_42 = arith.constant 3 : i32
    %dma_start3A_43 = arith.constant 0 : i32
    %dma_start3A_44 = arith.constant 0 : i32
    %dma_start3A_45 = tpu.memref_slice %arg6[%dma_start3A_41, %dma_start3A_43, %dma_start3A_44] : memref<4x256x64xf32, #tpu.memory_space<vmem>> -> memref<1x256x64xf32, #tpu.memory_space<vmem>>
    %dma_start3A_46 = tpu.memref_squeeze %dma_start3A_45 : memref<1x256x64xf32, #tpu.memory_space<vmem>> -> memref<256x64xf32, #tpu.memory_space<vmem>>
    %dma_start3A_47 = arith.constant 768 : i32
    %dma_start3A_48 = tpu.memref_slice %arg5[%dma_start3A_47] : memref<25600xi32, #tpu.memory_space<vmem>> -> memref<256xi32, #tpu.memory_space<vmem>>
    %dma_start3A_49 = arith.constant 0 : i32
    %dma_start3A_50 = arith.constant 0 : i32
    %dma_start3A_51 = tpu.memref_slice %arg2[%dma_start3A_49, %dma_start3A_50] : memref<1000000x64xf32, #tpu.memory_space<hbm>> -> memref<1000000x64xf32, #tpu.memory_space<hbm>>
    %dma_start3A_52 = tpu.memref_slice %arg7[%dma_start3A_42] : memref<4x!tpu.dma_semaphore, #tpu.memory_space<semaphore_mem>> -> memref<1x!tpu.dma_semaphore, #tpu.memory_space<semaphore_mem>>
    %dma_start3A_53 = tpu.memref_squeeze %dma_start3A_52 : memref<1x!tpu.dma_semaphore, #tpu.memory_space<semaphore_mem>> -> memref<!tpu.dma_semaphore, #tpu.memory_space<semaphore_mem>>
    tpu.enqueue_indirect_dma source(%dma_start3A_51 : memref<1000000x64xf32, #tpu.memory_space<hbm>>) target(%dma_start3A_46 : memref<256x64xf32, #tpu.memory_space<vmem>>) offsets(%dma_start3A_48 : memref<256xi32, #tpu.memory_space<vmem>>) semaphore(%dma_start3A_53 : memref<!tpu.dma_semaphore, #tpu.memory_space<semaphore_mem>>)
    %scan3A = arith.constant 0 : i32
    %scan3A_54 = arith.constant 0 : i32
    %scan3A_55 = arith.constant 24 : i32
    %scan3A_56 = arith.addi %scan3A_54, %scan3A_55 : i32
    %scan3A_57 = arith.constant 1 : i32
    scf.for %scan3A_254 = %scan3A_54 to %scan3A_56 step %scan3A_57  : i32 {
      %mul3A_255 = arith.constant 4 : i32
      %mul3A_256 = arith.muli %scan3A_254, %mul3A_255 : i32
      %add3A_257 = arith.constant 0 : i32
      %add3A_258 = arith.addi %mul3A_256, %add3A_257 : i32
      %mul3A_259 = arith.constant 256 : i32
      %mul3A_260 = arith.muli %add3A_258, %mul3A_259 : i32
      %dma_wait3A_261 = arith.constant 0 : i32
      %dma_wait3A_262 = arith.constant 0 : i32
      %dma_wait3A_263 = arith.constant 0 : i32
      %dma_wait3A_264 = arith.constant 0 : i32
      %dma_wait3A_265 = tpu.memref_slice %arg6[%dma_wait3A_261, %dma_wait3A_263, %dma_wait3A_264] : memref<4x256x64xf32, #tpu.memory_space<vmem>> -> memref<1x256x64xf32, #tpu.memory_space<vmem>>
      %dma_wait3A_266 = tpu.memref_squeeze %dma_wait3A_265 : memref<1x256x64xf32, #tpu.memory_space<vmem>> -> memref<256x64xf32, #tpu.memory_space<vmem>>
      %dma_wait3A_267 = tpu.memref_slice %arg5[%mul3A_260] : memref<25600xi32, #tpu.memory_space<vmem>> -> memref<256xi32, #tpu.memory_space<vmem>>
      %dma_wait3A_268 = arith.constant 0 : i32
      %dma_wait3A_269 = arith.constant 0 : i32
      %dma_wait3A_270 = tpu.memref_slice %arg2[%dma_wait3A_268, %dma_wait3A_269] : memref<1000000x64xf32, #tpu.memory_space<hbm>> -> memref<1000000x64xf32, #tpu.memory_space<hbm>>
      %dma_wait3A_271 = tpu.memref_slice %arg7[%dma_wait3A_262] : memref<4x!tpu.dma_semaphore, #tpu.memory_space<semaphore_mem>> -> memref<1x!tpu.dma_semaphore, #tpu.memory_space<semaphore_mem>>
      %dma_wait3A_272 = tpu.memref_squeeze %dma_wait3A_271 : memref<1x!tpu.dma_semaphore, #tpu.memory_space<semaphore_mem>> -> memref<!tpu.dma_semaphore, #tpu.memory_space<semaphore_mem>>
      tpu.wait_indirect_dma semaphore(%dma_wait3A_272 : memref<!tpu.dma_semaphore, #tpu.memory_space<semaphore_mem>>) src(%dma_wait3A_270 : memref<1000000x64xf32, #tpu.memory_space<hbm>>) dst(%dma_wait3A_266 : memref<256x64xf32, #tpu.memory_space<vmem>>)
      %mul3A_273 = arith.constant 256 : i32
      %mul3A_274 = arith.muli %add3A_258, %mul3A_273 : i32
      %add3A_275 = arith.addi %mul3A_2, %mul3A_274 : i32
      %dma_start3A_276 = arith.constant 0 : i32
      %dma_start3A_277 = arith.constant 0 : i32
      %dma_start3A_278 = arith.constant 0 : i32
      %dma_start3A_279 = arith.constant 0 : i32
      %dma_start3A_280 = tpu.memref_slice %arg6[%dma_start3A_276, %dma_start3A_278, %dma_start3A_279] : memref<4x256x64xf32, #tpu.memory_space<vmem>> -> memref<1x256x64xf32, #tpu.memory_space<vmem>>
      %dma_start3A_281 = tpu.memref_squeeze %dma_start3A_280 : memref<1x256x64xf32, #tpu.memory_space<vmem>> -> memref<256x64xf32, #tpu.memory_space<vmem>>
      %dma_start3A_282 = arith.constant 0 : i32
      %dma_start3A_283 = tpu.memref_slice %arg4[%add3A_275, %dma_start3A_282] : memref<819200x64xf32, #tpu.memory_space<hbm>> -> memref<256x64xf32, #tpu.memory_space<hbm>>
      %dma_start3A_284 = tpu.memref_slice %arg8[%dma_start3A_277] : memref<4x!tpu.dma_semaphore, #tpu.memory_space<semaphore_mem>> -> memref<1x!tpu.dma_semaphore, #tpu.memory_space<semaphore_mem>>
      %dma_start3A_285 = tpu.memref_squeeze %dma_start3A_284 : memref<1x!tpu.dma_semaphore, #tpu.memory_space<semaphore_mem>> -> memref<!tpu.dma_semaphore, #tpu.memory_space<semaphore_mem>>
      %dma_start3A_286 = arith.constant 0 : i32
      %dma_start3A_287 = tpu.memref_slice %arg4[%add3A_275, %dma_start3A_286] : memref<819200x64xf32, #tpu.memory_space<hbm>> -> memref<256x64xf32, #tpu.memory_space<hbm>>
      %dma_start3A_288 = arith.constant 0 : i32
      %dma_start3A_289 = arith.constant 0 : i32
      %dma_start3A_290 = tpu.memref_slice %arg6[%dma_start3A_276, %dma_start3A_288, %dma_start3A_289] : memref<4x256x64xf32, #tpu.memory_space<vmem>> -> memref<1x256x64xf32, #tpu.memory_space<vmem>>
      %dma_start3A_291 = tpu.memref_squeeze %dma_start3A_290 : memref<1x256x64xf32, #tpu.memory_space<vmem>> -> memref<256x64xf32, #tpu.memory_space<vmem>>
      tpu.enqueue_dma source(%dma_start3A_291 : memref<256x64xf32, #tpu.memory_space<vmem>>) target(%dma_start3A_287 : memref<256x64xf32, #tpu.memory_space<hbm>>) target_semaphore(%dma_start3A_285 : memref<!tpu.dma_semaphore, #tpu.memory_space<semaphore_mem>>)
      %mul3A_292 = arith.constant 256 : i32
      %mul3A_293 = arith.muli %add3A_258, %mul3A_292 : i32
      %add3A_294 = arith.addi %mul3A_2, %mul3A_293 : i32
      %dma_wait3A_295 = arith.constant 0 : i32
      %dma_wait3A_296 = arith.constant 0 : i32
      %dma_wait3A_297 = arith.constant 0 : i32
      %dma_wait3A_298 = arith.constant 0 : i32
      %dma_wait3A_299 = tpu.memref_slice %arg6[%dma_wait3A_295, %dma_wait3A_297, %dma_wait3A_298] : memref<4x256x64xf32, #tpu.memory_space<vmem>> -> memref<1x256x64xf32, #tpu.memory_space<vmem>>
      %dma_wait3A_300 = tpu.memref_squeeze %dma_wait3A_299 : memref<1x256x64xf32, #tpu.memory_space<vmem>> -> memref<256x64xf32, #tpu.memory_space<vmem>>
      %dma_wait3A_301 = arith.constant 0 : i32
      %dma_wait3A_302 = tpu.memref_slice %arg4[%add3A_294, %dma_wait3A_301] : memref<819200x64xf32, #tpu.memory_space<hbm>> -> memref<256x64xf32, #tpu.memory_space<hbm>>
      %dma_wait3A_303 = tpu.memref_slice %arg8[%dma_wait3A_296] : memref<4x!tpu.dma_semaphore, #tpu.memory_space<semaphore_mem>> -> memref<1x!tpu.dma_semaphore, #tpu.memory_space<semaphore_mem>>
      %dma_wait3A_304 = tpu.memref_squeeze %dma_wait3A_303 : memref<1x!tpu.dma_semaphore, #tpu.memory_space<semaphore_mem>> -> memref<!tpu.dma_semaphore, #tpu.memory_space<semaphore_mem>>
      %dma_wait3A_305 = arith.constant 0 : i32
      %dma_wait3A_306 = tpu.memref_slice %arg4[%add3A_294, %dma_wait3A_305] : memref<819200x64xf32, #tpu.memory_space<hbm>> -> memref<256x64xf32, #tpu.memory_space<hbm>>
      %dma_wait3A_307 = arith.constant 0 : i32
      %dma_wait3A_308 = arith.constant 0 : i32
      %dma_wait3A_309 = tpu.memref_slice %arg6[%dma_wait3A_295, %dma_wait3A_307, %dma_wait3A_308] : memref<4x256x64xf32, #tpu.memory_space<vmem>> -> memref<1x256x64xf32, #tpu.memory_space<vmem>>
      %dma_wait3A_310 = tpu.memref_squeeze %dma_wait3A_309 : memref<1x256x64xf32, #tpu.memory_space<vmem>> -> memref<256x64xf32, #tpu.memory_space<vmem>>
      tpu.wait_dma2 semaphore(%dma_wait3A_304 : memref<!tpu.dma_semaphore, #tpu.memory_space<semaphore_mem>>) src(%dma_wait3A_310 : memref<256x64xf32, #tpu.memory_space<vmem>>) dst(%dma_wait3A_306 : memref<256x64xf32, #tpu.memory_space<hbm>>)
      %add3A_311 = arith.constant 4 : i32
      %add3A_312 = arith.addi %add3A_258, %add3A_311 : i32
      %mul3A_313 = arith.constant 256 : i32
      %mul3A_314 = arith.muli %add3A_312, %mul3A_313 : i32
      %dma_start3A_315 = arith.constant 0 : i32
      %dma_start3A_316 = arith.constant 0 : i32
      %dma_start3A_317 = arith.constant 0 : i32
      %dma_start3A_318 = arith.constant 0 : i32
      %dma_start3A_319 = tpu.memref_slice %arg6[%dma_start3A_315, %dma_start3A_317, %dma_start3A_318] : memref<4x256x64xf32, #tpu.memory_space<vmem>> -> memref<1x256x64xf32, #tpu.memory_space<vmem>>
      %dma_start3A_320 = tpu.memref_squeeze %dma_start3A_319 : memref<1x256x64xf32, #tpu.memory_space<vmem>> -> memref<256x64xf32, #tpu.memory_space<vmem>>
      %dma_start3A_321 = tpu.memref_slice %arg5[%mul3A_314] : memref<25600xi32, #tpu.memory_space<vmem>> -> memref<256xi32, #tpu.memory_space<vmem>>
      %dma_start3A_322 = arith.constant 0 : i32
      %dma_start3A_323 = arith.constant 0 : i32
      %dma_start3A_324 = tpu.memref_slice %arg2[%dma_start3A_322, %dma_start3A_323] : memref<1000000x64xf32, #tpu.memory_space<hbm>> -> memref<1000000x64xf32, #tpu.memory_space<hbm>>
      %dma_start3A_325 = tpu.memref_slice %arg7[%dma_start3A_316] : memref<4x!tpu.dma_semaphore, #tpu.memory_space<semaphore_mem>> -> memref<1x!tpu.dma_semaphore, #tpu.memory_space<semaphore_mem>>
      %dma_start3A_326 = tpu.memref_squeeze %dma_start3A_325 : memref<1x!tpu.dma_semaphore, #tpu.memory_space<semaphore_mem>> -> memref<!tpu.dma_semaphore, #tpu.memory_space<semaphore_mem>>
      tpu.enqueue_indirect_dma source(%dma_start3A_324 : memref<1000000x64xf32, #tpu.memory_space<hbm>>) target(%dma_start3A_320 : memref<256x64xf32, #tpu.memory_space<vmem>>) offsets(%dma_start3A_321 : memref<256xi32, #tpu.memory_space<vmem>>) semaphore(%dma_start3A_326 : memref<!tpu.dma_semaphore, #tpu.memory_space<semaphore_mem>>)
      %mul3A_327 = arith.constant 4 : i32
      %mul3A_328 = arith.muli %scan3A_254, %mul3A_327 : i32
      %add3A_329 = arith.constant 1 : i32
      %add3A_330 = arith.addi %mul3A_328, %add3A_329 : i32
      %mul3A_331 = arith.constant 256 : i32
      %mul3A_332 = arith.muli %add3A_330, %mul3A_331 : i32
      %dma_wait3A_333 = arith.constant 1 : i32
      %dma_wait3A_334 = arith.constant 1 : i32
      %dma_wait3A_335 = arith.constant 0 : i32
      %dma_wait3A_336 = arith.constant 0 : i32
      %dma_wait3A_337 = tpu.memref_slice %arg6[%dma_wait3A_333, %dma_wait3A_335, %dma_wait3A_336] : memref<4x256x64xf32, #tpu.memory_space<vmem>> -> memref<1x256x64xf32, #tpu.memory_space<vmem>>
      %dma_wait3A_338 = tpu.memref_squeeze %dma_wait3A_337 : memref<1x256x64xf32, #tpu.memory_space<vmem>> -> memref<256x64xf32, #tpu.memory_space<vmem>>
      %dma_wait3A_339 = tpu.memref_slice %arg5[%mul3A_332] : memref<25600xi32, #tpu.memory_space<vmem>> -> memref<256xi32, #tpu.memory_space<vmem>>
      %dma_wait3A_340 = arith.constant 0 : i32
      %dma_wait3A_341 = arith.constant 0 : i32
      %dma_wait3A_342 = tpu.memref_slice %arg2[%dma_wait3A_340, %dma_wait3A_341] : memref<1000000x64xf32, #tpu.memory_space<hbm>> -> memref<1000000x64xf32, #tpu.memory_space<hbm>>
      %dma_wait3A_343 = tpu.memref_slice %arg7[%dma_wait3A_334] : memref<4x!tpu.dma_semaphore, #tpu.memory_space<semaphore_mem>> -> memref<1x!tpu.dma_semaphore, #tpu.memory_space<semaphore_mem>>
      %dma_wait3A_344 = tpu.memref_squeeze %dma_wait3A_343 : memref<1x!tpu.dma_semaphore, #tpu.memory_space<semaphore_mem>> -> memref<!tpu.dma_semaphore, #tpu.memory_space<semaphore_mem>>
      tpu.wait_indirect_dma semaphore(%dma_wait3A_344 : memref<!tpu.dma_semaphore, #tpu.memory_space<semaphore_mem>>) src(%dma_wait3A_342 : memref<1000000x64xf32, #tpu.memory_space<hbm>>) dst(%dma_wait3A_338 : memref<256x64xf32, #tpu.memory_space<vmem>>)
      %mul3A_345 = arith.constant 256 : i32
      %mul3A_346 = arith.muli %add3A_330, %mul3A_345 : i32
      %add3A_347 = arith.addi %mul3A_2, %mul3A_346 : i32
      %dma_start3A_348 = arith.constant 1 : i32
      %dma_start3A_349 = arith.constant 1 : i32
      %dma_start3A_350 = arith.constant 0 : i32
      %dma_start3A_351 = arith.constant 0 : i32
      %dma_start3A_352 = tpu.memref_slice %arg6[%dma_start3A_348, %dma_start3A_350, %dma_start3A_351] : memref<4x256x64xf32, #tpu.memory_space<vmem>> -> memref<1x256x64xf32, #tpu.memory_space<vmem>>
      %dma_start3A_353 = tpu.memref_squeeze %dma_start3A_352 : memref<1x256x64xf32, #tpu.memory_space<vmem>> -> memref<256x64xf32, #tpu.memory_space<vmem>>
      %dma_start3A_354 = arith.constant 0 : i32
      %dma_start3A_355 = tpu.memref_slice %arg4[%add3A_347, %dma_start3A_354] : memref<819200x64xf32, #tpu.memory_space<hbm>> -> memref<256x64xf32, #tpu.memory_space<hbm>>
      %dma_start3A_356 = tpu.memref_slice %arg8[%dma_start3A_349] : memref<4x!tpu.dma_semaphore, #tpu.memory_space<semaphore_mem>> -> memref<1x!tpu.dma_semaphore, #tpu.memory_space<semaphore_mem>>
      %dma_start3A_357 = tpu.memref_squeeze %dma_start3A_356 : memref<1x!tpu.dma_semaphore, #tpu.memory_space<semaphore_mem>> -> memref<!tpu.dma_semaphore, #tpu.memory_space<semaphore_mem>>
      %dma_start3A_358 = arith.constant 0 : i32
      %dma_start3A_359 = tpu.memref_slice %arg4[%add3A_347, %dma_start3A_358] : memref<819200x64xf32, #tpu.memory_space<hbm>> -> memref<256x64xf32, #tpu.memory_space<hbm>>
      %dma_start3A_360 = arith.constant 0 : i32
      %dma_start3A_361 = arith.constant 0 : i32
      %dma_start3A_362 = tpu.memref_slice %arg6[%dma_start3A_348, %dma_start3A_360, %dma_start3A_361] : memref<4x256x64xf32, #tpu.memory_space<vmem>> -> memref<1x256x64xf32, #tpu.memory_space<vmem>>
      %dma_start3A_363 = tpu.memref_squeeze %dma_start3A_362 : memref<1x256x64xf32, #tpu.memory_space<vmem>> -> memref<256x64xf32, #tpu.memory_space<vmem>>
      tpu.enqueue_dma source(%dma_start3A_363 : memref<256x64xf32, #tpu.memory_space<vmem>>) target(%dma_start3A_359 : memref<256x64xf32, #tpu.memory_space<hbm>>) target_semaphore(%dma_start3A_357 : memref<!tpu.dma_semaphore, #tpu.memory_space<semaphore_mem>>)
      %mul3A_364 = arith.constant 256 : i32
      %mul3A_365 = arith.muli %add3A_330, %mul3A_364 : i32
      %add3A_366 = arith.addi %mul3A_2, %mul3A_365 : i32
      %dma_wait3A_367 = arith.constant 1 : i32
      %dma_wait3A_368 = arith.constant 1 : i32
      %dma_wait3A_369 = arith.constant 0 : i32
      %dma_wait3A_370 = arith.constant 0 : i32
      %dma_wait3A_371 = tpu.memref_slice %arg6[%dma_wait3A_367, %dma_wait3A_369, %dma_wait3A_370] : memref<4x256x64xf32, #tpu.memory_space<vmem>> -> memref<1x256x64xf32, #tpu.memory_space<vmem>>
      %dma_wait3A_372 = tpu.memref_squeeze %dma_wait3A_371 : memref<1x256x64xf32, #tpu.memory_space<vmem>> -> memref<256x64xf32, #tpu.memory_space<vmem>>
      %dma_wait3A_373 = arith.constant 0 : i32
      %dma_wait3A_374 = tpu.memref_slice %arg4[%add3A_366, %dma_wait3A_373] : memref<819200x64xf32, #tpu.memory_space<hbm>> -> memref<256x64xf32, #tpu.memory_space<hbm>>
      %dma_wait3A_375 = tpu.memref_slice %arg8[%dma_wait3A_368] : memref<4x!tpu.dma_semaphore, #tpu.memory_space<semaphore_mem>> -> memref<1x!tpu.dma_semaphore, #tpu.memory_space<semaphore_mem>>
      %dma_wait3A_376 = tpu.memref_squeeze %dma_wait3A_375 : memref<1x!tpu.dma_semaphore, #tpu.memory_space<semaphore_mem>> -> memref<!tpu.dma_semaphore, #tpu.memory_space<semaphore_mem>>
      %dma_wait3A_377 = arith.constant 0 : i32
      %dma_wait3A_378 = tpu.memref_slice %arg4[%add3A_366, %dma_wait3A_377] : memref<819200x64xf32, #tpu.memory_space<hbm>> -> memref<256x64xf32, #tpu.memory_space<hbm>>
      %dma_wait3A_379 = arith.constant 0 : i32
      %dma_wait3A_380 = arith.constant 0 : i32
      %dma_wait3A_381 = tpu.memref_slice %arg6[%dma_wait3A_367, %dma_wait3A_379, %dma_wait3A_380] : memref<4x256x64xf32, #tpu.memory_space<vmem>> -> memref<1x256x64xf32, #tpu.memory_space<vmem>>
      %dma_wait3A_382 = tpu.memref_squeeze %dma_wait3A_381 : memref<1x256x64xf32, #tpu.memory_space<vmem>> -> memref<256x64xf32, #tpu.memory_space<vmem>>
      tpu.wait_dma2 semaphore(%dma_wait3A_376 : memref<!tpu.dma_semaphore, #tpu.memory_space<semaphore_mem>>) src(%dma_wait3A_382 : memref<256x64xf32, #tpu.memory_space<vmem>>) dst(%dma_wait3A_378 : memref<256x64xf32, #tpu.memory_space<hbm>>)
      %add3A_383 = arith.constant 4 : i32
      %add3A_384 = arith.addi %add3A_330, %add3A_383 : i32
      %mul3A_385 = arith.constant 256 : i32
      %mul3A_386 = arith.muli %add3A_384, %mul3A_385 : i32
      %dma_start3A_387 = arith.constant 1 : i32
      %dma_start3A_388 = arith.constant 1 : i32
      %dma_start3A_389 = arith.constant 0 : i32
      %dma_start3A_390 = arith.constant 0 : i32
      %dma_start3A_391 = tpu.memref_slice %arg6[%dma_start3A_387, %dma_start3A_389, %dma_start3A_390] : memref<4x256x64xf32, #tpu.memory_space<vmem>> -> memref<1x256x64xf32, #tpu.memory_space<vmem>>
      %dma_start3A_392 = tpu.memref_squeeze %dma_start3A_391 : memref<1x256x64xf32, #tpu.memory_space<vmem>> -> memref<256x64xf32, #tpu.memory_space<vmem>>
      %dma_start3A_393 = tpu.memref_slice %arg5[%mul3A_386] : memref<25600xi32, #tpu.memory_space<vmem>> -> memref<256xi32, #tpu.memory_space<vmem>>
      %dma_start3A_394 = arith.constant 0 : i32
      %dma_start3A_395 = arith.constant 0 : i32
      %dma_start3A_396 = tpu.memref_slice %arg2[%dma_start3A_394, %dma_start3A_395] : memref<1000000x64xf32, #tpu.memory_space<hbm>> -> memref<1000000x64xf32, #tpu.memory_space<hbm>>
      %dma_start3A_397 = tpu.memref_slice %arg7[%dma_start3A_388] : memref<4x!tpu.dma_semaphore, #tpu.memory_space<semaphore_mem>> -> memref<1x!tpu.dma_semaphore, #tpu.memory_space<semaphore_mem>>
      %dma_start3A_398 = tpu.memref_squeeze %dma_start3A_397 : memref<1x!tpu.dma_semaphore, #tpu.memory_space<semaphore_mem>> -> memref<!tpu.dma_semaphore, #tpu.memory_space<semaphore_mem>>
      tpu.enqueue_indirect_dma source(%dma_start3A_396 : memref<1000000x64xf32, #tpu.memory_space<hbm>>) target(%dma_start3A_392 : memref<256x64xf32, #tpu.memory_space<vmem>>) offsets(%dma_start3A_393 : memref<256xi32, #tpu.memory_space<vmem>>) semaphore(%dma_start3A_398 : memref<!tpu.dma_semaphore, #tpu.memory_space<semaphore_mem>>)
      %mul3A_399 = arith.constant 4 : i32
      %mul3A_400 = arith.muli %scan3A_254, %mul3A_399 : i32
      %add3A_401 = arith.constant 2 : i32
      %add3A_402 = arith.addi %mul3A_400, %add3A_401 : i32
      %mul3A_403 = arith.constant 256 : i32
      %mul3A_404 = arith.muli %add3A_402, %mul3A_403 : i32
      %dma_wait3A_405 = arith.constant 2 : i32
      %dma_wait3A_406 = arith.constant 2 : i32
      %dma_wait3A_407 = arith.constant 0 : i32
      %dma_wait3A_408 = arith.constant 0 : i32
      %dma_wait3A_409 = tpu.memref_slice %arg6[%dma_wait3A_405, %dma_wait3A_407, %dma_wait3A_408] : memref<4x256x64xf32, #tpu.memory_space<vmem>> -> memref<1x256x64xf32, #tpu.memory_space<vmem>>
      %dma_wait3A_410 = tpu.memref_squeeze %dma_wait3A_409 : memref<1x256x64xf32, #tpu.memory_space<vmem>> -> memref<256x64xf32, #tpu.memory_space<vmem>>
      %dma_wait3A_411 = tpu.memref_slice %arg5[%mul3A_404] : memref<25600xi32, #tpu.memory_space<vmem>> -> memref<256xi32, #tpu.memory_space<vmem>>
      %dma_wait3A_412 = arith.constant 0 : i32
      %dma_wait3A_413 = arith.constant 0 : i32
      %dma_wait3A_414 = tpu.memref_slice %arg2[%dma_wait3A_412, %dma_wait3A_413] : memref<1000000x64xf32, #tpu.memory_space<hbm>> -> memref<1000000x64xf32, #tpu.memory_space<hbm>>
      %dma_wait3A_415 = tpu.memref_slice %arg7[%dma_wait3A_406] : memref<4x!tpu.dma_semaphore, #tpu.memory_space<semaphore_mem>> -> memref<1x!tpu.dma_semaphore, #tpu.memory_space<semaphore_mem>>
      %dma_wait3A_416 = tpu.memref_squeeze %dma_wait3A_415 : memref<1x!tpu.dma_semaphore, #tpu.memory_space<semaphore_mem>> -> memref<!tpu.dma_semaphore, #tpu.memory_space<semaphore_mem>>
      tpu.wait_indirect_dma semaphore(%dma_wait3A_416 : memref<!tpu.dma_semaphore, #tpu.memory_space<semaphore_mem>>) src(%dma_wait3A_414 : memref<1000000x64xf32, #tpu.memory_space<hbm>>) dst(%dma_wait3A_410 : memref<256x64xf32, #tpu.memory_space<vmem>>)
      %mul3A_417 = arith.constant 256 : i32
      %mul3A_418 = arith.muli %add3A_402, %mul3A_417 : i32
      %add3A_419 = arith.addi %mul3A_2, %mul3A_418 : i32
      %dma_start3A_420 = arith.constant 2 : i32
      %dma_start3A_421 = arith.constant 2 : i32
      %dma_start3A_422 = arith.constant 0 : i32
      %dma_start3A_423 = arith.constant 0 : i32
      %dma_start3A_424 = tpu.memref_slice %arg6[%dma_start3A_420, %dma_start3A_422, %dma_start3A_423] : memref<4x256x64xf32, #tpu.memory_space<vmem>> -> memref<1x256x64xf32, #tpu.memory_space<vmem>>
      %dma_start3A_425 = tpu.memref_squeeze %dma_start3A_424 : memref<1x256x64xf32, #tpu.memory_space<vmem>> -> memref<256x64xf32, #tpu.memory_space<vmem>>
      %dma_start3A_426 = arith.constant 0 : i32
      %dma_start3A_427 = tpu.memref_slice %arg4[%add3A_419, %dma_start3A_426] : memref<819200x64xf32, #tpu.memory_space<hbm>> -> memref<256x64xf32, #tpu.memory_space<hbm>>
      %dma_start3A_428 = tpu.memref_slice %arg8[%dma_start3A_421] : memref<4x!tpu.dma_semaphore, #tpu.memory_space<semaphore_mem>> -> memref<1x!tpu.dma_semaphore, #tpu.memory_space<semaphore_mem>>
      %dma_start3A_429 = tpu.memref_squeeze %dma_start3A_428 : memref<1x!tpu.dma_semaphore, #tpu.memory_space<semaphore_mem>> -> memref<!tpu.dma_semaphore, #tpu.memory_space<semaphore_mem>>
      %dma_start3A_430 = arith.constant 0 : i32
      %dma_start3A_431 = tpu.memref_slice %arg4[%add3A_419, %dma_start3A_430] : memref<819200x64xf32, #tpu.memory_space<hbm>> -> memref<256x64xf32, #tpu.memory_space<hbm>>
      %dma_start3A_432 = arith.constant 0 : i32
      %dma_start3A_433 = arith.constant 0 : i32
      %dma_start3A_434 = tpu.memref_slice %arg6[%dma_start3A_420, %dma_start3A_432, %dma_start3A_433] : memref<4x256x64xf32, #tpu.memory_space<vmem>> -> memref<1x256x64xf32, #tpu.memory_space<vmem>>
      %dma_start3A_435 = tpu.memref_squeeze %dma_start3A_434 : memref<1x256x64xf32, #tpu.memory_space<vmem>> -> memref<256x64xf32, #tpu.memory_space<vmem>>
      tpu.enqueue_dma source(%dma_start3A_435 : memref<256x64xf32, #tpu.memory_space<vmem>>) target(%dma_start3A_431 : memref<256x64xf32, #tpu.memory_space<hbm>>) target_semaphore(%dma_start3A_429 : memref<!tpu.dma_semaphore, #tpu.memory_space<semaphore_mem>>)
      %mul3A_436 = arith.constant 256 : i32
      %mul3A_437 = arith.muli %add3A_402, %mul3A_436 : i32
      %add3A_438 = arith.addi %mul3A_2, %mul3A_437 : i32
      %dma_wait3A_439 = arith.constant 2 : i32
      %dma_wait3A_440 = arith.constant 2 : i32
      %dma_wait3A_441 = arith.constant 0 : i32
      %dma_wait3A_442 = arith.constant 0 : i32
      %dma_wait3A_443 = tpu.memref_slice %arg6[%dma_wait3A_439, %dma_wait3A_441, %dma_wait3A_442] : memref<4x256x64xf32, #tpu.memory_space<vmem>> -> memref<1x256x64xf32, #tpu.memory_space<vmem>>
      %dma_wait3A_444 = tpu.memref_squeeze %dma_wait3A_443 : memref<1x256x64xf32, #tpu.memory_space<vmem>> -> memref<256x64xf32, #tpu.memory_space<vmem>>
      %dma_wait3A_445 = arith.constant 0 : i32
      %dma_wait3A_446 = tpu.memref_slice %arg4[%add3A_438, %dma_wait3A_445] : memref<819200x64xf32, #tpu.memory_space<hbm>> -> memref<256x64xf32, #tpu.memory_space<hbm>>
      %dma_wait3A_447 = tpu.memref_slice %arg8[%dma_wait3A_440] : memref<4x!tpu.dma_semaphore, #tpu.memory_space<semaphore_mem>> -> memref<1x!tpu.dma_semaphore, #tpu.memory_space<semaphore_mem>>
      %dma_wait3A_448 = tpu.memref_squeeze %dma_wait3A_447 : memref<1x!tpu.dma_semaphore, #tpu.memory_space<semaphore_mem>> -> memref<!tpu.dma_semaphore, #tpu.memory_space<semaphore_mem>>
      %dma_wait3A_449 = arith.constant 0 : i32
      %dma_wait3A_450 = tpu.memref_slice %arg4[%add3A_438, %dma_wait3A_449] : memref<819200x64xf32, #tpu.memory_space<hbm>> -> memref<256x64xf32, #tpu.memory_space<hbm>>
      %dma_wait3A_451 = arith.constant 0 : i32
      %dma_wait3A_452 = arith.constant 0 : i32
      %dma_wait3A_453 = tpu.memref_slice %arg6[%dma_wait3A_439, %dma_wait3A_451, %dma_wait3A_452] : memref<4x256x64xf32, #tpu.memory_space<vmem>> -> memref<1x256x64xf32, #tpu.memory_space<vmem>>
      %dma_wait3A_454 = tpu.memref_squeeze %dma_wait3A_453 : memref<1x256x64xf32, #tpu.memory_space<vmem>> -> memref<256x64xf32, #tpu.memory_space<vmem>>
      tpu.wait_dma2 semaphore(%dma_wait3A_448 : memref<!tpu.dma_semaphore, #tpu.memory_space<semaphore_mem>>) src(%dma_wait3A_454 : memref<256x64xf32, #tpu.memory_space<vmem>>) dst(%dma_wait3A_450 : memref<256x64xf32, #tpu.memory_space<hbm>>)
      %add3A_455 = arith.constant 4 : i32
      %add3A_456 = arith.addi %add3A_402, %add3A_455 : i32
      %mul3A_457 = arith.constant 256 : i32
      %mul3A_458 = arith.muli %add3A_456, %mul3A_457 : i32
      %dma_start3A_459 = arith.constant 2 : i32
      %dma_start3A_460 = arith.constant 2 : i32
      %dma_start3A_461 = arith.constant 0 : i32
      %dma_start3A_462 = arith.constant 0 : i32
      %dma_start3A_463 = tpu.memref_slice %arg6[%dma_start3A_459, %dma_start3A_461, %dma_start3A_462] : memref<4x256x64xf32, #tpu.memory_space<vmem>> -> memref<1x256x64xf32, #tpu.memory_space<vmem>>
      %dma_start3A_464 = tpu.memref_squeeze %dma_start3A_463 : memref<1x256x64xf32, #tpu.memory_space<vmem>> -> memref<256x64xf32, #tpu.memory_space<vmem>>
      %dma_start3A_465 = tpu.memref_slice %arg5[%mul3A_458] : memref<25600xi32, #tpu.memory_space<vmem>> -> memref<256xi32, #tpu.memory_space<vmem>>
      %dma_start3A_466 = arith.constant 0 : i32
      %dma_start3A_467 = arith.constant 0 : i32
      %dma_start3A_468 = tpu.memref_slice %arg2[%dma_start3A_466, %dma_start3A_467] : memref<1000000x64xf32, #tpu.memory_space<hbm>> -> memref<1000000x64xf32, #tpu.memory_space<hbm>>
      %dma_start3A_469 = tpu.memref_slice %arg7[%dma_start3A_460] : memref<4x!tpu.dma_semaphore, #tpu.memory_space<semaphore_mem>> -> memref<1x!tpu.dma_semaphore, #tpu.memory_space<semaphore_mem>>
      %dma_start3A_470 = tpu.memref_squeeze %dma_start3A_469 : memref<1x!tpu.dma_semaphore, #tpu.memory_space<semaphore_mem>> -> memref<!tpu.dma_semaphore, #tpu.memory_space<semaphore_mem>>
      tpu.enqueue_indirect_dma source(%dma_start3A_468 : memref<1000000x64xf32, #tpu.memory_space<hbm>>) target(%dma_start3A_464 : memref<256x64xf32, #tpu.memory_space<vmem>>) offsets(%dma_start3A_465 : memref<256xi32, #tpu.memory_space<vmem>>) semaphore(%dma_start3A_470 : memref<!tpu.dma_semaphore, #tpu.memory_space<semaphore_mem>>)
      %mul3A_471 = arith.constant 4 : i32
      %mul3A_472 = arith.muli %scan3A_254, %mul3A_471 : i32
      %add3A_473 = arith.constant 3 : i32
      %add3A_474 = arith.addi %mul3A_472, %add3A_473 : i32
      %mul3A_475 = arith.constant 256 : i32
      %mul3A_476 = arith.muli %add3A_474, %mul3A_475 : i32
      %dma_wait3A_477 = arith.constant 3 : i32
      %dma_wait3A_478 = arith.constant 3 : i32
      %dma_wait3A_479 = arith.constant 0 : i32
      %dma_wait3A_480 = arith.constant 0 : i32
      %dma_wait3A_481 = tpu.memref_slice %arg6[%dma_wait3A_477, %dma_wait3A_479, %dma_wait3A_480] : memref<4x256x64xf32, #tpu.memory_space<vmem>> -> memref<1x256x64xf32, #tpu.memory_space<vmem>>
      %dma_wait3A_482 = tpu.memref_squeeze %dma_wait3A_481 : memref<1x256x64xf32, #tpu.memory_space<vmem>> -> memref<256x64xf32, #tpu.memory_space<vmem>>
      %dma_wait3A_483 = tpu.memref_slice %arg5[%mul3A_476] : memref<25600xi32, #tpu.memory_space<vmem>> -> memref<256xi32, #tpu.memory_space<vmem>>
      %dma_wait3A_484 = arith.constant 0 : i32
      %dma_wait3A_485 = arith.constant 0 : i32
      %dma_wait3A_486 = tpu.memref_slice %arg2[%dma_wait3A_484, %dma_wait3A_485] : memref<1000000x64xf32, #tpu.memory_space<hbm>> -> memref<1000000x64xf32, #tpu.memory_space<hbm>>
      %dma_wait3A_487 = tpu.memref_slice %arg7[%dma_wait3A_478] : memref<4x!tpu.dma_semaphore, #tpu.memory_space<semaphore_mem>> -> memref<1x!tpu.dma_semaphore, #tpu.memory_space<semaphore_mem>>
      %dma_wait3A_488 = tpu.memref_squeeze %dma_wait3A_487 : memref<1x!tpu.dma_semaphore, #tpu.memory_space<semaphore_mem>> -> memref<!tpu.dma_semaphore, #tpu.memory_space<semaphore_mem>>
      tpu.wait_indirect_dma semaphore(%dma_wait3A_488 : memref<!tpu.dma_semaphore, #tpu.memory_space<semaphore_mem>>) src(%dma_wait3A_486 : memref<1000000x64xf32, #tpu.memory_space<hbm>>) dst(%dma_wait3A_482 : memref<256x64xf32, #tpu.memory_space<vmem>>)
      %mul3A_489 = arith.constant 256 : i32
      %mul3A_490 = arith.muli %add3A_474, %mul3A_489 : i32
      %add3A_491 = arith.addi %mul3A_2, %mul3A_490 : i32
      %dma_start3A_492 = arith.constant 3 : i32
      %dma_start3A_493 = arith.constant 3 : i32
      %dma_start3A_494 = arith.constant 0 : i32
      %dma_start3A_495 = arith.constant 0 : i32
      %dma_start3A_496 = tpu.memref_slice %arg6[%dma_start3A_492, %dma_start3A_494, %dma_start3A_495] : memref<4x256x64xf32, #tpu.memory_space<vmem>> -> memref<1x256x64xf32, #tpu.memory_space<vmem>>
      %dma_start3A_497 = tpu.memref_squeeze %dma_start3A_496 : memref<1x256x64xf32, #tpu.memory_space<vmem>> -> memref<256x64xf32, #tpu.memory_space<vmem>>
      %dma_start3A_498 = arith.constant 0 : i32
      %dma_start3A_499 = tpu.memref_slice %arg4[%add3A_491, %dma_start3A_498] : memref<819200x64xf32, #tpu.memory_space<hbm>> -> memref<256x64xf32, #tpu.memory_space<hbm>>
      %dma_start3A_500 = tpu.memref_slice %arg8[%dma_start3A_493] : memref<4x!tpu.dma_semaphore, #tpu.memory_space<semaphore_mem>> -> memref<1x!tpu.dma_semaphore, #tpu.memory_space<semaphore_mem>>
      %dma_start3A_501 = tpu.memref_squeeze %dma_start3A_500 : memref<1x!tpu.dma_semaphore, #tpu.memory_space<semaphore_mem>> -> memref<!tpu.dma_semaphore, #tpu.memory_space<semaphore_mem>>
      %dma_start3A_502 = arith.constant 0 : i32
      %dma_start3A_503 = tpu.memref_slice %arg4[%add3A_491, %dma_start3A_502] : memref<819200x64xf32, #tpu.memory_space<hbm>> -> memref<256x64xf32, #tpu.memory_space<hbm>>
      %dma_start3A_504 = arith.constant 0 : i32
      %dma_start3A_505 = arith.constant 0 : i32
      %dma_start3A_506 = tpu.memref_slice %arg6[%dma_start3A_492, %dma_start3A_504, %dma_start3A_505] : memref<4x256x64xf32, #tpu.memory_space<vmem>> -> memref<1x256x64xf32, #tpu.memory_space<vmem>>
      %dma_start3A_507 = tpu.memref_squeeze %dma_start3A_506 : memref<1x256x64xf32, #tpu.memory_space<vmem>> -> memref<256x64xf32, #tpu.memory_space<vmem>>
      tpu.enqueue_dma source(%dma_start3A_507 : memref<256x64xf32, #tpu.memory_space<vmem>>) target(%dma_start3A_503 : memref<256x64xf32, #tpu.memory_space<hbm>>) target_semaphore(%dma_start3A_501 : memref<!tpu.dma_semaphore, #tpu.memory_space<semaphore_mem>>)
      %mul3A_508 = arith.constant 256 : i32
      %mul3A_509 = arith.muli %add3A_474, %mul3A_508 : i32
      %add3A_510 = arith.addi %mul3A_2, %mul3A_509 : i32
      %dma_wait3A_511 = arith.constant 3 : i32
      %dma_wait3A_512 = arith.constant 3 : i32
      %dma_wait3A_513 = arith.constant 0 : i32
      %dma_wait3A_514 = arith.constant 0 : i32
      %dma_wait3A_515 = tpu.memref_slice %arg6[%dma_wait3A_511, %dma_wait3A_513, %dma_wait3A_514] : memref<4x256x64xf32, #tpu.memory_space<vmem>> -> memref<1x256x64xf32, #tpu.memory_space<vmem>>
      %dma_wait3A_516 = tpu.memref_squeeze %dma_wait3A_515 : memref<1x256x64xf32, #tpu.memory_space<vmem>> -> memref<256x64xf32, #tpu.memory_space<vmem>>
      %dma_wait3A_517 = arith.constant 0 : i32
      %dma_wait3A_518 = tpu.memref_slice %arg4[%add3A_510, %dma_wait3A_517] : memref<819200x64xf32, #tpu.memory_space<hbm>> -> memref<256x64xf32, #tpu.memory_space<hbm>>
      %dma_wait3A_519 = tpu.memref_slice %arg8[%dma_wait3A_512] : memref<4x!tpu.dma_semaphore, #tpu.memory_space<semaphore_mem>> -> memref<1x!tpu.dma_semaphore, #tpu.memory_space<semaphore_mem>>
      %dma_wait3A_520 = tpu.memref_squeeze %dma_wait3A_519 : memref<1x!tpu.dma_semaphore, #tpu.memory_space<semaphore_mem>> -> memref<!tpu.dma_semaphore, #tpu.memory_space<semaphore_mem>>
      %dma_wait3A_521 = arith.constant 0 : i32
      %dma_wait3A_522 = tpu.memref_slice %arg4[%add3A_510, %dma_wait3A_521] : memref<819200x64xf32, #tpu.memory_space<hbm>> -> memref<256x64xf32, #tpu.memory_space<hbm>>
      %dma_wait3A_523 = arith.constant 0 : i32
      %dma_wait3A_524 = arith.constant 0 : i32
      %dma_wait3A_525 = tpu.memref_slice %arg6[%dma_wait3A_511, %dma_wait3A_523, %dma_wait3A_524] : memref<4x256x64xf32, #tpu.memory_space<vmem>> -> memref<1x256x64xf32, #tpu.memory_space<vmem>>
      %dma_wait3A_526 = tpu.memref_squeeze %dma_wait3A_525 : memref<1x256x64xf32, #tpu.memory_space<vmem>> -> memref<256x64xf32, #tpu.memory_space<vmem>>
      tpu.wait_dma2 semaphore(%dma_wait3A_520 : memref<!tpu.dma_semaphore, #tpu.memory_space<semaphore_mem>>) src(%dma_wait3A_526 : memref<256x64xf32, #tpu.memory_space<vmem>>) dst(%dma_wait3A_522 : memref<256x64xf32, #tpu.memory_space<hbm>>)
      %add3A_527 = arith.constant 4 : i32
      %add3A_528 = arith.addi %add3A_474, %add3A_527 : i32
      %mul3A_529 = arith.constant 256 : i32
      %mul3A_530 = arith.muli %add3A_528, %mul3A_529 : i32
      %dma_start3A_531 = arith.constant 3 : i32
      %dma_start3A_532 = arith.constant 3 : i32
      %dma_start3A_533 = arith.constant 0 : i32
      %dma_start3A_534 = arith.constant 0 : i32
      %dma_start3A_535 = tpu.memref_slice %arg6[%dma_start3A_531, %dma_start3A_533, %dma_start3A_534] : memref<4x256x64xf32, #tpu.memory_space<vmem>> -> memref<1x256x64xf32, #tpu.memory_space<vmem>>
      %dma_start3A_536 = tpu.memref_squeeze %dma_start3A_535 : memref<1x256x64xf32, #tpu.memory_space<vmem>> -> memref<256x64xf32, #tpu.memory_space<vmem>>
      %dma_start3A_537 = tpu.memref_slice %arg5[%mul3A_530] : memref<25600xi32, #tpu.memory_space<vmem>> -> memref<256xi32, #tpu.memory_space<vmem>>
      %dma_start3A_538 = arith.constant 0 : i32
      %dma_start3A_539 = arith.constant 0 : i32
      %dma_start3A_540 = tpu.memref_slice %arg2[%dma_start3A_538, %dma_start3A_539] : memref<1000000x64xf32, #tpu.memory_space<hbm>> -> memref<1000000x64xf32, #tpu.memory_space<hbm>>
      %dma_start3A_541 = tpu.memref_slice %arg7[%dma_start3A_532] : memref<4x!tpu.dma_semaphore, #tpu.memory_space<semaphore_mem>> -> memref<1x!tpu.dma_semaphore, #tpu.memory_space<semaphore_mem>>
      %dma_start3A_542 = tpu.memref_squeeze %dma_start3A_541 : memref<1x!tpu.dma_semaphore, #tpu.memory_space<semaphore_mem>> -> memref<!tpu.dma_semaphore, #tpu.memory_space<semaphore_mem>>
      tpu.enqueue_indirect_dma source(%dma_start3A_540 : memref<1000000x64xf32, #tpu.memory_space<hbm>>) target(%dma_start3A_536 : memref<256x64xf32, #tpu.memory_space<vmem>>) offsets(%dma_start3A_537 : memref<256xi32, #tpu.memory_space<vmem>>) semaphore(%dma_start3A_542 : memref<!tpu.dma_semaphore, #tpu.memory_space<semaphore_mem>>)
    }
    %scan3A_58 = arith.constant 24 : i32
    %dma_wait3A = arith.constant 0 : i32
    %dma_wait3A_59 = arith.constant 0 : i32
    %dma_wait3A_60 = arith.constant 0 : i32
    %dma_wait3A_61 = arith.constant 0 : i32
    %dma_wait3A_62 = tpu.memref_slice %arg6[%dma_wait3A, %dma_wait3A_60, %dma_wait3A_61] : memref<4x256x64xf32, #tpu.memory_space<vmem>> -> memref<1x256x64xf32, #tpu.memory_space<vmem>>
    %dma_wait3A_63 = tpu.memref_squeeze %dma_wait3A_62 : memref<1x256x64xf32, #tpu.memory_space<vmem>> -> memref<256x64xf32, #tpu.memory_space<vmem>>
    %dma_wait3A_64 = arith.constant 24576 : i32
    %dma_wait3A_65 = tpu.memref_slice %arg5[%dma_wait3A_64] : memref<25600xi32, #tpu.memory_space<vmem>> -> memref<256xi32, #tpu.memory_space<vmem>>
    %dma_wait3A_66 = arith.constant 0 : i32
    %dma_wait3A_67 = arith.constant 0 : i32
    %dma_wait3A_68 = tpu.memref_slice %arg2[%dma_wait3A_66, %dma_wait3A_67] : memref<1000000x64xf32, #tpu.memory_space<hbm>> -> memref<1000000x64xf32, #tpu.memory_space<hbm>>
    %dma_wait3A_69 = tpu.memref_slice %arg7[%dma_wait3A_59] : memref<4x!tpu.dma_semaphore, #tpu.memory_space<semaphore_mem>> -> memref<1x!tpu.dma_semaphore, #tpu.memory_space<semaphore_mem>>
    %dma_wait3A_70 = tpu.memref_squeeze %dma_wait3A_69 : memref<1x!tpu.dma_semaphore, #tpu.memory_space<semaphore_mem>> -> memref<!tpu.dma_semaphore, #tpu.memory_space<semaphore_mem>>
    tpu.wait_indirect_dma semaphore(%dma_wait3A_70 : memref<!tpu.dma_semaphore, #tpu.memory_space<semaphore_mem>>) src(%dma_wait3A_68 : memref<1000000x64xf32, #tpu.memory_space<hbm>>) dst(%dma_wait3A_63 : memref<256x64xf32, #tpu.memory_space<vmem>>)
    %add3A_71 = arith.constant 24576 : i32
    %add3A_72 = arith.addi %mul3A_2, %add3A_71 : i32
    %dma_start3A_73 = arith.constant 0 : i32
    %dma_start3A_74 = arith.constant 0 : i32
    %dma_start3A_75 = arith.constant 0 : i32
    %dma_start3A_76 = arith.constant 0 : i32
    %dma_start3A_77 = tpu.memref_slice %arg6[%dma_start3A_73, %dma_start3A_75, %dma_start3A_76] : memref<4x256x64xf32, #tpu.memory_space<vmem>> -> memref<1x256x64xf32, #tpu.memory_space<vmem>>
    %dma_start3A_78 = tpu.memref_squeeze %dma_start3A_77 : memref<1x256x64xf32, #tpu.memory_space<vmem>> -> memref<256x64xf32, #tpu.memory_space<vmem>>
    %dma_start3A_79 = arith.constant 0 : i32
    %dma_start3A_80 = tpu.memref_slice %arg4[%add3A_72, %dma_start3A_79] : memref<819200x64xf32, #tpu.memory_space<hbm>> -> memref<256x64xf32, #tpu.memory_space<hbm>>
    %dma_start3A_81 = tpu.memref_slice %arg8[%dma_start3A_74] : memref<4x!tpu.dma_semaphore, #tpu.memory_space<semaphore_mem>> -> memref<1x!tpu.dma_semaphore, #tpu.memory_space<semaphore_mem>>
    %dma_start3A_82 = tpu.memref_squeeze %dma_start3A_81 : memref<1x!tpu.dma_semaphore, #tpu.memory_space<semaphore_mem>> -> memref<!tpu.dma_semaphore, #tpu.memory_space<semaphore_mem>>
    %dma_start3A_83 = arith.constant 0 : i32
    %dma_start3A_84 = tpu.memref_slice %arg4[%add3A_72, %dma_start3A_83] : memref<819200x64xf32, #tpu.memory_space<hbm>> -> memref<256x64xf32, #tpu.memory_space<hbm>>
    %dma_start3A_85 = arith.constant 0 : i32
    %dma_start3A_86 = arith.constant 0 : i32
    %dma_start3A_87 = tpu.memref_slice %arg6[%dma_start3A_73, %dma_start3A_85, %dma_start3A_86] : memref<4x256x64xf32, #tpu.memory_space<vmem>> -> memref<1x256x64xf32, #tpu.memory_space<vmem>>
    %dma_start3A_88 = tpu.memref_squeeze %dma_start3A_87 : memref<1x256x64xf32, #tpu.memory_space<vmem>> -> memref<256x64xf32, #tpu.memory_space<vmem>>
    tpu.enqueue_dma source(%dma_start3A_88 : memref<256x64xf32, #tpu.memory_space<vmem>>) target(%dma_start3A_84 : memref<256x64xf32, #tpu.memory_space<hbm>>) target_semaphore(%dma_start3A_82 : memref<!tpu.dma_semaphore, #tpu.memory_space<semaphore_mem>>)
    %add3A_89 = arith.constant 24576 : i32
    %add3A_90 = arith.addi %mul3A_2, %add3A_89 : i32
    %dma_wait3A_91 = arith.constant 0 : i32
    %dma_wait3A_92 = arith.constant 0 : i32
    %dma_wait3A_93 = arith.constant 0 : i32
    %dma_wait3A_94 = arith.constant 0 : i32
    %dma_wait3A_95 = tpu.memref_slice %arg6[%dma_wait3A_91, %dma_wait3A_93, %dma_wait3A_94] : memref<4x256x64xf32, #tpu.memory_space<vmem>> -> memref<1x256x64xf32, #tpu.memory_space<vmem>>
    %dma_wait3A_96 = tpu.memref_squeeze %dma_wait3A_95 : memref<1x256x64xf32, #tpu.memory_space<vmem>> -> memref<256x64xf32, #tpu.memory_space<vmem>>
    %dma_wait3A_97 = arith.constant 0 : i32
    %dma_wait3A_98 = tpu.memref_slice %arg4[%add3A_90, %dma_wait3A_97] : memref<819200x64xf32, #tpu.memory_space<hbm>> -> memref<256x64xf32, #tpu.memory_space<hbm>>
    %dma_wait3A_99 = tpu.memref_slice %arg8[%dma_wait3A_92] : memref<4x!tpu.dma_semaphore, #tpu.memory_space<semaphore_mem>> -> memref<1x!tpu.dma_semaphore, #tpu.memory_space<semaphore_mem>>
    %dma_wait3A_100 = tpu.memref_squeeze %dma_wait3A_99 : memref<1x!tpu.dma_semaphore, #tpu.memory_space<semaphore_mem>> -> memref<!tpu.dma_semaphore, #tpu.memory_space<semaphore_mem>>
    %dma_wait3A_101 = arith.constant 0 : i32
    %dma_wait3A_102 = tpu.memref_slice %arg4[%add3A_90, %dma_wait3A_101] : memref<819200x64xf32, #tpu.memory_space<hbm>> -> memref<256x64xf32, #tpu.memory_space<hbm>>
    %dma_wait3A_103 = arith.constant 0 : i32
    %dma_wait3A_104 = arith.constant 0 : i32
    %dma_wait3A_105 = tpu.memref_slice %arg6[%dma_wait3A_91, %dma_wait3A_103, %dma_wait3A_104] : memref<4x256x64xf32, #tpu.memory_space<vmem>> -> memref<1x256x64xf32, #tpu.memory_space<vmem>>
    %dma_wait3A_106 = tpu.memref_squeeze %dma_wait3A_105 : memref<1x256x64xf32, #tpu.memory_space<vmem>> -> memref<256x64xf32, #tpu.memory_space<vmem>>
    tpu.wait_dma2 semaphore(%dma_wait3A_100 : memref<!tpu.dma_semaphore, #tpu.memory_space<semaphore_mem>>) src(%dma_wait3A_106 : memref<256x64xf32, #tpu.memory_space<vmem>>) dst(%dma_wait3A_102 : memref<256x64xf32, #tpu.memory_space<hbm>>)
    %dma_wait3A_107 = arith.constant 1 : i32
    %dma_wait3A_108 = arith.constant 1 : i32
    %dma_wait3A_109 = arith.constant 0 : i32
    %dma_wait3A_110 = arith.constant 0 : i32
    %dma_wait3A_111 = tpu.memref_slice %arg6[%dma_wait3A_107, %dma_wait3A_109, %dma_wait3A_110] : memref<4x256x64xf32, #tpu.memory_space<vmem>> -> memref<1x256x64xf32, #tpu.memory_space<vmem>>
    %dma_wait3A_112 = tpu.memref_squeeze %dma_wait3A_111 : memref<1x256x64xf32, #tpu.memory_space<vmem>> -> memref<256x64xf32, #tpu.memory_space<vmem>>
    %dma_wait3A_113 = arith.constant 24832 : i32
    %dma_wait3A_114 = tpu.memref_slice %arg5[%dma_wait3A_113] : memref<25600xi32, #tpu.memory_space<vmem>> -> memref<256xi32, #tpu.memory_space<vmem>>
    %dma_wait3A_115 = arith.constant 0 : i32
    %dma_wait3A_116 = arith.constant 0 : i32
    %dma_wait3A_117 = tpu.memref_slice %arg2[%dma_wait3A_115, %dma_wait3A_116] : memref<1000000x64xf32, #tpu.memory_space<hbm>> -> memref<1000000x64xf32, #tpu.memory_space<hbm>>
    %dma_wait3A_118 = tpu.memref_slice %arg7[%dma_wait3A_108] : memref<4x!tpu.dma_semaphore, #tpu.memory_space<semaphore_mem>> -> memref<1x!tpu.dma_semaphore, #tpu.memory_space<semaphore_mem>>
    %dma_wait3A_119 = tpu.memref_squeeze %dma_wait3A_118 : memref<1x!tpu.dma_semaphore, #tpu.memory_space<semaphore_mem>> -> memref<!tpu.dma_semaphore, #tpu.memory_space<semaphore_mem>>
    tpu.wait_indirect_dma semaphore(%dma_wait3A_119 : memref<!tpu.dma_semaphore, #tpu.memory_space<semaphore_mem>>) src(%dma_wait3A_117 : memref<1000000x64xf32, #tpu.memory_space<hbm>>) dst(%dma_wait3A_112 : memref<256x64xf32, #tpu.memory_space<vmem>>)
    %add3A_120 = arith.constant 24832 : i32
    %add3A_121 = arith.addi %mul3A_2, %add3A_120 : i32
    %dma_start3A_122 = arith.constant 1 : i32
    %dma_start3A_123 = arith.constant 1 : i32
    %dma_start3A_124 = arith.constant 0 : i32
    %dma_start3A_125 = arith.constant 0 : i32
    %dma_start3A_126 = tpu.memref_slice %arg6[%dma_start3A_122, %dma_start3A_124, %dma_start3A_125] : memref<4x256x64xf32, #tpu.memory_space<vmem>> -> memref<1x256x64xf32, #tpu.memory_space<vmem>>
    %dma_start3A_127 = tpu.memref_squeeze %dma_start3A_126 : memref<1x256x64xf32, #tpu.memory_space<vmem>> -> memref<256x64xf32, #tpu.memory_space<vmem>>
    %dma_start3A_128 = arith.constant 0 : i32
    %dma_start3A_129 = tpu.memref_slice %arg4[%add3A_121, %dma_start3A_128] : memref<819200x64xf32, #tpu.memory_space<hbm>> -> memref<256x64xf32, #tpu.memory_space<hbm>>
    %dma_start3A_130 = tpu.memref_slice %arg8[%dma_start3A_123] : memref<4x!tpu.dma_semaphore, #tpu.memory_space<semaphore_mem>> -> memref<1x!tpu.dma_semaphore, #tpu.memory_space<semaphore_mem>>
    %dma_start3A_131 = tpu.memref_squeeze %dma_start3A_130 : memref<1x!tpu.dma_semaphore, #tpu.memory_space<semaphore_mem>> -> memref<!tpu.dma_semaphore, #tpu.memory_space<semaphore_mem>>
    %dma_start3A_132 = arith.constant 0 : i32
    %dma_start3A_133 = tpu.memref_slice %arg4[%add3A_121, %dma_start3A_132] : memref<819200x64xf32, #tpu.memory_space<hbm>> -> memref<256x64xf32, #tpu.memory_space<hbm>>
    %dma_start3A_134 = arith.constant 0 : i32
    %dma_start3A_135 = arith.constant 0 : i32
    %dma_start3A_136 = tpu.memref_slice %arg6[%dma_start3A_122, %dma_start3A_134, %dma_start3A_135] : memref<4x256x64xf32, #tpu.memory_space<vmem>> -> memref<1x256x64xf32, #tpu.memory_space<vmem>>
    %dma_start3A_137 = tpu.memref_squeeze %dma_start3A_136 : memref<1x256x64xf32, #tpu.memory_space<vmem>> -> memref<256x64xf32, #tpu.memory_space<vmem>>
    tpu.enqueue_dma source(%dma_start3A_137 : memref<256x64xf32, #tpu.memory_space<vmem>>) target(%dma_start3A_133 : memref<256x64xf32, #tpu.memory_space<hbm>>) target_semaphore(%dma_start3A_131 : memref<!tpu.dma_semaphore, #tpu.memory_space<semaphore_mem>>)
    %add3A_138 = arith.constant 24832 : i32
    %add3A_139 = arith.addi %mul3A_2, %add3A_138 : i32
    %dma_wait3A_140 = arith.constant 1 : i32
    %dma_wait3A_141 = arith.constant 1 : i32
    %dma_wait3A_142 = arith.constant 0 : i32
    %dma_wait3A_143 = arith.constant 0 : i32
    %dma_wait3A_144 = tpu.memref_slice %arg6[%dma_wait3A_140, %dma_wait3A_142, %dma_wait3A_143] : memref<4x256x64xf32, #tpu.memory_space<vmem>> -> memref<1x256x64xf32, #tpu.memory_space<vmem>>
    %dma_wait3A_145 = tpu.memref_squeeze %dma_wait3A_144 : memref<1x256x64xf32, #tpu.memory_space<vmem>> -> memref<256x64xf32, #tpu.memory_space<vmem>>
    %dma_wait3A_146 = arith.constant 0 : i32
    %dma_wait3A_147 = tpu.memref_slice %arg4[%add3A_139, %dma_wait3A_146] : memref<819200x64xf32, #tpu.memory_space<hbm>> -> memref<256x64xf32, #tpu.memory_space<hbm>>
    %dma_wait3A_148 = tpu.memref_slice %arg8[%dma_wait3A_141] : memref<4x!tpu.dma_semaphore, #tpu.memory_space<semaphore_mem>> -> memref<1x!tpu.dma_semaphore, #tpu.memory_space<semaphore_mem>>
    %dma_wait3A_149 = tpu.memref_squeeze %dma_wait3A_148 : memref<1x!tpu.dma_semaphore, #tpu.memory_space<semaphore_mem>> -> memref<!tpu.dma_semaphore, #tpu.memory_space<semaphore_mem>>
    %dma_wait3A_150 = arith.constant 0 : i32
    %dma_wait3A_151 = tpu.memref_slice %arg4[%add3A_139, %dma_wait3A_150] : memref<819200x64xf32, #tpu.memory_space<hbm>> -> memref<256x64xf32, #tpu.memory_space<hbm>>
    %dma_wait3A_152 = arith.constant 0 : i32
    %dma_wait3A_153 = arith.constant 0 : i32
    %dma_wait3A_154 = tpu.memref_slice %arg6[%dma_wait3A_140, %dma_wait3A_152, %dma_wait3A_153] : memref<4x256x64xf32, #tpu.memory_space<vmem>> -> memref<1x256x64xf32, #tpu.memory_space<vmem>>
    %dma_wait3A_155 = tpu.memref_squeeze %dma_wait3A_154 : memref<1x256x64xf32, #tpu.memory_space<vmem>> -> memref<256x64xf32, #tpu.memory_space<vmem>>
    tpu.wait_dma2 semaphore(%dma_wait3A_149 : memref<!tpu.dma_semaphore, #tpu.memory_space<semaphore_mem>>) src(%dma_wait3A_155 : memref<256x64xf32, #tpu.memory_space<vmem>>) dst(%dma_wait3A_151 : memref<256x64xf32, #tpu.memory_space<hbm>>)
    %dma_wait3A_156 = arith.constant 2 : i32
    %dma_wait3A_157 = arith.constant 2 : i32
    %dma_wait3A_158 = arith.constant 0 : i32
    %dma_wait3A_159 = arith.constant 0 : i32
    %dma_wait3A_160 = tpu.memref_slice %arg6[%dma_wait3A_156, %dma_wait3A_158, %dma_wait3A_159] : memref<4x256x64xf32, #tpu.memory_space<vmem>> -> memref<1x256x64xf32, #tpu.memory_space<vmem>>
    %dma_wait3A_161 = tpu.memref_squeeze %dma_wait3A_160 : memref<1x256x64xf32, #tpu.memory_space<vmem>> -> memref<256x64xf32, #tpu.memory_space<vmem>>
    %dma_wait3A_162 = arith.constant 25088 : i32
    %dma_wait3A_163 = tpu.memref_slice %arg5[%dma_wait3A_162] : memref<25600xi32, #tpu.memory_space<vmem>> -> memref<256xi32, #tpu.memory_space<vmem>>
    %dma_wait3A_164 = arith.constant 0 : i32
    %dma_wait3A_165 = arith.constant 0 : i32
    %dma_wait3A_166 = tpu.memref_slice %arg2[%dma_wait3A_164, %dma_wait3A_165] : memref<1000000x64xf32, #tpu.memory_space<hbm>> -> memref<1000000x64xf32, #tpu.memory_space<hbm>>
    %dma_wait3A_167 = tpu.memref_slice %arg7[%dma_wait3A_157] : memref<4x!tpu.dma_semaphore, #tpu.memory_space<semaphore_mem>> -> memref<1x!tpu.dma_semaphore, #tpu.memory_space<semaphore_mem>>
    %dma_wait3A_168 = tpu.memref_squeeze %dma_wait3A_167 : memref<1x!tpu.dma_semaphore, #tpu.memory_space<semaphore_mem>> -> memref<!tpu.dma_semaphore, #tpu.memory_space<semaphore_mem>>
    tpu.wait_indirect_dma semaphore(%dma_wait3A_168 : memref<!tpu.dma_semaphore, #tpu.memory_space<semaphore_mem>>) src(%dma_wait3A_166 : memref<1000000x64xf32, #tpu.memory_space<hbm>>) dst(%dma_wait3A_161 : memref<256x64xf32, #tpu.memory_space<vmem>>)
    %add3A_169 = arith.constant 25088 : i32
    %add3A_170 = arith.addi %mul3A_2, %add3A_169 : i32
    %dma_start3A_171 = arith.constant 2 : i32
    %dma_start3A_172 = arith.constant 2 : i32
    %dma_start3A_173 = arith.constant 0 : i32
    %dma_start3A_174 = arith.constant 0 : i32
    %dma_start3A_175 = tpu.memref_slice %arg6[%dma_start3A_171, %dma_start3A_173, %dma_start3A_174] : memref<4x256x64xf32, #tpu.memory_space<vmem>> -> memref<1x256x64xf32, #tpu.memory_space<vmem>>
    %dma_start3A_176 = tpu.memref_squeeze %dma_start3A_175 : memref<1x256x64xf32, #tpu.memory_space<vmem>> -> memref<256x64xf32, #tpu.memory_space<vmem>>
    %dma_start3A_177 = arith.constant 0 : i32
    %dma_start3A_178 = tpu.memref_slice %arg4[%add3A_170, %dma_start3A_177] : memref<819200x64xf32, #tpu.memory_space<hbm>> -> memref<256x64xf32, #tpu.memory_space<hbm>>
    %dma_start3A_179 = tpu.memref_slice %arg8[%dma_start3A_172] : memref<4x!tpu.dma_semaphore, #tpu.memory_space<semaphore_mem>> -> memref<1x!tpu.dma_semaphore, #tpu.memory_space<semaphore_mem>>
    %dma_start3A_180 = tpu.memref_squeeze %dma_start3A_179 : memref<1x!tpu.dma_semaphore, #tpu.memory_space<semaphore_mem>> -> memref<!tpu.dma_semaphore, #tpu.memory_space<semaphore_mem>>
    %dma_start3A_181 = arith.constant 0 : i32
    %dma_start3A_182 = tpu.memref_slice %arg4[%add3A_170, %dma_start3A_181] : memref<819200x64xf32, #tpu.memory_space<hbm>> -> memref<256x64xf32, #tpu.memory_space<hbm>>
    %dma_start3A_183 = arith.constant 0 : i32
    %dma_start3A_184 = arith.constant 0 : i32
    %dma_start3A_185 = tpu.memref_slice %arg6[%dma_start3A_171, %dma_start3A_183, %dma_start3A_184] : memref<4x256x64xf32, #tpu.memory_space<vmem>> -> memref<1x256x64xf32, #tpu.memory_space<vmem>>
    %dma_start3A_186 = tpu.memref_squeeze %dma_start3A_185 : memref<1x256x64xf32, #tpu.memory_space<vmem>> -> memref<256x64xf32, #tpu.memory_space<vmem>>
    tpu.enqueue_dma source(%dma_start3A_186 : memref<256x64xf32, #tpu.memory_space<vmem>>) target(%dma_start3A_182 : memref<256x64xf32, #tpu.memory_space<hbm>>) target_semaphore(%dma_start3A_180 : memref<!tpu.dma_semaphore, #tpu.memory_space<semaphore_mem>>)
    %add3A_187 = arith.constant 25088 : i32
    %add3A_188 = arith.addi %mul3A_2, %add3A_187 : i32
    %dma_wait3A_189 = arith.constant 2 : i32
    %dma_wait3A_190 = arith.constant 2 : i32
    %dma_wait3A_191 = arith.constant 0 : i32
    %dma_wait3A_192 = arith.constant 0 : i32
    %dma_wait3A_193 = tpu.memref_slice %arg6[%dma_wait3A_189, %dma_wait3A_191, %dma_wait3A_192] : memref<4x256x64xf32, #tpu.memory_space<vmem>> -> memref<1x256x64xf32, #tpu.memory_space<vmem>>
    %dma_wait3A_194 = tpu.memref_squeeze %dma_wait3A_193 : memref<1x256x64xf32, #tpu.memory_space<vmem>> -> memref<256x64xf32, #tpu.memory_space<vmem>>
    %dma_wait3A_195 = arith.constant 0 : i32
    %dma_wait3A_196 = tpu.memref_slice %arg4[%add3A_188, %dma_wait3A_195] : memref<819200x64xf32, #tpu.memory_space<hbm>> -> memref<256x64xf32, #tpu.memory_space<hbm>>
    %dma_wait3A_197 = tpu.memref_slice %arg8[%dma_wait3A_190] : memref<4x!tpu.dma_semaphore, #tpu.memory_space<semaphore_mem>> -> memref<1x!tpu.dma_semaphore, #tpu.memory_space<semaphore_mem>>
    %dma_wait3A_198 = tpu.memref_squeeze %dma_wait3A_197 : memref<1x!tpu.dma_semaphore, #tpu.memory_space<semaphore_mem>> -> memref<!tpu.dma_semaphore, #tpu.memory_space<semaphore_mem>>
    %dma_wait3A_199 = arith.constant 0 : i32
    %dma_wait3A_200 = tpu.memref_slice %arg4[%add3A_188, %dma_wait3A_199] : memref<819200x64xf32, #tpu.memory_space<hbm>> -> memref<256x64xf32, #tpu.memory_space<hbm>>
    %dma_wait3A_201 = arith.constant 0 : i32
    %dma_wait3A_202 = arith.constant 0 : i32
    %dma_wait3A_203 = tpu.memref_slice %arg6[%dma_wait3A_189, %dma_wait3A_201, %dma_wait3A_202] : memref<4x256x64xf32, #tpu.memory_space<vmem>> -> memref<1x256x64xf32, #tpu.memory_space<vmem>>
    %dma_wait3A_204 = tpu.memref_squeeze %dma_wait3A_203 : memref<1x256x64xf32, #tpu.memory_space<vmem>> -> memref<256x64xf32, #tpu.memory_space<vmem>>
    tpu.wait_dma2 semaphore(%dma_wait3A_198 : memref<!tpu.dma_semaphore, #tpu.memory_space<semaphore_mem>>) src(%dma_wait3A_204 : memref<256x64xf32, #tpu.memory_space<vmem>>) dst(%dma_wait3A_200 : memref<256x64xf32, #tpu.memory_space<hbm>>)
    %dma_wait3A_205 = arith.constant 3 : i32
    %dma_wait3A_206 = arith.constant 3 : i32
    %dma_wait3A_207 = arith.constant 0 : i32
    %dma_wait3A_208 = arith.constant 0 : i32
    %dma_wait3A_209 = tpu.memref_slice %arg6[%dma_wait3A_205, %dma_wait3A_207, %dma_wait3A_208] : memref<4x256x64xf32, #tpu.memory_space<vmem>> -> memref<1x256x64xf32, #tpu.memory_space<vmem>>
    %dma_wait3A_210 = tpu.memref_squeeze %dma_wait3A_209 : memref<1x256x64xf32, #tpu.memory_space<vmem>> -> memref<256x64xf32, #tpu.memory_space<vmem>>
    %dma_wait3A_211 = arith.constant 25344 : i32
    %dma_wait3A_212 = tpu.memref_slice %arg5[%dma_wait3A_211] : memref<25600xi32, #tpu.memory_space<vmem>> -> memref<256xi32, #tpu.memory_space<vmem>>
    %dma_wait3A_213 = arith.constant 0 : i32
    %dma_wait3A_214 = arith.constant 0 : i32
    %dma_wait3A_215 = tpu.memref_slice %arg2[%dma_wait3A_213, %dma_wait3A_214] : memref<1000000x64xf32, #tpu.memory_space<hbm>> -> memref<1000000x64xf32, #tpu.memory_space<hbm>>
    %dma_wait3A_216 = tpu.memref_slice %arg7[%dma_wait3A_206] : memref<4x!tpu.dma_semaphore, #tpu.memory_space<semaphore_mem>> -> memref<1x!tpu.dma_semaphore, #tpu.memory_space<semaphore_mem>>
    %dma_wait3A_217 = tpu.memref_squeeze %dma_wait3A_216 : memref<1x!tpu.dma_semaphore, #tpu.memory_space<semaphore_mem>> -> memref<!tpu.dma_semaphore, #tpu.memory_space<semaphore_mem>>
    tpu.wait_indirect_dma semaphore(%dma_wait3A_217 : memref<!tpu.dma_semaphore, #tpu.memory_space<semaphore_mem>>) src(%dma_wait3A_215 : memref<1000000x64xf32, #tpu.memory_space<hbm>>) dst(%dma_wait3A_210 : memref<256x64xf32, #tpu.memory_space<vmem>>)
    %add3A_218 = arith.constant 25344 : i32
    %add3A_219 = arith.addi %mul3A_2, %add3A_218 : i32
    %dma_start3A_220 = arith.constant 3 : i32
    %dma_start3A_221 = arith.constant 3 : i32
    %dma_start3A_222 = arith.constant 0 : i32
    %dma_start3A_223 = arith.constant 0 : i32
    %dma_start3A_224 = tpu.memref_slice %arg6[%dma_start3A_220, %dma_start3A_222, %dma_start3A_223] : memref<4x256x64xf32, #tpu.memory_space<vmem>> -> memref<1x256x64xf32, #tpu.memory_space<vmem>>
    %dma_start3A_225 = tpu.memref_squeeze %dma_start3A_224 : memref<1x256x64xf32, #tpu.memory_space<vmem>> -> memref<256x64xf32, #tpu.memory_space<vmem>>
    %dma_start3A_226 = arith.constant 0 : i32
    %dma_start3A_227 = tpu.memref_slice %arg4[%add3A_219, %dma_start3A_226] : memref<819200x64xf32, #tpu.memory_space<hbm>> -> memref<256x64xf32, #tpu.memory_space<hbm>>
    %dma_start3A_228 = tpu.memref_slice %arg8[%dma_start3A_221] : memref<4x!tpu.dma_semaphore, #tpu.memory_space<semaphore_mem>> -> memref<1x!tpu.dma_semaphore, #tpu.memory_space<semaphore_mem>>
    %dma_start3A_229 = tpu.memref_squeeze %dma_start3A_228 : memref<1x!tpu.dma_semaphore, #tpu.memory_space<semaphore_mem>> -> memref<!tpu.dma_semaphore, #tpu.memory_space<semaphore_mem>>
    %dma_start3A_230 = arith.constant 0 : i32
    %dma_start3A_231 = tpu.memref_slice %arg4[%add3A_219, %dma_start3A_230] : memref<819200x64xf32, #tpu.memory_space<hbm>> -> memref<256x64xf32, #tpu.memory_space<hbm>>
    %dma_start3A_232 = arith.constant 0 : i32
    %dma_start3A_233 = arith.constant 0 : i32
    %dma_start3A_234 = tpu.memref_slice %arg6[%dma_start3A_220, %dma_start3A_232, %dma_start3A_233] : memref<4x256x64xf32, #tpu.memory_space<vmem>> -> memref<1x256x64xf32, #tpu.memory_space<vmem>>
    %dma_start3A_235 = tpu.memref_squeeze %dma_start3A_234 : memref<1x256x64xf32, #tpu.memory_space<vmem>> -> memref<256x64xf32, #tpu.memory_space<vmem>>
    tpu.enqueue_dma source(%dma_start3A_235 : memref<256x64xf32, #tpu.memory_space<vmem>>) target(%dma_start3A_231 : memref<256x64xf32, #tpu.memory_space<hbm>>) target_semaphore(%dma_start3A_229 : memref<!tpu.dma_semaphore, #tpu.memory_space<semaphore_mem>>)
    %add3A_236 = arith.constant 25344 : i32
    %add3A_237 = arith.addi %mul3A_2, %add3A_236 : i32
    %dma_wait3A_238 = arith.constant 3 : i32
    %dma_wait3A_239 = arith.constant 3 : i32
    %dma_wait3A_240 = arith.constant 0 : i32
    %dma_wait3A_241 = arith.constant 0 : i32
    %dma_wait3A_242 = tpu.memref_slice %arg6[%dma_wait3A_238, %dma_wait3A_240, %dma_wait3A_241] : memref<4x256x64xf32, #tpu.memory_space<vmem>> -> memref<1x256x64xf32, #tpu.memory_space<vmem>>
    %dma_wait3A_243 = tpu.memref_squeeze %dma_wait3A_242 : memref<1x256x64xf32, #tpu.memory_space<vmem>> -> memref<256x64xf32, #tpu.memory_space<vmem>>
    %dma_wait3A_244 = arith.constant 0 : i32
    %dma_wait3A_245 = tpu.memref_slice %arg4[%add3A_237, %dma_wait3A_244] : memref<819200x64xf32, #tpu.memory_space<hbm>> -> memref<256x64xf32, #tpu.memory_space<hbm>>
    %dma_wait3A_246 = tpu.memref_slice %arg8[%dma_wait3A_239] : memref<4x!tpu.dma_semaphore, #tpu.memory_space<semaphore_mem>> -> memref<1x!tpu.dma_semaphore, #tpu.memory_space<semaphore_mem>>
    %dma_wait3A_247 = tpu.memref_squeeze %dma_wait3A_246 : memref<1x!tpu.dma_semaphore, #tpu.memory_space<semaphore_mem>> -> memref<!tpu.dma_semaphore, #tpu.memory_space<semaphore_mem>>
    %dma_wait3A_248 = arith.constant 0 : i32
    %dma_wait3A_249 = tpu.memref_slice %arg4[%add3A_237, %dma_wait3A_248] : memref<819200x64xf32, #tpu.memory_space<hbm>> -> memref<256x64xf32, #tpu.memory_space<hbm>>
    %dma_wait3A_250 = arith.constant 0 : i32
    %dma_wait3A_251 = arith.constant 0 : i32
    %dma_wait3A_252 = tpu.memref_slice %arg6[%dma_wait3A_238, %dma_wait3A_250, %dma_wait3A_251] : memref<4x256x64xf32, #tpu.memory_space<vmem>> -> memref<1x256x64xf32, #tpu.memory_space<vmem>>
    %dma_wait3A_253 = tpu.memref_squeeze %dma_wait3A_252 : memref<1x256x64xf32, #tpu.memory_space<vmem>> -> memref<256x64xf32, #tpu.memory_space<vmem>>
    tpu.wait_dma2 semaphore(%dma_wait3A_247 : memref<!tpu.dma_semaphore, #tpu.memory_space<semaphore_mem>>) src(%dma_wait3A_253 : memref<256x64xf32, #tpu.memory_space<vmem>>) dst(%dma_wait3A_249 : memref<256x64xf32, #tpu.memory_space<hbm>>)
    return
  }
}

#map = affine_map<(d0, d1) -> (0, 0)>
module attributes {stable_mosaic.version = 14 : i64} {
  func.func @k1(%arg0: i32, %arg1: i32, %arg2: memref<64x1000000xf32, #tpu.memory_space<hbm>>, %arg3: memref<32x128xf32, #tpu.memory_space<hbm>>, %arg4: memref<500000x128xf32, #tpu.memory_space<hbm>>, %arg5: memref<2x64x384xf32, #tpu.memory_space<vmem>>, %arg6: memref<2x192x128xf32, #tpu.memory_space<vmem>>, %arg7: memref<32x128xf32, #tpu.memory_space<vmem>>, %arg8: memref<2x!tpu.dma_semaphore, #tpu.memory_space<semaphore_mem>>, %arg9: memref<2x!tpu.dma_semaphore, #tpu.memory_space<semaphore_mem>>, %arg10: memref<!tpu.dma_semaphore, #tpu.memory_space<semaphore_mem>>) attributes {dimension_semantics = [#tpu.dimension_semantics<core_parallel>, #tpu.dimension_semantics<subcore_parallel>], iteration_bounds = array<i64: 2, 16>, scalar_prefetch = 0 : i64, scratch_operands = 6 : i64, tpu.core_type = #tpu.core_type<sc_vector_subcore>, window_params = [{transform_indices = #map}, {transform_indices = #map}, {transform_indices = #map}]} {
    %mul3A = arith.constant 2 : i32
    %mul3A_0 = arith.muli %arg1, %mul3A : i32
    %add3A = arith.addi %mul3A_0, %arg0 : i32
    %iota3A = tpu.iota {dimensions = array<i32: 0>} : vector<16xi32>
    %add3A_1 = arith.constant 0 : i32
    %add3A_2 = vector.broadcast %add3A_1 : i32 to vector<16xi32>
    %add3A_3 = arith.addi %iota3A, %add3A_2 : vector<16xi32>
    %add3A_4 = arith.constant 16 : i32
    %add3A_5 = vector.broadcast %add3A_4 : i32 to vector<16xi32>
    %add3A_6 = arith.addi %iota3A, %add3A_5 : vector<16xi32>
    %add3A_7 = arith.constant 32 : i32
    %add3A_8 = vector.broadcast %add3A_7 : i32 to vector<16xi32>
    %add3A_9 = arith.addi %iota3A, %add3A_8 : vector<16xi32>
    %add3A_10 = arith.constant 48 : i32
    %add3A_11 = vector.broadcast %add3A_10 : i32 to vector<16xi32>
    %add3A_12 = arith.addi %iota3A, %add3A_11 : vector<16xi32>
    %add3A_13 = arith.constant 0 : i32
    %add3A_14 = arith.addi %add3A, %add3A_13 : i32
    %mul3A_15 = arith.constant 384 : i32
    %mul3A_16 = arith.muli %add3A_14, %mul3A_15 : i32
    %dma_start3A = arith.constant 0 : i32
    %dma_start3A_17 = arith.constant 0 : i32
    %dma_start3A_18 = arith.constant 0 : i32
    %dma_start3A_19 = arith.constant 0 : i32
    %dma_start3A_20 = tpu.memref_slice %arg5[%dma_start3A, %dma_start3A_18, %dma_start3A_19] : memref<2x64x384xf32, #tpu.memory_space<vmem>> -> memref<1x64x384xf32, #tpu.memory_space<vmem>>
    %dma_start3A_21 = tpu.memref_squeeze %dma_start3A_20 : memref<1x64x384xf32, #tpu.memory_space<vmem>> -> memref<64x384xf32, #tpu.memory_space<vmem>>
    %dma_start3A_22 = arith.constant 0 : i32
    %dma_start3A_23 = tpu.memref_slice %arg2[%dma_start3A_22, %mul3A_16] : memref<64x1000000xf32, #tpu.memory_space<hbm>> -> memref<64x384xf32, #tpu.memory_space<hbm>>
    %dma_start3A_24 = tpu.memref_slice %arg8[%dma_start3A_17] : memref<2x!tpu.dma_semaphore, #tpu.memory_space<semaphore_mem>> -> memref<1x!tpu.dma_semaphore, #tpu.memory_space<semaphore_mem>>
    %dma_start3A_25 = tpu.memref_squeeze %dma_start3A_24 : memref<1x!tpu.dma_semaphore, #tpu.memory_space<semaphore_mem>> -> memref<!tpu.dma_semaphore, #tpu.memory_space<semaphore_mem>>
    %dma_start3A_26 = arith.constant 0 : i32
    %dma_start3A_27 = arith.constant 0 : i32
    %dma_start3A_28 = tpu.memref_slice %arg5[%dma_start3A, %dma_start3A_26, %dma_start3A_27] : memref<2x64x384xf32, #tpu.memory_space<vmem>> -> memref<1x64x384xf32, #tpu.memory_space<vmem>>
    %dma_start3A_29 = tpu.memref_squeeze %dma_start3A_28 : memref<1x64x384xf32, #tpu.memory_space<vmem>> -> memref<64x384xf32, #tpu.memory_space<vmem>>
    %dma_start3A_30 = arith.constant 0 : i32
    %dma_start3A_31 = tpu.memref_slice %arg2[%dma_start3A_30, %mul3A_16] : memref<64x1000000xf32, #tpu.memory_space<hbm>> -> memref<64x384xf32, #tpu.memory_space<hbm>>
    tpu.enqueue_dma source(%dma_start3A_31 : memref<64x384xf32, #tpu.memory_space<hbm>>) target(%dma_start3A_29 : memref<64x384xf32, #tpu.memory_space<vmem>>) target_semaphore(%dma_start3A_25 : memref<!tpu.dma_semaphore, #tpu.memory_space<semaphore_mem>>)
    %add3A_32 = arith.constant 32 : i32
    %add3A_33 = arith.addi %add3A, %add3A_32 : i32
    %mul3A_34 = arith.constant 384 : i32
    %mul3A_35 = arith.muli %add3A_33, %mul3A_34 : i32
    %dma_start3A_36 = arith.constant 1 : i32
    %dma_start3A_37 = arith.constant 1 : i32
    %dma_start3A_38 = arith.constant 0 : i32
    %dma_start3A_39 = arith.constant 0 : i32
    %dma_start3A_40 = tpu.memref_slice %arg5[%dma_start3A_36, %dma_start3A_38, %dma_start3A_39] : memref<2x64x384xf32, #tpu.memory_space<vmem>> -> memref<1x64x384xf32, #tpu.memory_space<vmem>>
    %dma_start3A_41 = tpu.memref_squeeze %dma_start3A_40 : memref<1x64x384xf32, #tpu.memory_space<vmem>> -> memref<64x384xf32, #tpu.memory_space<vmem>>
    %dma_start3A_42 = arith.constant 0 : i32
    %dma_start3A_43 = tpu.memref_slice %arg2[%dma_start3A_42, %mul3A_35] : memref<64x1000000xf32, #tpu.memory_space<hbm>> -> memref<64x384xf32, #tpu.memory_space<hbm>>
    %dma_start3A_44 = tpu.memref_slice %arg8[%dma_start3A_37] : memref<2x!tpu.dma_semaphore, #tpu.memory_space<semaphore_mem>> -> memref<1x!tpu.dma_semaphore, #tpu.memory_space<semaphore_mem>>
    %dma_start3A_45 = tpu.memref_squeeze %dma_start3A_44 : memref<1x!tpu.dma_semaphore, #tpu.memory_space<semaphore_mem>> -> memref<!tpu.dma_semaphore, #tpu.memory_space<semaphore_mem>>
    %dma_start3A_46 = arith.constant 0 : i32
    %dma_start3A_47 = arith.constant 0 : i32
    %dma_start3A_48 = tpu.memref_slice %arg5[%dma_start3A_36, %dma_start3A_46, %dma_start3A_47] : memref<2x64x384xf32, #tpu.memory_space<vmem>> -> memref<1x64x384xf32, #tpu.memory_space<vmem>>
    %dma_start3A_49 = tpu.memref_squeeze %dma_start3A_48 : memref<1x64x384xf32, #tpu.memory_space<vmem>> -> memref<64x384xf32, #tpu.memory_space<vmem>>
    %dma_start3A_50 = arith.constant 0 : i32
    %dma_start3A_51 = tpu.memref_slice %arg2[%dma_start3A_50, %mul3A_35] : memref<64x1000000xf32, #tpu.memory_space<hbm>> -> memref<64x384xf32, #tpu.memory_space<hbm>>
    tpu.enqueue_dma source(%dma_start3A_51 : memref<64x384xf32, #tpu.memory_space<hbm>>) target(%dma_start3A_49 : memref<64x384xf32, #tpu.memory_space<vmem>>) target_semaphore(%dma_start3A_45 : memref<!tpu.dma_semaphore, #tpu.memory_space<semaphore_mem>>)
    %scan3A = arith.constant 0 : i32
    %scan3A_52 = arith.constant 0 : i32
    %scan3A_53 = arith.constant 82 : i32
    %scan3A_54 = arith.addi %scan3A_52, %scan3A_53 : i32
    %scan3A_55 = arith.constant 1 : i32
    scf.for %scan3A_94 = %scan3A_52 to %scan3A_54 step %scan3A_55  : i32 {
      %mul3A_95 = arith.constant 32 : i32
      %mul3A_96 = arith.muli %scan3A_94, %mul3A_95 : i32
      %add3A_97 = arith.addi %add3A, %mul3A_96 : i32
      %lt3A = arith.constant 2604 : i32
      %lt3A_98 = arith.cmpi slt, %add3A_97, %lt3A : i32
      %convert_element_type3A_99 = arith.extui %lt3A_98 : i1 to i32
      %cond3A_100 = arith.constant 0 : i32
      %cond3A_101 = arith.cmpi ne, %convert_element_type3A_99, %cond3A_100 : i32
      scf.if %cond3A_101 {
        %rem3A = arith.constant 2 : i32
        %rem3A_102 = arith.remsi %scan3A_94, %rem3A : i32
        %eq3A_103 = arith.constant 0 : i32
        %eq3A_104 = arith.cmpi eq, %rem3A_102, %eq3A_103 : i32
        %convert_element_type3A_105 = arith.extui %eq3A_104 : i1 to i32
        %cond3A_106 = arith.constant 0 : i32
        %cond3A_107 = arith.cmpi ne, %convert_element_type3A_105, %cond3A_106 : i32
        scf.if %cond3A_107 {
          %mul3A_115 = arith.constant 32 : i32
          %mul3A_116 = arith.muli %scan3A_94, %mul3A_115 : i32
          %add3A_117 = arith.addi %add3A, %mul3A_116 : i32
          %mul3A_118 = arith.constant 384 : i32
          %mul3A_119 = arith.muli %add3A_117, %mul3A_118 : i32
          %dma_wait3A_120 = arith.constant 0 : i32
          %dma_wait3A_121 = arith.constant 0 : i32
          %dma_wait3A_122 = arith.constant 0 : i32
          %dma_wait3A_123 = arith.constant 0 : i32
          %dma_wait3A_124 = tpu.memref_slice %arg5[%dma_wait3A_120, %dma_wait3A_122, %dma_wait3A_123] : memref<2x64x384xf32, #tpu.memory_space<vmem>> -> memref<1x64x384xf32, #tpu.memory_space<vmem>>
          %dma_wait3A_125 = tpu.memref_squeeze %dma_wait3A_124 : memref<1x64x384xf32, #tpu.memory_space<vmem>> -> memref<64x384xf32, #tpu.memory_space<vmem>>
          %dma_wait3A_126 = arith.constant 0 : i32
          %dma_wait3A_127 = tpu.memref_slice %arg2[%dma_wait3A_126, %mul3A_119] : memref<64x1000000xf32, #tpu.memory_space<hbm>> -> memref<64x384xf32, #tpu.memory_space<hbm>>
          %dma_wait3A_128 = tpu.memref_slice %arg8[%dma_wait3A_121] : memref<2x!tpu.dma_semaphore, #tpu.memory_space<semaphore_mem>> -> memref<1x!tpu.dma_semaphore, #tpu.memory_space<semaphore_mem>>
          %dma_wait3A_129 = tpu.memref_squeeze %dma_wait3A_128 : memref<1x!tpu.dma_semaphore, #tpu.memory_space<semaphore_mem>> -> memref<!tpu.dma_semaphore, #tpu.memory_space<semaphore_mem>>
          %dma_wait3A_130 = arith.constant 0 : i32
          %dma_wait3A_131 = arith.constant 0 : i32
          %dma_wait3A_132 = tpu.memref_slice %arg5[%dma_wait3A_120, %dma_wait3A_130, %dma_wait3A_131] : memref<2x64x384xf32, #tpu.memory_space<vmem>> -> memref<1x64x384xf32, #tpu.memory_space<vmem>>
          %dma_wait3A_133 = tpu.memref_squeeze %dma_wait3A_132 : memref<1x64x384xf32, #tpu.memory_space<vmem>> -> memref<64x384xf32, #tpu.memory_space<vmem>>
          %dma_wait3A_134 = arith.constant 0 : i32
          %dma_wait3A_135 = tpu.memref_slice %arg2[%dma_wait3A_134, %mul3A_119] : memref<64x1000000xf32, #tpu.memory_space<hbm>> -> memref<64x384xf32, #tpu.memory_space<hbm>>
          tpu.wait_dma2 semaphore(%dma_wait3A_129 : memref<!tpu.dma_semaphore, #tpu.memory_space<semaphore_mem>>) src(%dma_wait3A_135 : memref<64x384xf32, #tpu.memory_space<hbm>>) dst(%dma_wait3A_133 : memref<64x384xf32, #tpu.memory_space<vmem>>)
          %ge3A = arith.constant 2 : i32
          %ge3A_136 = arith.cmpi sge, %scan3A_94, %ge3A : i32
          %convert_element_type3A_137 = arith.extui %ge3A_136 : i1 to i32
          %cond3A_138 = arith.constant 0 : i32
          %cond3A_139 = arith.cmpi ne, %convert_element_type3A_137, %cond3A_138 : i32
          scf.if %cond3A_139 {
            %sub3A = arith.constant 2 : i32
            %sub3A_170 = arith.subi %scan3A_94, %sub3A : i32
            %mul3A_171 = arith.constant 32 : i32
            %mul3A_172 = arith.muli %sub3A_170, %mul3A_171 : i32
            %add3A_173 = arith.addi %add3A, %mul3A_172 : i32
            %mul3A_174 = arith.constant 192 : i32
            %mul3A_175 = arith.muli %add3A_173, %mul3A_174 : i32
            %dma_wait3A_176 = arith.constant 0 : i32
            %dma_wait3A_177 = arith.constant 0 : i32
            %dma_wait3A_178 = arith.constant 0 : i32
            %dma_wait3A_179 = arith.constant 0 : i32
            %dma_wait3A_180 = tpu.memref_slice %arg6[%dma_wait3A_176, %dma_wait3A_178, %dma_wait3A_179] : memref<2x192x128xf32, #tpu.memory_space<vmem>> -> memref<1x192x128xf32, #tpu.memory_space<vmem>>
            %dma_wait3A_181 = tpu.memref_squeeze %dma_wait3A_180 : memref<1x192x128xf32, #tpu.memory_space<vmem>> -> memref<192x128xf32, #tpu.memory_space<vmem>>
            %dma_wait3A_182 = arith.constant 0 : i32
            %dma_wait3A_183 = tpu.memref_slice %arg4[%mul3A_175, %dma_wait3A_182] : memref<500000x128xf32, #tpu.memory_space<hbm>> -> memref<192x128xf32, #tpu.memory_space<hbm>>
            %dma_wait3A_184 = tpu.memref_slice %arg9[%dma_wait3A_177] : memref<2x!tpu.dma_semaphore, #tpu.memory_space<semaphore_mem>> -> memref<1x!tpu.dma_semaphore, #tpu.memory_space<semaphore_mem>>
            %dma_wait3A_185 = tpu.memref_squeeze %dma_wait3A_184 : memref<1x!tpu.dma_semaphore, #tpu.memory_space<semaphore_mem>> -> memref<!tpu.dma_semaphore, #tpu.memory_space<semaphore_mem>>
            %dma_wait3A_186 = arith.constant 0 : i32
            %dma_wait3A_187 = tpu.memref_slice %arg4[%mul3A_175, %dma_wait3A_186] : memref<500000x128xf32, #tpu.memory_space<hbm>> -> memref<192x128xf32, #tpu.memory_space<hbm>>
            %dma_wait3A_188 = arith.constant 0 : i32
            %dma_wait3A_189 = arith.constant 0 : i32
            %dma_wait3A_190 = tpu.memref_slice %arg6[%dma_wait3A_176, %dma_wait3A_188, %dma_wait3A_189] : memref<2x192x128xf32, #tpu.memory_space<vmem>> -> memref<1x192x128xf32, #tpu.memory_space<vmem>>
            %dma_wait3A_191 = tpu.memref_squeeze %dma_wait3A_190 : memref<1x192x128xf32, #tpu.memory_space<vmem>> -> memref<192x128xf32, #tpu.memory_space<vmem>>
            tpu.wait_dma2 semaphore(%dma_wait3A_185 : memref<!tpu.dma_semaphore, #tpu.memory_space<semaphore_mem>>) src(%dma_wait3A_191 : memref<192x128xf32, #tpu.memory_space<vmem>>) dst(%dma_wait3A_187 : memref<192x128xf32, #tpu.memory_space<hbm>>)
          } else {
          }
          %parallel_loop3A = arith.constant 0 : i32
          %parallel_loop3A_140 = arith.constant 192 : i32
          %parallel_loop3A_141 = arith.constant 1 : i32
          scf.for %parallel_loop3A_170 = %parallel_loop3A to %parallel_loop3A_140 step %parallel_loop3A_141  : i32 {
            %parallel_loop3A_171 = arith.constant 2 : i32
            %parallel_loop3A_172 = arith.muli %parallel_loop3A_171, %parallel_loop3A_170 : i32
            %parallel_loop3A_173 = arith.constant 0 : i32
            %parallel_loop3A_174 = arith.addi %parallel_loop3A_172, %parallel_loop3A_173 : i32
            %parallel_loop3A_175 = vector.broadcast %parallel_loop3A_174 : i32 to vector<16xi32>
            %parallel_loop3A_176 = arith.constant 0 : i32
            %parallel_loop3A_177 = arith.constant 0 : i32
            %parallel_loop3A_178 = arith.constant 0 : i32
            %parallel_loop3A_179 = tpu.memref_slice %arg5[%parallel_loop3A_176, %parallel_loop3A_177, %parallel_loop3A_178] : memref<2x64x384xf32, #tpu.memory_space<vmem>> -> memref<1x64x384xf32, #tpu.memory_space<vmem>>
            %parallel_loop3A_180 = tpu.memref_squeeze %parallel_loop3A_179 : memref<1x64x384xf32, #tpu.memory_space<vmem>> -> memref<64x384xf32, #tpu.memory_space<vmem>>
            %parallel_loop3A_181 = tpu.vector_load_idx %parallel_loop3A_180[%add3A_3, %parallel_loop3A_175] : memref<64x384xf32, #tpu.memory_space<vmem>>[vector<16xi32>, vector<16xi32>], vector<16xf32>,
            %parallel_loop3A_182 = arith.constant 0 : i32
            %parallel_loop3A_183 = arith.index_cast %parallel_loop3A_182 : i32 to index
            %parallel_loop3A_184 = arith.index_cast %parallel_loop3A_170 : i32 to index
            %parallel_loop3A_185 = arith.constant 0 : index
            %parallel_loop3A_186 = tpu.vector_load %arg6[%parallel_loop3A_183, %parallel_loop3A_184, %parallel_loop3A_185] {strides = array<i32>} : memref<2x192x128xf32, #tpu.memory_space<vmem>>, vector<16xf32>,
            tpu.vector_store %arg6[%parallel_loop3A_183, %parallel_loop3A_184, %parallel_loop3A_185], %parallel_loop3A_181 {strides = array<i32>} : memref<2x192x128xf32, #tpu.memory_space<vmem>>, vector<16xf32>,
            %parallel_loop3A_187 = arith.constant 0 : i32
            %parallel_loop3A_188 = arith.constant 0 : i32
            %parallel_loop3A_189 = arith.constant 0 : i32
            %parallel_loop3A_190 = tpu.memref_slice %arg5[%parallel_loop3A_187, %parallel_loop3A_188, %parallel_loop3A_189] : memref<2x64x384xf32, #tpu.memory_space<vmem>> -> memref<1x64x384xf32, #tpu.memory_space<vmem>>
            %parallel_loop3A_191 = tpu.memref_squeeze %parallel_loop3A_190 : memref<1x64x384xf32, #tpu.memory_space<vmem>> -> memref<64x384xf32, #tpu.memory_space<vmem>>
            %parallel_loop3A_192 = tpu.vector_load_idx %parallel_loop3A_191[%add3A_6, %parallel_loop3A_175] : memref<64x384xf32, #tpu.memory_space<vmem>>[vector<16xi32>, vector<16xi32>], vector<16xf32>,
            %parallel_loop3A_193 = arith.constant 0 : i32
            %parallel_loop3A_194 = arith.index_cast %parallel_loop3A_193 : i32 to index
            %parallel_loop3A_195 = arith.index_cast %parallel_loop3A_170 : i32 to index
            %parallel_loop3A_196 = arith.constant 16 : index
            %parallel_loop3A_197 = tpu.vector_load %arg6[%parallel_loop3A_194, %parallel_loop3A_195, %parallel_loop3A_196] {strides = array<i32>} : memref<2x192x128xf32, #tpu.memory_space<vmem>>, vector<16xf32>,
            tpu.vector_store %arg6[%parallel_loop3A_194, %parallel_loop3A_195, %parallel_loop3A_196], %parallel_loop3A_192 {strides = array<i32>} : memref<2x192x128xf32, #tpu.memory_space<vmem>>, vector<16xf32>,
            %parallel_loop3A_198 = arith.constant 0 : i32
            %parallel_loop3A_199 = arith.constant 0 : i32
            %parallel_loop3A_200 = arith.constant 0 : i32
            %parallel_loop3A_201 = tpu.memref_slice %arg5[%parallel_loop3A_198, %parallel_loop3A_199, %parallel_loop3A_200] : memref<2x64x384xf32, #tpu.memory_space<vmem>> -> memref<1x64x384xf32, #tpu.memory_space<vmem>>
            %parallel_loop3A_202 = tpu.memref_squeeze %parallel_loop3A_201 : memref<1x64x384xf32, #tpu.memory_space<vmem>> -> memref<64x384xf32, #tpu.memory_space<vmem>>
            %parallel_loop3A_203 = tpu.vector_load_idx %parallel_loop3A_202[%add3A_9, %parallel_loop3A_175] : memref<64x384xf32, #tpu.memory_space<vmem>>[vector<16xi32>, vector<16xi32>], vector<16xf32>,
            %parallel_loop3A_204 = arith.constant 0 : i32
            %parallel_loop3A_205 = arith.index_cast %parallel_loop3A_204 : i32 to index
            %parallel_loop3A_206 = arith.index_cast %parallel_loop3A_170 : i32 to index
            %parallel_loop3A_207 = arith.constant 32 : index
            %parallel_loop3A_208 = tpu.vector_load %arg6[%parallel_loop3A_205, %parallel_loop3A_206, %parallel_loop3A_207] {strides = array<i32>} : memref<2x192x128xf32, #tpu.memory_space<vmem>>, vector<16xf32>,
            tpu.vector_store %arg6[%parallel_loop3A_205, %parallel_loop3A_206, %parallel_loop3A_207], %parallel_loop3A_203 {strides = array<i32>} : memref<2x192x128xf32, #tpu.memory_space<vmem>>, vector<16xf32>,
            %parallel_loop3A_209 = arith.constant 0 : i32
            %parallel_loop3A_210 = arith.constant 0 : i32
            %parallel_loop3A_211 = arith.constant 0 : i32
            %parallel_loop3A_212 = tpu.memref_slice %arg5[%parallel_loop3A_209, %parallel_loop3A_210, %parallel_loop3A_211] : memref<2x64x384xf32, #tpu.memory_space<vmem>> -> memref<1x64x384xf32, #tpu.memory_space<vmem>>
            %parallel_loop3A_213 = tpu.memref_squeeze %parallel_loop3A_212 : memref<1x64x384xf32, #tpu.memory_space<vmem>> -> memref<64x384xf32, #tpu.memory_space<vmem>>
            %parallel_loop3A_214 = tpu.vector_load_idx %parallel_loop3A_213[%add3A_12, %parallel_loop3A_175] : memref<64x384xf32, #tpu.memory_space<vmem>>[vector<16xi32>, vector<16xi32>], vector<16xf32>,
            %parallel_loop3A_215 = arith.constant 0 : i32
            %parallel_loop3A_216 = arith.index_cast %parallel_loop3A_215 : i32 to index
            %parallel_loop3A_217 = arith.index_cast %parallel_loop3A_170 : i32 to index
            %parallel_loop3A_218 = arith.constant 48 : index
            %parallel_loop3A_219 = tpu.vector_load %arg6[%parallel_loop3A_216, %parallel_loop3A_217, %parallel_loop3A_218] {strides = array<i32>} : memref<2x192x128xf32, #tpu.memory_space<vmem>>, vector<16xf32>,
            tpu.vector_store %arg6[%parallel_loop3A_216, %parallel_loop3A_217, %parallel_loop3A_218], %parallel_loop3A_214 {strides = array<i32>} : memref<2x192x128xf32, #tpu.memory_space<vmem>>, vector<16xf32>,
            %parallel_loop3A_220 = arith.constant 2 : i32
            %parallel_loop3A_221 = arith.muli %parallel_loop3A_220, %parallel_loop3A_170 : i32
            %parallel_loop3A_222 = arith.constant 1 : i32
            %parallel_loop3A_223 = arith.addi %parallel_loop3A_221, %parallel_loop3A_222 : i32
            %parallel_loop3A_224 = vector.broadcast %parallel_loop3A_223 : i32 to vector<16xi32>
            %parallel_loop3A_225 = arith.constant 0 : i32
            %parallel_loop3A_226 = arith.constant 0 : i32
            %parallel_loop3A_227 = arith.constant 0 : i32
            %parallel_loop3A_228 = tpu.memref_slice %arg5[%parallel_loop3A_225, %parallel_loop3A_226, %parallel_loop3A_227] : memref<2x64x384xf32, #tpu.memory_space<vmem>> -> memref<1x64x384xf32, #tpu.memory_space<vmem>>
            %parallel_loop3A_229 = tpu.memref_squeeze %parallel_loop3A_228 : memref<1x64x384xf32, #tpu.memory_space<vmem>> -> memref<64x384xf32, #tpu.memory_space<vmem>>
            %parallel_loop3A_230 = tpu.vector_load_idx %parallel_loop3A_229[%add3A_3, %parallel_loop3A_224] : memref<64x384xf32, #tpu.memory_space<vmem>>[vector<16xi32>, vector<16xi32>], vector<16xf32>,
            %parallel_loop3A_231 = arith.constant 0 : i32
            %parallel_loop3A_232 = arith.index_cast %parallel_loop3A_231 : i32 to index
            %parallel_loop3A_233 = arith.index_cast %parallel_loop3A_170 : i32 to index
            %parallel_loop3A_234 = arith.constant 64 : index
            %parallel_loop3A_235 = tpu.vector_load %arg6[%parallel_loop3A_232, %parallel_loop3A_233, %parallel_loop3A_234] {strides = array<i32>} : memref<2x192x128xf32, #tpu.memory_space<vmem>>, vector<16xf32>,
            tpu.vector_store %arg6[%parallel_loop3A_232, %parallel_loop3A_233, %parallel_loop3A_234], %parallel_loop3A_230 {strides = array<i32>} : memref<2x192x128xf32, #tpu.memory_space<vmem>>, vector<16xf32>,
            %parallel_loop3A_236 = arith.constant 0 : i32
            %parallel_loop3A_237 = arith.constant 0 : i32
            %parallel_loop3A_238 = arith.constant 0 : i32
            %parallel_loop3A_239 = tpu.memref_slice %arg5[%parallel_loop3A_236, %parallel_loop3A_237, %parallel_loop3A_238] : memref<2x64x384xf32, #tpu.memory_space<vmem>> -> memref<1x64x384xf32, #tpu.memory_space<vmem>>
            %parallel_loop3A_240 = tpu.memref_squeeze %parallel_loop3A_239 : memref<1x64x384xf32, #tpu.memory_space<vmem>> -> memref<64x384xf32, #tpu.memory_space<vmem>>
            %parallel_loop3A_241 = tpu.vector_load_idx %parallel_loop3A_240[%add3A_6, %parallel_loop3A_224] : memref<64x384xf32, #tpu.memory_space<vmem>>[vector<16xi32>, vector<16xi32>], vector<16xf32>,
            %parallel_loop3A_242 = arith.constant 0 : i32
            %parallel_loop3A_243 = arith.index_cast %parallel_loop3A_242 : i32 to index
            %parallel_loop3A_244 = arith.index_cast %parallel_loop3A_170 : i32 to index
            %parallel_loop3A_245 = arith.constant 80 : index
            %parallel_loop3A_246 = tpu.vector_load %arg6[%parallel_loop3A_243, %parallel_loop3A_244, %parallel_loop3A_245] {strides = array<i32>} : memref<2x192x128xf32, #tpu.memory_space<vmem>>, vector<16xf32>,
            tpu.vector_store %arg6[%parallel_loop3A_243, %parallel_loop3A_244, %parallel_loop3A_245], %parallel_loop3A_241 {strides = array<i32>} : memref<2x192x128xf32, #tpu.memory_space<vmem>>, vector<16xf32>,
            %parallel_loop3A_247 = arith.constant 0 : i32
            %parallel_loop3A_248 = arith.constant 0 : i32
            %parallel_loop3A_249 = arith.constant 0 : i32
            %parallel_loop3A_250 = tpu.memref_slice %arg5[%parallel_loop3A_247, %parallel_loop3A_248, %parallel_loop3A_249] : memref<2x64x384xf32, #tpu.memory_space<vmem>> -> memref<1x64x384xf32, #tpu.memory_space<vmem>>
            %parallel_loop3A_251 = tpu.memref_squeeze %parallel_loop3A_250 : memref<1x64x384xf32, #tpu.memory_space<vmem>> -> memref<64x384xf32, #tpu.memory_space<vmem>>
            %parallel_loop3A_252 = tpu.vector_load_idx %parallel_loop3A_251[%add3A_9, %parallel_loop3A_224] : memref<64x384xf32, #tpu.memory_space<vmem>>[vector<16xi32>, vector<16xi32>], vector<16xf32>,
            %parallel_loop3A_253 = arith.constant 0 : i32
            %parallel_loop3A_254 = arith.index_cast %parallel_loop3A_253 : i32 to index
            %parallel_loop3A_255 = arith.index_cast %parallel_loop3A_170 : i32 to index
            %parallel_loop3A_256 = arith.constant 96 : index
            %parallel_loop3A_257 = tpu.vector_load %arg6[%parallel_loop3A_254, %parallel_loop3A_255, %parallel_loop3A_256] {strides = array<i32>} : memref<2x192x128xf32, #tpu.memory_space<vmem>>, vector<16xf32>,
            tpu.vector_store %arg6[%parallel_loop3A_254, %parallel_loop3A_255, %parallel_loop3A_256], %parallel_loop3A_252 {strides = array<i32>} : memref<2x192x128xf32, #tpu.memory_space<vmem>>, vector<16xf32>,
            %parallel_loop3A_258 = arith.constant 0 : i32
            %parallel_loop3A_259 = arith.constant 0 : i32
            %parallel_loop3A_260 = arith.constant 0 : i32
            %parallel_loop3A_261 = tpu.memref_slice %arg5[%parallel_loop3A_258, %parallel_loop3A_259, %parallel_loop3A_260] : memref<2x64x384xf32, #tpu.memory_space<vmem>> -> memref<1x64x384xf32, #tpu.memory_space<vmem>>
            %parallel_loop3A_262 = tpu.memref_squeeze %parallel_loop3A_261 : memref<1x64x384xf32, #tpu.memory_space<vmem>> -> memref<64x384xf32, #tpu.memory_space<vmem>>
            %parallel_loop3A_263 = tpu.vector_load_idx %parallel_loop3A_262[%add3A_12, %parallel_loop3A_224] : memref<64x384xf32, #tpu.memory_space<vmem>>[vector<16xi32>, vector<16xi32>], vector<16xf32>,
            %parallel_loop3A_264 = arith.constant 0 : i32
            %parallel_loop3A_265 = arith.index_cast %parallel_loop3A_264 : i32 to index
            %parallel_loop3A_266 = arith.index_cast %parallel_loop3A_170 : i32 to index
            %parallel_loop3A_267 = arith.constant 112 : index
            %parallel_loop3A_268 = tpu.vector_load %arg6[%parallel_loop3A_265, %parallel_loop3A_266, %parallel_loop3A_267] {strides = array<i32>} : memref<2x192x128xf32, #tpu.memory_space<vmem>>, vector<16xf32>,
            tpu.vector_store %arg6[%parallel_loop3A_265, %parallel_loop3A_266, %parallel_loop3A_267], %parallel_loop3A_263 {strides = array<i32>} : memref<2x192x128xf32, #tpu.memory_space<vmem>>, vector<16xf32>,
          } {sc.loop_unroll_factor = 8 : i64, sc.parallel_access}
          %mul3A_142 = arith.constant 32 : i32
          %mul3A_143 = arith.muli %scan3A_94, %mul3A_142 : i32
          %add3A_144 = arith.addi %add3A, %mul3A_143 : i32
          %mul3A_145 = arith.constant 192 : i32
          %mul3A_146 = arith.muli %add3A_144, %mul3A_145 : i32
          %dma_start3A_147 = arith.constant 0 : i32
          %dma_start3A_148 = arith.constant 0 : i32
          %dma_start3A_149 = arith.constant 0 : i32
          %dma_start3A_150 = arith.constant 0 : i32
          %dma_start3A_151 = tpu.memref_slice %arg6[%dma_start3A_147, %dma_start3A_149, %dma_start3A_150] : memref<2x192x128xf32, #tpu.memory_space<vmem>> -> memref<1x192x128xf32, #tpu.memory_space<vmem>>
          %dma_start3A_152 = tpu.memref_squeeze %dma_start3A_151 : memref<1x192x128xf32, #tpu.memory_space<vmem>> -> memref<192x128xf32, #tpu.memory_space<vmem>>
          %dma_start3A_153 = arith.constant 0 : i32
          %dma_start3A_154 = tpu.memref_slice %arg4[%mul3A_146, %dma_start3A_153] : memref<500000x128xf32, #tpu.memory_space<hbm>> -> memref<192x128xf32, #tpu.memory_space<hbm>>
          %dma_start3A_155 = tpu.memref_slice %arg9[%dma_start3A_148] : memref<2x!tpu.dma_semaphore, #tpu.memory_space<semaphore_mem>> -> memref<1x!tpu.dma_semaphore, #tpu.memory_space<semaphore_mem>>
          %dma_start3A_156 = tpu.memref_squeeze %dma_start3A_155 : memref<1x!tpu.dma_semaphore, #tpu.memory_space<semaphore_mem>> -> memref<!tpu.dma_semaphore, #tpu.memory_space<semaphore_mem>>
          %dma_start3A_157 = arith.constant 0 : i32
          %dma_start3A_158 = tpu.memref_slice %arg4[%mul3A_146, %dma_start3A_157] : memref<500000x128xf32, #tpu.memory_space<hbm>> -> memref<192x128xf32, #tpu.memory_space<hbm>>
          %dma_start3A_159 = arith.constant 0 : i32
          %dma_start3A_160 = arith.constant 0 : i32
          %dma_start3A_161 = tpu.memref_slice %arg6[%dma_start3A_147, %dma_start3A_159, %dma_start3A_160] : memref<2x192x128xf32, #tpu.memory_space<vmem>> -> memref<1x192x128xf32, #tpu.memory_space<vmem>>
          %dma_start3A_162 = tpu.memref_squeeze %dma_start3A_161 : memref<1x192x128xf32, #tpu.memory_space<vmem>> -> memref<192x128xf32, #tpu.memory_space<vmem>>
          tpu.enqueue_dma source(%dma_start3A_162 : memref<192x128xf32, #tpu.memory_space<vmem>>) target(%dma_start3A_158 : memref<192x128xf32, #tpu.memory_space<hbm>>) target_semaphore(%dma_start3A_156 : memref<!tpu.dma_semaphore, #tpu.memory_space<semaphore_mem>>)
          %add3A_163 = arith.constant 64 : i32
          %add3A_164 = arith.addi %add3A_97, %add3A_163 : i32
          %lt3A_165 = arith.constant 2604 : i32
          %lt3A_166 = arith.cmpi slt, %add3A_164, %lt3A_165 : i32
          %convert_element_type3A_167 = arith.extui %lt3A_166 : i1 to i32
          %cond3A_168 = arith.constant 0 : i32
          %cond3A_169 = arith.cmpi ne, %convert_element_type3A_167, %cond3A_168 : i32
          scf.if %cond3A_169 {
            %add3A_170 = arith.constant 2 : i32
            %add3A_171 = arith.addi %scan3A_94, %add3A_170 : i32
            %mul3A_172 = arith.constant 32 : i32
            %mul3A_173 = arith.muli %add3A_171, %mul3A_172 : i32
            %add3A_174 = arith.addi %add3A, %mul3A_173 : i32
            %mul3A_175 = arith.constant 384 : i32
            %mul3A_176 = arith.muli %add3A_174, %mul3A_175 : i32
            %dma_start3A_177 = arith.constant 0 : i32
            %dma_start3A_178 = arith.constant 0 : i32
            %dma_start3A_179 = arith.constant 0 : i32
            %dma_start3A_180 = arith.constant 0 : i32
            %dma_start3A_181 = tpu.memref_slice %arg5[%dma_start3A_177, %dma_start3A_179, %dma_start3A_180] : memref<2x64x384xf32, #tpu.memory_space<vmem>> -> memref<1x64x384xf32, #tpu.memory_space<vmem>>
            %dma_start3A_182 = tpu.memref_squeeze %dma_start3A_181 : memref<1x64x384xf32, #tpu.memory_space<vmem>> -> memref<64x384xf32, #tpu.memory_space<vmem>>
            %dma_start3A_183 = arith.constant 0 : i32
            %dma_start3A_184 = tpu.memref_slice %arg2[%dma_start3A_183, %mul3A_176] : memref<64x1000000xf32, #tpu.memory_space<hbm>> -> memref<64x384xf32, #tpu.memory_space<hbm>>
            %dma_start3A_185 = tpu.memref_slice %arg8[%dma_start3A_178] : memref<2x!tpu.dma_semaphore, #tpu.memory_space<semaphore_mem>> -> memref<1x!tpu.dma_semaphore, #tpu.memory_space<semaphore_mem>>
            %dma_start3A_186 = tpu.memref_squeeze %dma_start3A_185 : memref<1x!tpu.dma_semaphore, #tpu.memory_space<semaphore_mem>> -> memref<!tpu.dma_semaphore, #tpu.memory_space<semaphore_mem>>
            %dma_start3A_187 = arith.constant 0 : i32
            %dma_start3A_188 = arith.constant 0 : i32
            %dma_start3A_189 = tpu.memref_slice %arg5[%dma_start3A_177, %dma_start3A_187, %dma_start3A_188] : memref<2x64x384xf32, #tpu.memory_space<vmem>> -> memref<1x64x384xf32, #tpu.memory_space<vmem>>
            %dma_start3A_190 = tpu.memref_squeeze %dma_start3A_189 : memref<1x64x384xf32, #tpu.memory_space<vmem>> -> memref<64x384xf32, #tpu.memory_space<vmem>>
            %dma_start3A_191 = arith.constant 0 : i32
            %dma_start3A_192 = tpu.memref_slice %arg2[%dma_start3A_191, %mul3A_176] : memref<64x1000000xf32, #tpu.memory_space<hbm>> -> memref<64x384xf32, #tpu.memory_space<hbm>>
            tpu.enqueue_dma source(%dma_start3A_192 : memref<64x384xf32, #tpu.memory_space<hbm>>) target(%dma_start3A_190 : memref<64x384xf32, #tpu.memory_space<vmem>>) target_semaphore(%dma_start3A_186 : memref<!tpu.dma_semaphore, #tpu.memory_space<semaphore_mem>>)
          } else {
          }
        } else {
        }
        %rem3A_108 = arith.constant 2 : i32
        %rem3A_109 = arith.remsi %scan3A_94, %rem3A_108 : i32
        %eq3A_110 = arith.constant 1 : i32
        %eq3A_111 = arith.cmpi eq, %rem3A_109, %eq3A_110 : i32
        %convert_element_type3A_112 = arith.extui %eq3A_111 : i1 to i32
        %cond3A_113 = arith.constant 0 : i32
        %cond3A_114 = arith.cmpi ne, %convert_element_type3A_112, %cond3A_113 : i32
        scf.if %cond3A_114 {
          %mul3A_115 = arith.constant 32 : i32
          %mul3A_116 = arith.muli %scan3A_94, %mul3A_115 : i32
          %add3A_117 = arith.addi %add3A, %mul3A_116 : i32
          %mul3A_118 = arith.constant 384 : i32
          %mul3A_119 = arith.muli %add3A_117, %mul3A_118 : i32
          %dma_wait3A_120 = arith.constant 1 : i32
          %dma_wait3A_121 = arith.constant 1 : i32
          %dma_wait3A_122 = arith.constant 0 : i32
          %dma_wait3A_123 = arith.constant 0 : i32
          %dma_wait3A_124 = tpu.memref_slice %arg5[%dma_wait3A_120, %dma_wait3A_122, %dma_wait3A_123] : memref<2x64x384xf32, #tpu.memory_space<vmem>> -> memref<1x64x384xf32, #tpu.memory_space<vmem>>
          %dma_wait3A_125 = tpu.memref_squeeze %dma_wait3A_124 : memref<1x64x384xf32, #tpu.memory_space<vmem>> -> memref<64x384xf32, #tpu.memory_space<vmem>>
          %dma_wait3A_126 = arith.constant 0 : i32
          %dma_wait3A_127 = tpu.memref_slice %arg2[%dma_wait3A_126, %mul3A_119] : memref<64x1000000xf32, #tpu.memory_space<hbm>> -> memref<64x384xf32, #tpu.memory_space<hbm>>
          %dma_wait3A_128 = tpu.memref_slice %arg8[%dma_wait3A_121] : memref<2x!tpu.dma_semaphore, #tpu.memory_space<semaphore_mem>> -> memref<1x!tpu.dma_semaphore, #tpu.memory_space<semaphore_mem>>
          %dma_wait3A_129 = tpu.memref_squeeze %dma_wait3A_128 : memref<1x!tpu.dma_semaphore, #tpu.memory_space<semaphore_mem>> -> memref<!tpu.dma_semaphore, #tpu.memory_space<semaphore_mem>>
          %dma_wait3A_130 = arith.constant 0 : i32
          %dma_wait3A_131 = arith.constant 0 : i32
          %dma_wait3A_132 = tpu.memref_slice %arg5[%dma_wait3A_120, %dma_wait3A_130, %dma_wait3A_131] : memref<2x64x384xf32, #tpu.memory_space<vmem>> -> memref<1x64x384xf32, #tpu.memory_space<vmem>>
          %dma_wait3A_133 = tpu.memref_squeeze %dma_wait3A_132 : memref<1x64x384xf32, #tpu.memory_space<vmem>> -> memref<64x384xf32, #tpu.memory_space<vmem>>
          %dma_wait3A_134 = arith.constant 0 : i32
          %dma_wait3A_135 = tpu.memref_slice %arg2[%dma_wait3A_134, %mul3A_119] : memref<64x1000000xf32, #tpu.memory_space<hbm>> -> memref<64x384xf32, #tpu.memory_space<hbm>>
          tpu.wait_dma2 semaphore(%dma_wait3A_129 : memref<!tpu.dma_semaphore, #tpu.memory_space<semaphore_mem>>) src(%dma_wait3A_135 : memref<64x384xf32, #tpu.memory_space<hbm>>) dst(%dma_wait3A_133 : memref<64x384xf32, #tpu.memory_space<vmem>>)
          %ge3A = arith.constant 2 : i32
          %ge3A_136 = arith.cmpi sge, %scan3A_94, %ge3A : i32
          %convert_element_type3A_137 = arith.extui %ge3A_136 : i1 to i32
          %cond3A_138 = arith.constant 0 : i32
          %cond3A_139 = arith.cmpi ne, %convert_element_type3A_137, %cond3A_138 : i32
          scf.if %cond3A_139 {
            %sub3A = arith.constant 2 : i32
            %sub3A_170 = arith.subi %scan3A_94, %sub3A : i32
            %mul3A_171 = arith.constant 32 : i32
            %mul3A_172 = arith.muli %sub3A_170, %mul3A_171 : i32
            %add3A_173 = arith.addi %add3A, %mul3A_172 : i32
            %mul3A_174 = arith.constant 192 : i32
            %mul3A_175 = arith.muli %add3A_173, %mul3A_174 : i32
            %dma_wait3A_176 = arith.constant 1 : i32
            %dma_wait3A_177 = arith.constant 1 : i32
            %dma_wait3A_178 = arith.constant 0 : i32
            %dma_wait3A_179 = arith.constant 0 : i32
            %dma_wait3A_180 = tpu.memref_slice %arg6[%dma_wait3A_176, %dma_wait3A_178, %dma_wait3A_179] : memref<2x192x128xf32, #tpu.memory_space<vmem>> -> memref<1x192x128xf32, #tpu.memory_space<vmem>>
            %dma_wait3A_181 = tpu.memref_squeeze %dma_wait3A_180 : memref<1x192x128xf32, #tpu.memory_space<vmem>> -> memref<192x128xf32, #tpu.memory_space<vmem>>
            %dma_wait3A_182 = arith.constant 0 : i32
            %dma_wait3A_183 = tpu.memref_slice %arg4[%mul3A_175, %dma_wait3A_182] : memref<500000x128xf32, #tpu.memory_space<hbm>> -> memref<192x128xf32, #tpu.memory_space<hbm>>
            %dma_wait3A_184 = tpu.memref_slice %arg9[%dma_wait3A_177] : memref<2x!tpu.dma_semaphore, #tpu.memory_space<semaphore_mem>> -> memref<1x!tpu.dma_semaphore, #tpu.memory_space<semaphore_mem>>
            %dma_wait3A_185 = tpu.memref_squeeze %dma_wait3A_184 : memref<1x!tpu.dma_semaphore, #tpu.memory_space<semaphore_mem>> -> memref<!tpu.dma_semaphore, #tpu.memory_space<semaphore_mem>>
            %dma_wait3A_186 = arith.constant 0 : i32
            %dma_wait3A_187 = tpu.memref_slice %arg4[%mul3A_175, %dma_wait3A_186] : memref<500000x128xf32, #tpu.memory_space<hbm>> -> memref<192x128xf32, #tpu.memory_space<hbm>>
            %dma_wait3A_188 = arith.constant 0 : i32
            %dma_wait3A_189 = arith.constant 0 : i32
            %dma_wait3A_190 = tpu.memref_slice %arg6[%dma_wait3A_176, %dma_wait3A_188, %dma_wait3A_189] : memref<2x192x128xf32, #tpu.memory_space<vmem>> -> memref<1x192x128xf32, #tpu.memory_space<vmem>>
            %dma_wait3A_191 = tpu.memref_squeeze %dma_wait3A_190 : memref<1x192x128xf32, #tpu.memory_space<vmem>> -> memref<192x128xf32, #tpu.memory_space<vmem>>
            tpu.wait_dma2 semaphore(%dma_wait3A_185 : memref<!tpu.dma_semaphore, #tpu.memory_space<semaphore_mem>>) src(%dma_wait3A_191 : memref<192x128xf32, #tpu.memory_space<vmem>>) dst(%dma_wait3A_187 : memref<192x128xf32, #tpu.memory_space<hbm>>)
          } else {
          }
          %parallel_loop3A = arith.constant 0 : i32
          %parallel_loop3A_140 = arith.constant 192 : i32
          %parallel_loop3A_141 = arith.constant 1 : i32
          scf.for %parallel_loop3A_170 = %parallel_loop3A to %parallel_loop3A_140 step %parallel_loop3A_141  : i32 {
            %parallel_loop3A_171 = arith.constant 2 : i32
            %parallel_loop3A_172 = arith.muli %parallel_loop3A_171, %parallel_loop3A_170 : i32
            %parallel_loop3A_173 = arith.constant 0 : i32
            %parallel_loop3A_174 = arith.addi %parallel_loop3A_172, %parallel_loop3A_173 : i32
            %parallel_loop3A_175 = vector.broadcast %parallel_loop3A_174 : i32 to vector<16xi32>
            %parallel_loop3A_176 = arith.constant 1 : i32
            %parallel_loop3A_177 = arith.constant 0 : i32
            %parallel_loop3A_178 = arith.constant 0 : i32
            %parallel_loop3A_179 = tpu.memref_slice %arg5[%parallel_loop3A_176, %parallel_loop3A_177, %parallel_loop3A_178] : memref<2x64x384xf32, #tpu.memory_space<vmem>> -> memref<1x64x384xf32, #tpu.memory_space<vmem>>
            %parallel_loop3A_180 = tpu.memref_squeeze %parallel_loop3A_179 : memref<1x64x384xf32, #tpu.memory_space<vmem>> -> memref<64x384xf32, #tpu.memory_space<vmem>>
            %parallel_loop3A_181 = tpu.vector_load_idx %parallel_loop3A_180[%add3A_3, %parallel_loop3A_175] : memref<64x384xf32, #tpu.memory_space<vmem>>[vector<16xi32>, vector<16xi32>], vector<16xf32>,
            %parallel_loop3A_182 = arith.constant 1 : i32
            %parallel_loop3A_183 = arith.index_cast %parallel_loop3A_182 : i32 to index
            %parallel_loop3A_184 = arith.index_cast %parallel_loop3A_170 : i32 to index
            %parallel_loop3A_185 = arith.constant 0 : index
            %parallel_loop3A_186 = tpu.vector_load %arg6[%parallel_loop3A_183, %parallel_loop3A_184, %parallel_loop3A_185] {strides = array<i32>} : memref<2x192x128xf32, #tpu.memory_space<vmem>>, vector<16xf32>,
            tpu.vector_store %arg6[%parallel_loop3A_183, %parallel_loop3A_184, %parallel_loop3A_185], %parallel_loop3A_181 {strides = array<i32>} : memref<2x192x128xf32, #tpu.memory_space<vmem>>, vector<16xf32>,
            %parallel_loop3A_187 = arith.constant 1 : i32
            %parallel_loop3A_188 = arith.constant 0 : i32
            %parallel_loop3A_189 = arith.constant 0 : i32
            %parallel_loop3A_190 = tpu.memref_slice %arg5[%parallel_loop3A_187, %parallel_loop3A_188, %parallel_loop3A_189] : memref<2x64x384xf32, #tpu.memory_space<vmem>> -> memref<1x64x384xf32, #tpu.memory_space<vmem>>
            %parallel_loop3A_191 = tpu.memref_squeeze %parallel_loop3A_190 : memref<1x64x384xf32, #tpu.memory_space<vmem>> -> memref<64x384xf32, #tpu.memory_space<vmem>>
            %parallel_loop3A_192 = tpu.vector_load_idx %parallel_loop3A_191[%add3A_6, %parallel_loop3A_175] : memref<64x384xf32, #tpu.memory_space<vmem>>[vector<16xi32>, vector<16xi32>], vector<16xf32>,
            %parallel_loop3A_193 = arith.constant 1 : i32
            %parallel_loop3A_194 = arith.index_cast %parallel_loop3A_193 : i32 to index
            %parallel_loop3A_195 = arith.index_cast %parallel_loop3A_170 : i32 to index
            %parallel_loop3A_196 = arith.constant 16 : index
            %parallel_loop3A_197 = tpu.vector_load %arg6[%parallel_loop3A_194, %parallel_loop3A_195, %parallel_loop3A_196] {strides = array<i32>} : memref<2x192x128xf32, #tpu.memory_space<vmem>>, vector<16xf32>,
            tpu.vector_store %arg6[%parallel_loop3A_194, %parallel_loop3A_195, %parallel_loop3A_196], %parallel_loop3A_192 {strides = array<i32>} : memref<2x192x128xf32, #tpu.memory_space<vmem>>, vector<16xf32>,
            %parallel_loop3A_198 = arith.constant 1 : i32
            %parallel_loop3A_199 = arith.constant 0 : i32
            %parallel_loop3A_200 = arith.constant 0 : i32
            %parallel_loop3A_201 = tpu.memref_slice %arg5[%parallel_loop3A_198, %parallel_loop3A_199, %parallel_loop3A_200] : memref<2x64x384xf32, #tpu.memory_space<vmem>> -> memref<1x64x384xf32, #tpu.memory_space<vmem>>
            %parallel_loop3A_202 = tpu.memref_squeeze %parallel_loop3A_201 : memref<1x64x384xf32, #tpu.memory_space<vmem>> -> memref<64x384xf32, #tpu.memory_space<vmem>>
            %parallel_loop3A_203 = tpu.vector_load_idx %parallel_loop3A_202[%add3A_9, %parallel_loop3A_175] : memref<64x384xf32, #tpu.memory_space<vmem>>[vector<16xi32>, vector<16xi32>], vector<16xf32>,
            %parallel_loop3A_204 = arith.constant 1 : i32
            %parallel_loop3A_205 = arith.index_cast %parallel_loop3A_204 : i32 to index
            %parallel_loop3A_206 = arith.index_cast %parallel_loop3A_170 : i32 to index
            %parallel_loop3A_207 = arith.constant 32 : index
            %parallel_loop3A_208 = tpu.vector_load %arg6[%parallel_loop3A_205, %parallel_loop3A_206, %parallel_loop3A_207] {strides = array<i32>} : memref<2x192x128xf32, #tpu.memory_space<vmem>>, vector<16xf32>,
            tpu.vector_store %arg6[%parallel_loop3A_205, %parallel_loop3A_206, %parallel_loop3A_207], %parallel_loop3A_203 {strides = array<i32>} : memref<2x192x128xf32, #tpu.memory_space<vmem>>, vector<16xf32>,
            %parallel_loop3A_209 = arith.constant 1 : i32
            %parallel_loop3A_210 = arith.constant 0 : i32
            %parallel_loop3A_211 = arith.constant 0 : i32
            %parallel_loop3A_212 = tpu.memref_slice %arg5[%parallel_loop3A_209, %parallel_loop3A_210, %parallel_loop3A_211] : memref<2x64x384xf32, #tpu.memory_space<vmem>> -> memref<1x64x384xf32, #tpu.memory_space<vmem>>
            %parallel_loop3A_213 = tpu.memref_squeeze %parallel_loop3A_212 : memref<1x64x384xf32, #tpu.memory_space<vmem>> -> memref<64x384xf32, #tpu.memory_space<vmem>>
            %parallel_loop3A_214 = tpu.vector_load_idx %parallel_loop3A_213[%add3A_12, %parallel_loop3A_175] : memref<64x384xf32, #tpu.memory_space<vmem>>[vector<16xi32>, vector<16xi32>], vector<16xf32>,
            %parallel_loop3A_215 = arith.constant 1 : i32
            %parallel_loop3A_216 = arith.index_cast %parallel_loop3A_215 : i32 to index
            %parallel_loop3A_217 = arith.index_cast %parallel_loop3A_170 : i32 to index
            %parallel_loop3A_218 = arith.constant 48 : index
            %parallel_loop3A_219 = tpu.vector_load %arg6[%parallel_loop3A_216, %parallel_loop3A_217, %parallel_loop3A_218] {strides = array<i32>} : memref<2x192x128xf32, #tpu.memory_space<vmem>>, vector<16xf32>,
            tpu.vector_store %arg6[%parallel_loop3A_216, %parallel_loop3A_217, %parallel_loop3A_218], %parallel_loop3A_214 {strides = array<i32>} : memref<2x192x128xf32, #tpu.memory_space<vmem>>, vector<16xf32>,
            %parallel_loop3A_220 = arith.constant 2 : i32
            %parallel_loop3A_221 = arith.muli %parallel_loop3A_220, %parallel_loop3A_170 : i32
            %parallel_loop3A_222 = arith.constant 1 : i32
            %parallel_loop3A_223 = arith.addi %parallel_loop3A_221, %parallel_loop3A_222 : i32
            %parallel_loop3A_224 = vector.broadcast %parallel_loop3A_223 : i32 to vector<16xi32>
            %parallel_loop3A_225 = arith.constant 1 : i32
            %parallel_loop3A_226 = arith.constant 0 : i32
            %parallel_loop3A_227 = arith.constant 0 : i32
            %parallel_loop3A_228 = tpu.memref_slice %arg5[%parallel_loop3A_225, %parallel_loop3A_226, %parallel_loop3A_227] : memref<2x64x384xf32, #tpu.memory_space<vmem>> -> memref<1x64x384xf32, #tpu.memory_space<vmem>>
            %parallel_loop3A_229 = tpu.memref_squeeze %parallel_loop3A_228 : memref<1x64x384xf32, #tpu.memory_space<vmem>> -> memref<64x384xf32, #tpu.memory_space<vmem>>
            %parallel_loop3A_230 = tpu.vector_load_idx %parallel_loop3A_229[%add3A_3, %parallel_loop3A_224] : memref<64x384xf32, #tpu.memory_space<vmem>>[vector<16xi32>, vector<16xi32>], vector<16xf32>,
            %parallel_loop3A_231 = arith.constant 1 : i32
            %parallel_loop3A_232 = arith.index_cast %parallel_loop3A_231 : i32 to index
            %parallel_loop3A_233 = arith.index_cast %parallel_loop3A_170 : i32 to index
            %parallel_loop3A_234 = arith.constant 64 : index
            %parallel_loop3A_235 = tpu.vector_load %arg6[%parallel_loop3A_232, %parallel_loop3A_233, %parallel_loop3A_234] {strides = array<i32>} : memref<2x192x128xf32, #tpu.memory_space<vmem>>, vector<16xf32>,
            tpu.vector_store %arg6[%parallel_loop3A_232, %parallel_loop3A_233, %parallel_loop3A_234], %parallel_loop3A_230 {strides = array<i32>} : memref<2x192x128xf32, #tpu.memory_space<vmem>>, vector<16xf32>,
            %parallel_loop3A_236 = arith.constant 1 : i32
            %parallel_loop3A_237 = arith.constant 0 : i32
            %parallel_loop3A_238 = arith.constant 0 : i32
            %parallel_loop3A_239 = tpu.memref_slice %arg5[%parallel_loop3A_236, %parallel_loop3A_237, %parallel_loop3A_238] : memref<2x64x384xf32, #tpu.memory_space<vmem>> -> memref<1x64x384xf32, #tpu.memory_space<vmem>>
            %parallel_loop3A_240 = tpu.memref_squeeze %parallel_loop3A_239 : memref<1x64x384xf32, #tpu.memory_space<vmem>> -> memref<64x384xf32, #tpu.memory_space<vmem>>
            %parallel_loop3A_241 = tpu.vector_load_idx %parallel_loop3A_240[%add3A_6, %parallel_loop3A_224] : memref<64x384xf32, #tpu.memory_space<vmem>>[vector<16xi32>, vector<16xi32>], vector<16xf32>,
            %parallel_loop3A_242 = arith.constant 1 : i32
            %parallel_loop3A_243 = arith.index_cast %parallel_loop3A_242 : i32 to index
            %parallel_loop3A_244 = arith.index_cast %parallel_loop3A_170 : i32 to index
            %parallel_loop3A_245 = arith.constant 80 : index
            %parallel_loop3A_246 = tpu.vector_load %arg6[%parallel_loop3A_243, %parallel_loop3A_244, %parallel_loop3A_245] {strides = array<i32>} : memref<2x192x128xf32, #tpu.memory_space<vmem>>, vector<16xf32>,
            tpu.vector_store %arg6[%parallel_loop3A_243, %parallel_loop3A_244, %parallel_loop3A_245], %parallel_loop3A_241 {strides = array<i32>} : memref<2x192x128xf32, #tpu.memory_space<vmem>>, vector<16xf32>,
            %parallel_loop3A_247 = arith.constant 1 : i32
            %parallel_loop3A_248 = arith.constant 0 : i32
            %parallel_loop3A_249 = arith.constant 0 : i32
            %parallel_loop3A_250 = tpu.memref_slice %arg5[%parallel_loop3A_247, %parallel_loop3A_248, %parallel_loop3A_249] : memref<2x64x384xf32, #tpu.memory_space<vmem>> -> memref<1x64x384xf32, #tpu.memory_space<vmem>>
            %parallel_loop3A_251 = tpu.memref_squeeze %parallel_loop3A_250 : memref<1x64x384xf32, #tpu.memory_space<vmem>> -> memref<64x384xf32, #tpu.memory_space<vmem>>
            %parallel_loop3A_252 = tpu.vector_load_idx %parallel_loop3A_251[%add3A_9, %parallel_loop3A_224] : memref<64x384xf32, #tpu.memory_space<vmem>>[vector<16xi32>, vector<16xi32>], vector<16xf32>,
            %parallel_loop3A_253 = arith.constant 1 : i32
            %parallel_loop3A_254 = arith.index_cast %parallel_loop3A_253 : i32 to index
            %parallel_loop3A_255 = arith.index_cast %parallel_loop3A_170 : i32 to index
            %parallel_loop3A_256 = arith.constant 96 : index
            %parallel_loop3A_257 = tpu.vector_load %arg6[%parallel_loop3A_254, %parallel_loop3A_255, %parallel_loop3A_256] {strides = array<i32>} : memref<2x192x128xf32, #tpu.memory_space<vmem>>, vector<16xf32>,
            tpu.vector_store %arg6[%parallel_loop3A_254, %parallel_loop3A_255, %parallel_loop3A_256], %parallel_loop3A_252 {strides = array<i32>} : memref<2x192x128xf32, #tpu.memory_space<vmem>>, vector<16xf32>,
            %parallel_loop3A_258 = arith.constant 1 : i32
            %parallel_loop3A_259 = arith.constant 0 : i32
            %parallel_loop3A_260 = arith.constant 0 : i32
            %parallel_loop3A_261 = tpu.memref_slice %arg5[%parallel_loop3A_258, %parallel_loop3A_259, %parallel_loop3A_260] : memref<2x64x384xf32, #tpu.memory_space<vmem>> -> memref<1x64x384xf32, #tpu.memory_space<vmem>>
            %parallel_loop3A_262 = tpu.memref_squeeze %parallel_loop3A_261 : memref<1x64x384xf32, #tpu.memory_space<vmem>> -> memref<64x384xf32, #tpu.memory_space<vmem>>
            %parallel_loop3A_263 = tpu.vector_load_idx %parallel_loop3A_262[%add3A_12, %parallel_loop3A_224] : memref<64x384xf32, #tpu.memory_space<vmem>>[vector<16xi32>, vector<16xi32>], vector<16xf32>,
            %parallel_loop3A_264 = arith.constant 1 : i32
            %parallel_loop3A_265 = arith.index_cast %parallel_loop3A_264 : i32 to index
            %parallel_loop3A_266 = arith.index_cast %parallel_loop3A_170 : i32 to index
            %parallel_loop3A_267 = arith.constant 112 : index
            %parallel_loop3A_268 = tpu.vector_load %arg6[%parallel_loop3A_265, %parallel_loop3A_266, %parallel_loop3A_267] {strides = array<i32>} : memref<2x192x128xf32, #tpu.memory_space<vmem>>, vector<16xf32>,
            tpu.vector_store %arg6[%parallel_loop3A_265, %parallel_loop3A_266, %parallel_loop3A_267], %parallel_loop3A_263 {strides = array<i32>} : memref<2x192x128xf32, #tpu.memory_space<vmem>>, vector<16xf32>,
          } {sc.loop_unroll_factor = 8 : i64, sc.parallel_access}
          %mul3A_142 = arith.constant 32 : i32
          %mul3A_143 = arith.muli %scan3A_94, %mul3A_142 : i32
          %add3A_144 = arith.addi %add3A, %mul3A_143 : i32
          %mul3A_145 = arith.constant 192 : i32
          %mul3A_146 = arith.muli %add3A_144, %mul3A_145 : i32
          %dma_start3A_147 = arith.constant 1 : i32
          %dma_start3A_148 = arith.constant 1 : i32
          %dma_start3A_149 = arith.constant 0 : i32
          %dma_start3A_150 = arith.constant 0 : i32
          %dma_start3A_151 = tpu.memref_slice %arg6[%dma_start3A_147, %dma_start3A_149, %dma_start3A_150] : memref<2x192x128xf32, #tpu.memory_space<vmem>> -> memref<1x192x128xf32, #tpu.memory_space<vmem>>
          %dma_start3A_152 = tpu.memref_squeeze %dma_start3A_151 : memref<1x192x128xf32, #tpu.memory_space<vmem>> -> memref<192x128xf32, #tpu.memory_space<vmem>>
          %dma_start3A_153 = arith.constant 0 : i32
          %dma_start3A_154 = tpu.memref_slice %arg4[%mul3A_146, %dma_start3A_153] : memref<500000x128xf32, #tpu.memory_space<hbm>> -> memref<192x128xf32, #tpu.memory_space<hbm>>
          %dma_start3A_155 = tpu.memref_slice %arg9[%dma_start3A_148] : memref<2x!tpu.dma_semaphore, #tpu.memory_space<semaphore_mem>> -> memref<1x!tpu.dma_semaphore, #tpu.memory_space<semaphore_mem>>
          %dma_start3A_156 = tpu.memref_squeeze %dma_start3A_155 : memref<1x!tpu.dma_semaphore, #tpu.memory_space<semaphore_mem>> -> memref<!tpu.dma_semaphore, #tpu.memory_space<semaphore_mem>>
          %dma_start3A_157 = arith.constant 0 : i32
          %dma_start3A_158 = tpu.memref_slice %arg4[%mul3A_146, %dma_start3A_157] : memref<500000x128xf32, #tpu.memory_space<hbm>> -> memref<192x128xf32, #tpu.memory_space<hbm>>
          %dma_start3A_159 = arith.constant 0 : i32
          %dma_start3A_160 = arith.constant 0 : i32
          %dma_start3A_161 = tpu.memref_slice %arg6[%dma_start3A_147, %dma_start3A_159, %dma_start3A_160] : memref<2x192x128xf32, #tpu.memory_space<vmem>> -> memref<1x192x128xf32, #tpu.memory_space<vmem>>
          %dma_start3A_162 = tpu.memref_squeeze %dma_start3A_161 : memref<1x192x128xf32, #tpu.memory_space<vmem>> -> memref<192x128xf32, #tpu.memory_space<vmem>>
          tpu.enqueue_dma source(%dma_start3A_162 : memref<192x128xf32, #tpu.memory_space<vmem>>) target(%dma_start3A_158 : memref<192x128xf32, #tpu.memory_space<hbm>>) target_semaphore(%dma_start3A_156 : memref<!tpu.dma_semaphore, #tpu.memory_space<semaphore_mem>>)
          %add3A_163 = arith.constant 64 : i32
          %add3A_164 = arith.addi %add3A_97, %add3A_163 : i32
          %lt3A_165 = arith.constant 2604 : i32
          %lt3A_166 = arith.cmpi slt, %add3A_164, %lt3A_165 : i32
          %convert_element_type3A_167 = arith.extui %lt3A_166 : i1 to i32
          %cond3A_168 = arith.constant 0 : i32
          %cond3A_169 = arith.cmpi ne, %convert_element_type3A_167, %cond3A_168 : i32
          scf.if %cond3A_169 {
            %add3A_170 = arith.constant 2 : i32
            %add3A_171 = arith.addi %scan3A_94, %add3A_170 : i32
            %mul3A_172 = arith.constant 32 : i32
            %mul3A_173 = arith.muli %add3A_171, %mul3A_172 : i32
            %add3A_174 = arith.addi %add3A, %mul3A_173 : i32
            %mul3A_175 = arith.constant 384 : i32
            %mul3A_176 = arith.muli %add3A_174, %mul3A_175 : i32
            %dma_start3A_177 = arith.constant 1 : i32
            %dma_start3A_178 = arith.constant 1 : i32
            %dma_start3A_179 = arith.constant 0 : i32
            %dma_start3A_180 = arith.constant 0 : i32
            %dma_start3A_181 = tpu.memref_slice %arg5[%dma_start3A_177, %dma_start3A_179, %dma_start3A_180] : memref<2x64x384xf32, #tpu.memory_space<vmem>> -> memref<1x64x384xf32, #tpu.memory_space<vmem>>
            %dma_start3A_182 = tpu.memref_squeeze %dma_start3A_181 : memref<1x64x384xf32, #tpu.memory_space<vmem>> -> memref<64x384xf32, #tpu.memory_space<vmem>>
            %dma_start3A_183 = arith.constant 0 : i32
            %dma_start3A_184 = tpu.memref_slice %arg2[%dma_start3A_183, %mul3A_176] : memref<64x1000000xf32, #tpu.memory_space<hbm>> -> memref<64x384xf32, #tpu.memory_space<hbm>>
            %dma_start3A_185 = tpu.memref_slice %arg8[%dma_start3A_178] : memref<2x!tpu.dma_semaphore, #tpu.memory_space<semaphore_mem>> -> memref<1x!tpu.dma_semaphore, #tpu.memory_space<semaphore_mem>>
            %dma_start3A_186 = tpu.memref_squeeze %dma_start3A_185 : memref<1x!tpu.dma_semaphore, #tpu.memory_space<semaphore_mem>> -> memref<!tpu.dma_semaphore, #tpu.memory_space<semaphore_mem>>
            %dma_start3A_187 = arith.constant 0 : i32
            %dma_start3A_188 = arith.constant 0 : i32
            %dma_start3A_189 = tpu.memref_slice %arg5[%dma_start3A_177, %dma_start3A_187, %dma_start3A_188] : memref<2x64x384xf32, #tpu.memory_space<vmem>> -> memref<1x64x384xf32, #tpu.memory_space<vmem>>
            %dma_start3A_190 = tpu.memref_squeeze %dma_start3A_189 : memref<1x64x384xf32, #tpu.memory_space<vmem>> -> memref<64x384xf32, #tpu.memory_space<vmem>>
            %dma_start3A_191 = arith.constant 0 : i32
            %dma_start3A_192 = tpu.memref_slice %arg2[%dma_start3A_191, %mul3A_176] : memref<64x1000000xf32, #tpu.memory_space<hbm>> -> memref<64x384xf32, #tpu.memory_space<hbm>>
            tpu.enqueue_dma source(%dma_start3A_192 : memref<64x384xf32, #tpu.memory_space<hbm>>) target(%dma_start3A_190 : memref<64x384xf32, #tpu.memory_space<vmem>>) target_semaphore(%dma_start3A_186 : memref<!tpu.dma_semaphore, #tpu.memory_space<semaphore_mem>>)
          } else {
          }
        } else {
        }
      } else {
      }
    }
    %scan3A_56 = arith.constant 82 : i32
    %dma_wait3A = arith.constant 0 : i32
    %dma_wait3A_57 = arith.constant 0 : i32
    %dma_wait3A_58 = arith.constant 0 : i32
    %dma_wait3A_59 = arith.constant 0 : i32
    %dma_wait3A_60 = tpu.memref_slice %arg6[%dma_wait3A, %dma_wait3A_58, %dma_wait3A_59] : memref<2x192x128xf32, #tpu.memory_space<vmem>> -> memref<1x192x128xf32, #tpu.memory_space<vmem>>
    %dma_wait3A_61 = tpu.memref_squeeze %dma_wait3A_60 : memref<1x192x128xf32, #tpu.memory_space<vmem>> -> memref<192x128xf32, #tpu.memory_space<vmem>>
    %dma_wait3A_62 = arith.constant 0 : i32
    %dma_wait3A_63 = arith.constant 0 : i32
    %dma_wait3A_64 = tpu.memref_slice %arg4[%dma_wait3A_62, %dma_wait3A_63] : memref<500000x128xf32, #tpu.memory_space<hbm>> -> memref<192x128xf32, #tpu.memory_space<hbm>>
    %dma_wait3A_65 = tpu.memref_slice %arg9[%dma_wait3A_57] : memref<2x!tpu.dma_semaphore, #tpu.memory_space<semaphore_mem>> -> memref<1x!tpu.dma_semaphore, #tpu.memory_space<semaphore_mem>>
    %dma_wait3A_66 = tpu.memref_squeeze %dma_wait3A_65 : memref<1x!tpu.dma_semaphore, #tpu.memory_space<semaphore_mem>> -> memref<!tpu.dma_semaphore, #tpu.memory_space<semaphore_mem>>
    %dma_wait3A_67 = arith.constant 0 : i32
    %dma_wait3A_68 = arith.constant 0 : i32
    %dma_wait3A_69 = tpu.memref_slice %arg4[%dma_wait3A_67, %dma_wait3A_68] : memref<500000x128xf32, #tpu.memory_space<hbm>> -> memref<192x128xf32, #tpu.memory_space<hbm>>
    %dma_wait3A_70 = arith.constant 0 : i32
    %dma_wait3A_71 = arith.constant 0 : i32
    %dma_wait3A_72 = tpu.memref_slice %arg6[%dma_wait3A, %dma_wait3A_70, %dma_wait3A_71] : memref<2x192x128xf32, #tpu.memory_space<vmem>> -> memref<1x192x128xf32, #tpu.memory_space<vmem>>
    %dma_wait3A_73 = tpu.memref_squeeze %dma_wait3A_72 : memref<1x192x128xf32, #tpu.memory_space<vmem>> -> memref<192x128xf32, #tpu.memory_space<vmem>>
    tpu.wait_dma2 semaphore(%dma_wait3A_66 : memref<!tpu.dma_semaphore, #tpu.memory_space<semaphore_mem>>) src(%dma_wait3A_73 : memref<192x128xf32, #tpu.memory_space<vmem>>) dst(%dma_wait3A_69 : memref<192x128xf32, #tpu.memory_space<hbm>>)
    %dma_wait3A_74 = arith.constant 1 : i32
    %dma_wait3A_75 = arith.constant 1 : i32
    %dma_wait3A_76 = arith.constant 0 : i32
    %dma_wait3A_77 = arith.constant 0 : i32
    %dma_wait3A_78 = tpu.memref_slice %arg6[%dma_wait3A_74, %dma_wait3A_76, %dma_wait3A_77] : memref<2x192x128xf32, #tpu.memory_space<vmem>> -> memref<1x192x128xf32, #tpu.memory_space<vmem>>
    %dma_wait3A_79 = tpu.memref_squeeze %dma_wait3A_78 : memref<1x192x128xf32, #tpu.memory_space<vmem>> -> memref<192x128xf32, #tpu.memory_space<vmem>>
    %dma_wait3A_80 = arith.constant 0 : i32
    %dma_wait3A_81 = arith.constant 0 : i32
    %dma_wait3A_82 = tpu.memref_slice %arg4[%dma_wait3A_80, %dma_wait3A_81] : memref<500000x128xf32, #tpu.memory_space<hbm>> -> memref<192x128xf32, #tpu.memory_space<hbm>>
    %dma_wait3A_83 = tpu.memref_slice %arg9[%dma_wait3A_75] : memref<2x!tpu.dma_semaphore, #tpu.memory_space<semaphore_mem>> -> memref<1x!tpu.dma_semaphore, #tpu.memory_space<semaphore_mem>>
    %dma_wait3A_84 = tpu.memref_squeeze %dma_wait3A_83 : memref<1x!tpu.dma_semaphore, #tpu.memory_space<semaphore_mem>> -> memref<!tpu.dma_semaphore, #tpu.memory_space<semaphore_mem>>
    %dma_wait3A_85 = arith.constant 0 : i32
    %dma_wait3A_86 = arith.constant 0 : i32
    %dma_wait3A_87 = tpu.memref_slice %arg4[%dma_wait3A_85, %dma_wait3A_86] : memref<500000x128xf32, #tpu.memory_space<hbm>> -> memref<192x128xf32, #tpu.memory_space<hbm>>
    %dma_wait3A_88 = arith.constant 0 : i32
    %dma_wait3A_89 = arith.constant 0 : i32
    %dma_wait3A_90 = tpu.memref_slice %arg6[%dma_wait3A_74, %dma_wait3A_88, %dma_wait3A_89] : memref<2x192x128xf32, #tpu.memory_space<vmem>> -> memref<1x192x128xf32, #tpu.memory_space<vmem>>
    %dma_wait3A_91 = tpu.memref_squeeze %dma_wait3A_90 : memref<1x192x128xf32, #tpu.memory_space<vmem>> -> memref<192x128xf32, #tpu.memory_space<vmem>>
    tpu.wait_dma2 semaphore(%dma_wait3A_84 : memref<!tpu.dma_semaphore, #tpu.memory_space<semaphore_mem>>) src(%dma_wait3A_91 : memref<192x128xf32, #tpu.memory_space<vmem>>) dst(%dma_wait3A_87 : memref<192x128xf32, #tpu.memory_space<hbm>>)
    %eq3A = arith.constant 0 : i32
    %eq3A_92 = arith.cmpi eq, %add3A, %eq3A : i32
    %convert_element_type3A = arith.extui %eq3A_92 : i1 to i32
    %cond3A = arith.constant 0 : i32
    %cond3A_93 = arith.cmpi ne, %convert_element_type3A, %cond3A : i32
    scf.if %cond3A_93 {
      tpu.enqueue_dma source(%arg3 : memref<32x128xf32, #tpu.memory_space<hbm>>) target(%arg7 : memref<32x128xf32, #tpu.memory_space<vmem>>) target_semaphore(%arg10 : memref<!tpu.dma_semaphore, #tpu.memory_space<semaphore_mem>>)
      tpu.wait_dma2 semaphore(%arg10 : memref<!tpu.dma_semaphore, #tpu.memory_space<semaphore_mem>>) src(%arg3 : memref<32x128xf32, #tpu.memory_space<hbm>>) dst(%arg7 : memref<32x128xf32, #tpu.memory_space<vmem>>)
      "tpu.region"() ({
        %run_scoped3A = tpu.sem_alloc : memref<!tpu.dma_semaphore, #tpu.memory_space<semaphore_mem>>
        %dma_start3A_94 = arith.constant 499968 : i32
        %dma_start3A_95 = arith.constant 0 : i32
        %dma_start3A_96 = tpu.memref_slice %arg4[%dma_start3A_94, %dma_start3A_95] : memref<500000x128xf32, #tpu.memory_space<hbm>> -> memref<32x128xf32, #tpu.memory_space<hbm>>
        %dma_start3A_97 = arith.constant 499968 : i32
        %dma_start3A_98 = arith.constant 0 : i32
        %dma_start3A_99 = tpu.memref_slice %arg4[%dma_start3A_97, %dma_start3A_98] : memref<500000x128xf32, #tpu.memory_space<hbm>> -> memref<32x128xf32, #tpu.memory_space<hbm>>
        tpu.enqueue_dma source(%arg7 : memref<32x128xf32, #tpu.memory_space<vmem>>) target(%dma_start3A_99 : memref<32x128xf32, #tpu.memory_space<hbm>>) target_semaphore(%run_scoped3A : memref<!tpu.dma_semaphore, #tpu.memory_space<semaphore_mem>>)
        %dma_wait3A_100 = arith.constant 499968 : i32
        %dma_wait3A_101 = arith.constant 0 : i32
        %dma_wait3A_102 = tpu.memref_slice %arg4[%dma_wait3A_100, %dma_wait3A_101] : memref<500000x128xf32, #tpu.memory_space<hbm>> -> memref<32x128xf32, #tpu.memory_space<hbm>>
        %dma_wait3A_103 = arith.constant 499968 : i32
        %dma_wait3A_104 = arith.constant 0 : i32
        %dma_wait3A_105 = tpu.memref_slice %arg4[%dma_wait3A_103, %dma_wait3A_104] : memref<500000x128xf32, #tpu.memory_space<hbm>> -> memref<32x128xf32, #tpu.memory_space<hbm>>
        tpu.wait_dma2 semaphore(%run_scoped3A : memref<!tpu.dma_semaphore, #tpu.memory_space<semaphore_mem>>) src(%arg7 : memref<32x128xf32, #tpu.memory_space<vmem>>) dst(%dma_wait3A_105 : memref<32x128xf32, #tpu.memory_space<hbm>>)
        tpu.yield
      }) : () -> ()
    } else {
    }
    return
  }
}

</mosaic_0001>

<sc_bundles>
// kernel: kernel.4.cloned.1.call-start
scs
__scs_entry_jumppad:
0x0: {  	(pc) =	sbr.rel $0x88, $3  }
0x1: {  	(tag) =	ssettag $0x0;
	lr =	simm.s32 $0x1  }
0x2: {  	[smem:$0x3F9F] =	sst lr;
	_ =	strace $0xD0000000  }
0x3: {  	_ = 	snop  }
0x4: {  	_ = 	snop  }
0x5: {  	_ = 	snop  }
0x6: {  	_ = 	snop  }
0x7: {  	_ = 	snop  }
__scs_overlays_trampoline_lowered:
0x8: {  	[smem:$0x3FAE] =	sst s0  }
0x9: {  	[smem:$0x3FAF] =	sst s1  }
0xa: {  	[smem:$0x3FB0] =	sst s2  }
0xb: {  	[smem:$0x3FB1] =	sst s3  }
0xc: {  	[smem:$0x3FB2] =	sst s4  }
0xd: {  	[smem:$0x3FB3] =	sst s5  }
0xe: {  	[smem:$0x3FB4] =	sst s6  }
0xf: {  	[smem:$0x3FB5] =	sst s7  }
0x10: {  	[smem:$0x3FB6] =	sst s8  }
0x11: {  	[smem:$0x3FB7] =	sst s9;
	s0 =	simm.s32 @!p0 $0x0  }
0x12: {  	s1 =	sld [smem:$0x3F9D];
	s0 =	simm.s32 @p0 $0x1  }
0x13: {  	[smem:$0x3FB8] =	sst s0;
	s0 =	simm.s32 @!p1 $0x0  }
0x14: {  	s2 =	sld [smem:$0x3F9C];
	s0 =	simm.s32 @p1 $0x1  }
0x15: {  	[smem:$0x3FB9] =	sst s0;
	s0 =	simm.s32 @!p2 $0x0  }
0x16: {  	s3 =	sld [smem:$0x3FDB];
	s0 =	simm.s32 @p2 $0x1  }
0x17: {  	s4 =	simm.s32 $0x1BF5;
	[smem:$0x3FBB] =	sst s0  }
0x18: {  	s0 =	sld [smem:$0x3F9E];
	_ =	swait.ge [sflag:s4], $0x0  }
0x19: {  	s7 =	sld [smem:$0x3F9F]  }
0x1a: {  	s8 =	sadd.s32 $0xFFFFE003, lr  }
0x1b: {  	s9 =	sadd.s32 $0xFFFFFEF7, lr;
	s5 =	simm.s32 $0xFFFFFFFF;
	p2 =	slt.u32 s8, $0xFFFFF086  }
0x1c: {  	p1 =	slt.u32 s9, $0xF7A;
	s5 =	simm.s32 @!p2 $0x0  }
0x1d: {  	s5 =	simm.s32 @p1 $0x1;
	p0 =	seq.s32 s7, s2  }
0x1e: {  	s7 =	smul.u32 @!p0 $0xF7A, s2;
	p2 =	seq.s32 @!p0 s5, $0x0  }
0x1f: {  	s9 =	smul.u32 $0xF7A, s1;
	s8 =	simm.s32 @!p0 $0x1BF5;
	p2 =	por !p2, p0  }
0x20: {  	[sflag:s8] =	ssyncset.s32 @!p0 $0xFFFFF086;
	s6 =	sadd.s32 @!p0 s3, s7;
	s7 =	simm.s32 @!p0 $0x108  }
0x21: {  	s3 =	sadd.s32 s3, s9;
	s6 =	sadd.s32 @!p0 $0x88, s6;
	s7 =	simm.s32 @p2 $0x1082  }
0x22: {  	[simem:s7], [sflag:s8] =	dma.local @!p0 [hbm:s6], $0xF7A  }
0x23: {  	s9 =	sor.u32 $0xD0000000, s2;
	s6 =	simm.s32 $0x108;
	_ =	swait.ge @!p0 [sflag:s8], $0x0  }
0x24: {  	s3 =	sadd.s32 $0x88, s3;
	s6 =	simm.s32 @!p1 $0x1082;
	[sflag:s4] =	ssyncset.s32 $0xFFFFF086  }
0x25: {  	[simem:s6], [sflag:s4] =	dma.local [hbm:s3], $0xF7A  }
0x26: {  	[smem:$0x3F9F] =	sst s1;
	(tag) =	ssettag s2;
	_ =	strace s9  }
0x27: {  	s1 =	sld [smem:$0x3FAF]  }
0x28: {  	s2 =	sld [smem:$0x3FB0]  }
0x29: {  	s4 =	sld [smem:$0x3FB2]  }
0x2a: {  	p0 =	seq.s32 s5, $0x0;
	s5 =	sld [smem:$0x3FB3]  }
0x2b: {  	s6 =	sld [smem:$0x3FB4]  }
0x2c: {  	s7 =	sld [smem:$0x3FB5]  }
0x2d: {  	s3 =	simm.s32 $0x108;
	s8 =	sld [smem:$0x3FB6]  }
0x2e: {  	s3 =	simm.s32 @!p0 $0x1082;
	s9 =	sld [smem:$0x3FB7]  }
0x2f: {  	lr =	sadd.s32 s0, s3;
	s0 =	sld [smem:$0x3FAE]  }
0x30: {  	s3 =	sld [smem:$0x3FB1]  }
0x31: {  	[smem:$0x3FBA] =	sst s10  }
0x32: {  	s10 =	sld [smem:$0x3FB8];
	_ =	sdelay $0x3  }
0x33: {  	p0 =	seq.s32 s10, $0x1;
	s10 =	sld [smem:$0x3FBA];
	_ =	sdelay $0x3  }
0x34: {  	[smem:$0x3FBA] =	sst s10  }
0x35: {  	s10 =	sld [smem:$0x3FB9];
	_ =	sdelay $0x3  }
0x36: {  	p1 =	seq.s32 s10, $0x1;
	s10 =	sld [smem:$0x3FBA];
	_ =	sdelay $0x3  }
0x37: {  	[smem:$0x3FBA] =	sst s10  }
0x38: {  	s10 =	sld [smem:$0x3FBB]  }
0x39: {  	_ = 	snop;
	(pc) =	sbr.ind lr, $3  }
0x3a: {  	_ = 	snop  }
0x3b: {  	_ = 	snop  }
0x3c: {  	p2 =	seq.s32 s10, $0x1;
	s10 =	sld [smem:$0x3FBA]  }
0x3d: {  	_ =	shalt  }
0x3e: {  	_ =	shalt  }
0x3f: {  	_ =	shalt  }
0x40: {  	_ =	shalt  }
0x41: {  	_ =	shalt  }
0x42: {  	_ =	shalt  }
0x43: {  	_ =	shalt  }
0x44: {  	_ =	shalt  }
0x45: {  	_ =	shalt  }
0x46: {  	_ =	shalt  }
0x47: {  	_ =	shalt  }
0x48: {  	_ =	shalt  }
0x49: {  	_ =	shalt  }
0x4a: {  	_ =	shalt  }
0x4b: {  	_ =	shalt  }
0x4c: {  	_ =	shalt  }
0x4d: {  	_ =	shalt  }
0x4e: {  	_ =	shalt  }
0x4f: {  	_ =	shalt  }
0x50: {  	_ =	shalt  }
0x51: {  	_ =	shalt  }
0x52: {  	_ =	shalt  }
0x53: {  	_ =	shalt  }
0x54: {  	_ =	shalt  }
0x55: {  	_ =	shalt  }
0x56: {  	_ =	shalt  }
0x57: {  	_ =	shalt  }
0x58: {  	_ =	shalt  }
0x59: {  	_ =	shalt  }
0x5a: {  	_ =	shalt  }
0x5b: {  	_ =	shalt  }
0x5c: {  	_ =	shalt  }
0x5d: {  	_ =	shalt  }
0x5e: {  	_ =	shalt  }
0x5f: {  	_ =	shalt  }
0x60: {  	_ =	shalt  }
0x61: {  	_ =	shalt  }
0x62: {  	_ =	shalt  }
0x63: {  	_ =	shalt  }
0x64: {  	_ =	shalt  }
0x65: {  	_ =	shalt  }
0x66: {  	_ =	shalt  }
0x67: {  	_ =	shalt  }
0x68: {  	_ =	shalt  }
0x69: {  	_ =	shalt  }
0x6a: {  	_ =	shalt  }
0x6b: {  	_ =	shalt  }
0x6c: {  	_ =	shalt  }
0x6d: {  	_ =	shalt  }
0x6e: {  	_ =	shalt  }
0x6f: {  	_ =	shalt  }
0x70: {  	_ =	shalt  }
0x71: {  	_ =	shalt  }
0x72: {  	_ =	shalt  }
0x73: {  	_ =	shalt  }
0x74: {  	_ =	shalt  }
0x75: {  	_ =	shalt  }
0x76: {  	_ =	shalt  }
0x77: {  	_ =	shalt  }
0x78: {  	_ =	shalt  }
0x79: {  	_ =	shalt  }
0x7a: {  	_ =	shalt  }
0x7b: {  	_ =	shalt  }
0x7c: {  	_ =	shalt  }
0x7d: {  	_ =	shalt  }
0x7e: {  	_ =	shalt  }
0x7f: {  	_ =	shalt  }
0x80: {  	_ =	shalt  }
0x81: {  	_ =	shalt  }
0x82: {  	_ =	shalt  }
0x83: {  	_ =	shalt  }
0x84: {  	_ =	shalt  }
0x85: {  	_ =	shalt  }
0x86: {  	_ =	shalt  }
0x87: {  	_ =	shalt  }
.Lfunc_end0:
.L_simem_size_0:
called_computation.1_lowered:
.L_overlay_start_0:
0x88: {  	s2 =	sld [smem:$0x3FD9]  }
0x89: {  	s3 =	sld [smem:$0x3FFE];
	_ =	sdelay $0x1  }
0x8a: {  	s1 =	srdreg.scid  }
0x8b: {  	s0 =	sand.u32 $0x1, s1  }
0x8c: {  	s17 =	sshll.u32 s0, $0xA;
	s2 =	sadd.s32 s3, s2  }
0x8d: {  	s2 =	sadd.s32 s2, s17  }
0x8e: {  	[smem:$0x3FC6] =	sst s2  }
0x8f: {  	_ = 	snop  }
0x90: {  	s2 =	sld [smem:$0x3FC9]  }
0x91: {  	s18 =	sld [smem:$0x3FD0];
	(tm) =	ssettm $0x1  }
0x92: {  	s4 =	sld [smem:$0x3FFB];
	_ =	sdelay $0x3  }
0x93: {  	_ =	strace s4  }
0x94: {  	s4 =	sld [smem:$0x3FFC];
	_ =	sdelay $0x3  }
0x95: {  	_ =	strace s4  }
0x96: {  	s4 =	sld [smem:$0x3FFD];
	_ =	sdelay $0x3  }
0x97: {  	_ =	strace s4  }
0x98: {  	_ =	strace $0x8FFFFFFF  }
0x99: {  	s19 =	sld [smem:$0x3FDB];
	_ =	sdelay $0x1  }
0x9a: {  	s5 =	simm.s32 $_scs_section_size  }
0x9b: {  	s6 =	simm.s32 $_size__tile_overlayer_lowered;
	s7 =	simm.s32 $_tile_overlayer_lowered  }
0x9c: {  	s22 =	simm.s32 $0x1BFF;
	s21 =	sshll.u32 s7, $0x1;
	s4 =	sadd.s32 s5, s19  }
0x9d: {  	s8 =	simm.s32 $0x0;
	s20 =	sshll.u32 s6, $0x1;
	s6 =	sadd.s32 s21, s4  }
0x9e: {  	[timem:s8], [sflag:s22] =	dma.local [hbm:s6], s20  }
0x9f: {  	_ =	swait.ge [sflag:s22], s20  }
0xa0: {  	s5 =	ssub.s32 $0x0, s20;
	[sflag:s22] =	ssyncset.done $0x0  }
0xa1: {  	[sflag:s22] =	ssyncadd.s32 s5;
	_ =	sdelay $0x1  }
0xa2: {  	s23 =	simm.s32 $0x1B8B  }
0xa3: {  	_ =	swait.ge [sflag:s23], $0x1  }
0xa4: {  	[sflag:s23] =	ssyncset.done $0x0  }
0xa5: {  	s25 =	simm.s32 $0x1B8E;
	s24 =	sld [smem:$0x3FFE];
	[sflag:s23] =	ssyncadd.s32 $0xFFFFFFFF  }
0xa6: {  	s26 =	simm.s32 $execute0_lowered;
	[smem:$0x3FD2] =	sst s25  }
0xa7: {  	s6 =	sshll.u32 s26, $0x1;
	_ =	strace $0x80000046;
	[dreg:$0x1] =	wrdreg $0xFFFFFFFF  }
0xa8: {  	s28 =	simm.s32 $_size_execute0_lowered;
	s4 =	sadd.s32 s4, s6;
	[dreg:$0x0] =	wrdreg $0x0  }
0xa9: {  	s6 =	sshll.u32 s28, $0x1;
	[dreg:$0x2] =	wrdreg s4  }
0xaa: {  	[dreg:$0x3] =	wrdreg s6  }
0xab: {  	[dreg:$0x4] =	wrdreg $0xC0  }
0xac: {  	_ =	task [dreg:s8], $0x5FFFF  }
0xad: {  	[dreg:$0x1] =	wrdreg $0xFFFFFFFF  }
0xae: {  	[dreg:$0x0] =	wrdreg $0x60  }
0xaf: {  	[dreg:$0x2] =	wrdreg s2  }
0xb0: {  	[dreg:$0x3] =	wrdreg s18  }
0xb1: {  	[dreg:$0x4] =	wrdreg s24  }
0xb2: {  	[dreg:$0x5] =	wrdreg $0x9  }
0xb3: {  	_ =	task.clear_ibuf [dreg:s8], $0x6FFFF;
	_ =	strace $0x90000046  }
0xb4: {  	s29 =	simm.s32 $0x9;
	_ =	strace $0x80000048  }
0xb5: {  	_ =	swait.ge [sflag:s29], $0x1  }
0xb6: {  	[sflag:s29] =	ssyncadd.s32 $0xFFFFFFFF  }
0xb7: {  	_ =	strace $0x90000048  }
0xb8: {  	_ =	sfence  }
0xb9: {  	s30 =	sld [smem:$0x0];
	_ =	sdelay $0x2  }
0xba: {  	s31 =	sshll.u32 s1, $0xD;
	s1 =	sshrl.u32 s1, $0x2  }
0xbb: {  	s3 =	sand.u32 $0x4000, s31;
	s1 =	sadd.s32 s1, s30  }
0xbc: {  	s0 =	sor.u32 s3, s0;
	s1 =	sshll.u32 s1, $0x11  }
0xbd: {  	s0 =	sor.u32 s1, s0  }
0xbe: {  	s0 =	sadd.s32 $0x8F2B, s0  }
0xbf: {  	[sflag:s0] =	ssyncadd.remote.s32 $0x1  }
0xc0: {  	_ =	sfence.sel $0xFFFF  }
0xc1: {  	[dreg:$0x0] =	wrdreg $0xFFFFFFFF;
	(pc) =	sbr.abs _section_cstart, $3  }
0xc2: {  	[dreg:$0x1] =	wrdreg $0xFFFFFFFF  }
0xc3: {  	_ =	task.clear_ibuf [dreg:s8], $0x2FFFF;
	_ =	strace $0x9FFFFFFF  }
0xc4: {  	(tm) =	ssettm $0x7FFFFFFF  }
0xc5: {  	_ =	shalt  }
tec
execute0_lowered:
.L_overlay_start_1:
0x0: {  	(tag) =	ssettag $0x1  }
0x1: {  	v0 =	vimm.s32 $0xF80  }
0x2: {  	vm14 =	vcmask $0x300;
	vm13 =	vcmask $0x704;
	vm12 =	vcmask $0xB08  }
0x3: {  	vm11 =	vcmask $0xF0C;
	vm10 =	vcmask $0x1310;
	vm9 =	vcmask $0x1714  }
0x4: {  	vm8 =	vcmask $0x1B18;
	vm7 =	vcmask $0x1F1C;
	vm6 =	vcmask $0x2320  }
0x5: {  	vm5 =	vcmask $0x2724;
	vm4 =	vcmask $0x2B28;
	vm3 =	vcmask $0x2F2C  }
0x6: {  	vm2 =	vcmask $0x3330;
	vm1 =	vcmask $0x3734;
	vm0 =	vcmask $0x3B38  }
0x7: {  	v1 =	vimm.s32 $0x2780;
	v2 =	vimm.s32 $0x3F80;
	v3 =	vimm.s32 $0x5780  }
0x8: {  	v0 =	vsel vm14, $0x0, v0;
	v1 =	vsel vm14, $0x1800, v1;
	v2 =	vsel vm14, $0x3000, v2  }
0x9: {  	v3 =	vsel vm14, $0x4800, v3;
	v0 =	vsel vm13, $0x80, v0;
	v1 =	vsel vm13, $0x1880, v1  }
0xa: {  	v2 =	vsel vm13, $0x3080, v2;
	v3 =	vsel vm13, $0x4880, v3;
	v0 =	vsel vm12, $0x100, v0  }
0xb: {  	v1 =	vsel vm12, $0x1900, v1;
	v2 =	vsel vm12, $0x3100, v2;
	v3 =	vsel vm12, $0x4900, v3  }
0xc: {  	v0 =	vsel vm11, $0x180, v0;
	v1 =	vsel vm11, $0x1980, v1;
	v2 =	vsel vm11, $0x3180, v2  }
0xd: {  	v3 =	vsel vm11, $0x4980, v3;
	v0 =	vsel vm10, $0x200, v0;
	v1 =	vsel vm10, $0x1A00, v1  }
0xe: {  	v2 =	vsel vm10, $0x3200, v2;
	v3 =	vsel vm10, $0x4A00, v3;
	v0 =	vsel vm9, $0x280, v0  }
0xf: {  	v1 =	vsel vm9, $0x1A80, v1;
	v2 =	vsel vm9, $0x3280, v2;
	v3 =	vsel vm9, $0x4A80, v3  }
0x10: {  	s0 =	rddreg [dreg:$0x0];
	s1 =	srdreg.scid;
	v0 =	vsel vm8, $0x300, v0;
	v1 =	vsel vm8, $0x1B00, v1;
	v2 =	vsel vm8, $0x3300, v2  }
0x11: {  	s3 =	stileid.u32;
	s2 =	rddreg [dreg:$0x2];
	v3 =	vsel vm8, $0x4B00, v3;
	v0 =	vsel vm7, $0x380, v0;
	v1 =	vsel vm7, $0x1B80, v1  }
0x12: {  	s4 =	simm.s32 $0x0;
	s14 =	simm.s32 $0x6000;
	s15 =	simm.s32 $0x2;
	v2 =	vsel vm7, $0x3380, v2;
	v3 =	vsel vm7, $0x4B80, v3;
	v0 =	vsel vm6, $0xC00, v0  }
0x13: {  	s16 =	simm.s32 $0x12000;
	s17 =	simm.s32 $0x1;
	s18 =	simm.s32 $0xC000;
	v1 =	vsel vm6, $0x2400, v1;
	v2 =	vsel vm6, $0x3C00, v2;
	v3 =	vsel vm6, $0x5400, v3  }
0x14: {  	s19 =	simm.s32 $0x3;
	s1 =	sand.u32 $0x1, s1;
	s3 =	sshll.u32 s3, $0x1;
	v0 =	vsel vm5, $0xC80, v0;
	v1 =	vsel vm5, $0x2480, v1;
	v2 =	vsel vm5, $0x3C80, v2  }
0x15: {  	s20 =	simm.s32 $0x4;
	s21 =	simm.s32 $0x0;
	s5 =	sor.u32 s1, s3;
	v3 =	vsel vm5, $0x5480, v3;
	v0 =	vsel vm4, $0xD00, v0;
	v1 =	vsel vm4, $0x2500, v1  }
0x16: {  	[smem:$0x7FF] =	sst s4;
	s6 =	sadd.s32 $0xE00, s2;
	s3 =	smul.u32 $0xC00, s5;
	v2 =	vsel vm4, $0x3D00, v2;
	v3 =	vsel vm4, $0x5500, v3;
	v0 =	vsel vm3, $0xD80, v0  }
.Ltmp0:
0x17: {  	s10 =	sadd.s32 $0x7A1E00, s2;
	s1 =	ssub.s32 $0x2, s1;
	v1 =	vsel vm3, $0x2580, v1;
	v2 =	vsel vm3, $0x3D80, v2;
	v3 =	vsel vm3, $0x5580, v3;
	(pc) =	sbr.rel .LBB2_1-.Ltmp0, $4  }
0x18: {  	_ =	strace $0x80000047;
	s7 =	smul.u32 $0x180, s5;
	s8 =	sshrl.u32 s1, $0x1;
	v0 =	vsel vm2, $0xE00, v0;
	v1 =	vsel vm2, $0x2600, v1;
	v2 =	vsel vm2, $0x3E00, v2  }
0x19: {  	s9 =	sor.u32 $0x40, s5;
	p0 =	sne.s32 s5, $0x0;
	s3 =	sshrl.u32 s3, $0x3;
	v3 =	vsel vm2, $0x5600, v3;
	v0 =	vsel vm1, $0xE80, v0;
	v1 =	vsel vm1, $0x2680, v1  }
0x1a: {  	s1 =	ssub.s32 s1, s8;
	s7 =	sadd.s32 s0, s7;
	s3 =	sadd.s32 s0, s3;
	v2 =	vsel vm1, $0x3E80, v2;
	v3 =	vsel vm1, $0x5680, v3;
	v0 =	vsel vm0, $0xF00, v0  }
0x1b: {  	s11 =	smax.u32 s1, $0x1;
	[dreg:$0x4] =	wrdreg s7;
	s8 =	sadd.s32 $0x3000, s3;
	v1 =	vsel vm0, $0x2700, v1;
	v2 =	vsel vm0, $0x3F00, v2;
	v3 =	vsel vm0, $0x5700, v3  }
.LBB2_11:
0x1c: {  	_ =	swait.ge [sflag:s19], $0x6000  }
0x1d: {  	[sflag:s19] =	ssyncset.done $0x0  }
0x1e: {  	[sflag:s19] =	ssyncadd.s32 $0xFFFFA000  }
0x1f: {  	_ =	swait.ge [sflag:s20], $0x6000  }
0x20: {  	[sflag:s20] =	ssyncset.done $0x0  }
0x21: {  	[sflag:s20] =	ssyncadd.s32 $0xFFFFA000  }
0x22: {  	s1 =	simm.s32 @!p0 $0x0;
	s2 =	simm.s32 @!p0 $0x18000;
	s3 =	rddreg [dreg:$0x1]  }
0x23: {  	[tilespmem:s2], [sflag:$0x5] =	stream.linear.gather @!p0 [hbm4b:s3+s1], $0x1000, $0x38;
	[tilespmem:$0x19000] =	vst v63  }
0x24: {  	s3 =	simm.s32 @!p0 $0x5  }
0x25: {  	_ =	swait.ge @!p0 [sflag:s3], $0x1000  }
0x26: {  	s21 =	sadd.s32 $0x1, s21;
	[sflag:s3] =	ssyncset.done @!p0 $0x0  }
0x27: {  	p1 =	sne.s32 s21, s11;
	[sflag:s3] =	ssyncadd.s32 @!p0 $0xFFFFF000  }
0x28: {  	[hbm4b:s10+s1] =	stream.linear.scatter @!p0 [tilespmem:s2], [sflag:$0x6], $0x1000, $0x38;
	[tilespmem:$0x19000] =	vst v63  }
.Ltmp1:
0x29: {  	_ = 	snop;
	(pc) =	sbr.rel @!p1 .LBB2_12-.Ltmp1, $4  }
0x2a: {  	s1 =	simm.s32 @!p0 $0x6  }
0x2b: {  	_ =	swait.ge @!p0 [sflag:s1], $0x1000  }
0x2c: {  	[sflag:s1] =	ssyncset.done @!p0 $0x0  }
0x2d: {  	[sflag:s1] =	ssyncadd.s32 @!p0 $0xFFFFF000  }
.LBB2_1:
.Ltmp2:
0x2e: {  	(pc) =	sbr.rel .LBB2_2-.Ltmp2, $4  }
0x2f: {  	s1 =	rddreg [dreg:$0x4];
	s2 =	simm.s32 $0xC00;
	s3 =	simm.s32 $0x7A1400  }
0x30: {  	[tilespmem:s4], [sflag:$0x1] =	stream.strided.gather [hbm4b:s1+s2], $0x6000, s3, s2, $0x38;
	[tilespmem:$0x19000] =	vst v63  }
0x31: {  	s22 =	simm.s32 $0x0  }
0x32: {  	[tilespmem:s14], [sflag:$0x2] =	stream.strided.gather [hbm4b:s8+s2], $0x6000, s3, s2, $0x38;
	[tilespmem:$0x19000] =	vst v63  }
.LBB2_6:
0x33: {  	_ =	sdelay $0x2  }
0x34: {  	[tilespmem:s25+$0xFFFFFFD0] =	vst v21  }
0x35: {  	v15 =	vld.idx.msk [tilespmem:v15+s4+$0x0], $0xffff;
	[tilespmem:s25+$0x50] =	vst v20  }
0x36: {  	[tilespmem:s25+$0xD0] =	vst v19;
	v14 =	vld.idx.msk [tilespmem:v14+s4+$0x0], $0xffff  }
0x37: {  	[tilespmem:s25+$0x150] =	vst v18;
	v13 =	vld.idx.msk [tilespmem:v13+s4+$0x0], $0xffff  }
0x38: {  	[tilespmem:s25+$0xFFFFFE60] =	vst v17;
	v12 =	vld.idx.msk [tilespmem:v12+s4+$0x0], $0xffff  }
0x39: {  	[tilespmem:s25+$0xFFFFFEE0] =	vst v16;
	v11 =	vld.idx.msk [tilespmem:v11+s4+$0x0], $0xffff  }
0x3a: {  	v9 =	vld.idx.msk [tilespmem:v9+s4+$0x0], $0xffff;
	[tilespmem:s25+$0xFFFFFF60] =	vst v15  }
0x3b: {  	v10 =	vld.idx.msk [tilespmem:v10+s4+$0x0], $0xffff;
	[tilespmem:s25+$0xFFFFFFE0] =	vst v14  }
0x3c: {  	v7 =	vld.idx.msk [tilespmem:v7+s4+$0x0], $0xffff;
	[tilespmem:s25+$0x60] =	vst v13  }
0x3d: {  	[tilespmem:s25+$0xE0] =	vst v12;
	v8 =	vld.idx.msk [tilespmem:v8+s4+$0x0], $0xffff  }
0x3e: {  	[tilespmem:s25+$0x160] =	vst v11;
	v6 =	vld.idx.msk [tilespmem:v6+s4+$0x0], $0xffff  }
0x3f: {  	[tilespmem:s25+$0xFFFFFE70] =	vst v9;
	v5 =	vld.idx.msk [tilespmem:v5+s4+$0x0], $0xffff  }
0x40: {  	[tilespmem:s25+$0xFFFFFEF0] =	vst v10;
	v4 =	vld.idx.msk [tilespmem:v4+s4+$0x0], $0xffff  }
0x41: {  	[tilespmem:s25+$0xFFFFFF70] =	vst v7  }
0x42: {  	[tilespmem:s25+$0xFFFFFFF0] =	vst v8  }
0x43: {  	s1 =	smul.u32 $0xC00, s24;
	p1 =	sgt.u32 s24, $0x9EB;
	[tilespmem:s26+$0x70] =	vst v6  }
0x44: {  	s2 =	sadd.s32 @!p1 s9, s23;
	[tilespmem:s26+$0xF0] =	vst v5  }
0x45: {  	s3 =	simm.s32 @!p1 $0x7A1400;
	s1 =	sadd.s32 s6, s1;
	s2 =	smul.u32 @!p1 $0x180, s2;
	[tilespmem:s26+$0x170] =	vst v4  }
0x46: {  	[hbm4b:s1+s4] =	stream.linear.scatter [tilespmem:s18], [sflag:$0x3], $0x6000, $0x38;
	[tilespmem:$0x19000] =	vst v63  }
0x47: {  	s7 =	simm.s32 @!p1 $0x0;
	s1 =	sadd.s32 @!p1 s0, s2;
	s2 =	simm.s32 @!p1 $0xC00  }
0x48: {  	[tilespmem:s7], [sflag:$0x1] =	stream.strided.gather @!p1 [hbm4b:s1+s2], $0x6000, s3, s2, $0x38;
	[tilespmem:$0x19000] =	vst v63  }
.LBB2_10:
0x49: {  	s22 =	sadd.s32 $0x1, s22  }
0x4a: {  	p1 =	sne.s32 s22, $0x52  }
.Ltmp3:
0x4b: {  	_ = 	snop;
	(pc) =	sbr.rel @!p1 .LBB2_11-.Ltmp3, $1  }
0x4c: {  	_ =	sdelay $0x3  }
.LBB2_2:
0x4d: {  	s23 =	sshll.u32 s22, $0x5  }
0x4e: {  	s24 =	sor.u32 s5, s23  }
0x4f: {  	p1 =	sgt.u32 s24, $0xA2B  }
.Ltmp4:
0x50: {  	_ = 	snop;
	(pc) =	sbr.rel @p1 .LBB2_10-.Ltmp4, $1  }
0x51: {  	_ =	sdelay $0x3  }
0x52: {  	s1 =	sand.u32 $0x1, s22  }
0x53: {  	p2 =	seq.s32 s1, $0x1  }
.Ltmp5:
0x54: {  	_ = 	snop;
	(pc) =	sbr.rel @!p2 .LBB2_4-.Ltmp5, $3  }
0x55: {  	_ =	sdelay $0x1  }
0x56: {  	s31 =	simm.s32 $0xE  }
0x57: {  	p1 =	slt.u32 s22, $0x2;
	v4 =	vmov s31  }
0x58: {  	v5 =	vshll.u32 v4, $0x3;
	s2 =	simm.s32 $0x4  }
0x59: {  	v4 =	vand.u32 $0x7E, v4;
	s26 =	simm.s32 $0x6;
	s30 =	simm.s32 $0x8;
	s3 =	simm.s32 $0x0;
	v5 =	vand.u32 $0xC00, v5;
	v6 =	vmov s2  }
0x5a: {  	s31 =	simm.s32 $0xA;
	s12 =	simm.s32 $0xC;
	v8 =	vmov s26;
	v9 =	vmov s30;
	v10 =	vmov s3  }
0x5b: {  	s1 =	simm.s32 $0x2;
	v11 =	vmov s31;
	v13 =	vmov s12;
	v4 =	vor.u32 v4, v5  }
0x5c: {  	_ =	swait.ge [sflag:s15], $0x6000;
	v5 =	vmov s1;
	v12 =	vshll.u32 v10, $0x3;
	v15 =	vshll.u32 v6, $0x3  }
0x5d: {  	[sflag:s15] =	ssyncset.done $0x0;
	v16 =	vshll.u32 v8, $0x3;
	v17 =	vshll.u32 v9, $0x3;
	v7 =	vadd.s32 v0, v4  }
0x5e: {  	s7 =	simm.s32 @!p1 $0x4;
	[sflag:s15] =	ssyncadd.s32 $0xFFFFA000;
	v18 =	vshll.u32 v11, $0x3;
	v10 =	vand.u32 $0x70, v10;
	v12 =	vand.u32 $0xC00, v12  }
0x5f: {  	v19 =	vshll.u32 v13, $0x3;
	v6 =	vand.u32 $0x74, v6;
	_ =	swait.ge @!p1 [sflag:s7], $0x6000;
	v10 =	vor.u32 v10, v12  }
0x60: {  	v8 =	vand.u32 $0x76, v8;
	v15 =	vand.u32 $0xC00, v15;
	[sflag:s7] =	ssyncset.done @!p1 $0x0;
	v12 =	vadd.s32 v0, v10  }
0x61: {  	v9 =	vand.u32 $0x78, v9;
	v16 =	vand.u32 $0xC00, v16;
	v6 =	vor.u32 v6, v15;
	[sflag:s7] =	ssyncadd.s32 @!p1 $0xFFFFA000  }
0x62: {  	v14 =	vshll.u32 v5, $0x3;
	v8 =	vor.u32 v8, v16;
	v16 =	vadd.s32 v0, v6;
	v7 =	vld.idx.msk [tilespmem:v7+s14+$0x0], $0xffff  }
0x63: {  	v20 =	vadd.s32 v1, v4;
	v5 =	vand.u32 $0x72, v5;
	v14 =	vand.u32 $0xC00, v14  }
0x64: {  	v15 =	vand.u32 $0xC00, v18;
	v5 =	vor.u32 v5, v14;
	v18 =	vadd.s32 v0, v8  }
0x65: {  	v11 =	vand.u32 $0x7A, v11;
	v17 =	vand.u32 $0xC00, v17;
	v14 =	vadd.s32 v0, v5;
	v12 =	vld.idx.msk [tilespmem:v12+s14+$0x0], $0xffff  }
0x66: {  	s25 =	simm.s32 $0x123F0;
	v13 =	vand.u32 $0x7C, v13;
	v9 =	vor.u32 v9, v17;
	v21 =	vadd.s32 v1, v10  }
0x67: {  	v11 =	vor.u32 v11, v15;
	v15 =	vadd.s32 v0, v9;
	v16 =	vld.idx.msk [tilespmem:v16+s14+$0x0], $0xffff;
	[tilespmem:s25+$0xFFFFFF90] =	vst v7;
	v7 =	vand.u32 $0xC00, v19  }
0x68: {  	v19 =	vld.idx.msk [tilespmem:v20+s14+$0x0], $0xffff;
	v7 =	vor.u32 v13, v7;
	v13 =	vadd.s32 v0, v11  }
0x69: {  	v17 =	vadd.s32 v2, v4;
	v18 =	vld.idx.msk [tilespmem:v18+s14+$0x0], $0xffff  }
0x6a: {  	v22 =	vadd.s32 v1, v6;
	v14 =	vld.idx.msk [tilespmem:v14+s14+$0x0], $0xffff;
	[tilespmem:s25+$0xFFFFFC10] =	vst v12  }
0x6b: {  	v20 =	vadd.s32 v0, v7;
	v21 =	vld.idx.msk [tilespmem:v21+s14+$0x0], $0xffff  }
0x6c: {  	v24 =	vadd.s32 v2, v10;
	v15 =	vld.idx.msk [tilespmem:v15+s14+$0x0], $0xffff  }
0x6d: {  	[tilespmem:s25+$0xFFFFFFA0] =	vst v19;
	v19 =	vadd.s32 v1, v5;
	v12 =	vld.idx.msk [tilespmem:v13+s14+$0x0], $0xffff  }
0x6e: {  	[tilespmem:s25+$0xFFFFFD10] =	vst v16;
	v13 =	vadd.s32 v1, v8;
	v17 =	vld.idx.msk [tilespmem:v17+s14+$0x0], $0xffff  }
0x6f: {  	v4 =	vadd.s32 v3, v4;
	[tilespmem:s25+$0xFFFFFC90] =	vst v14;
	v22 =	vld.idx.msk [tilespmem:v22+s14+$0x0], $0xffff  }
0x70: {  	v14 =	vld.idx.msk [tilespmem:v20+s14+$0x0], $0xffff;
	v20 =	vadd.s32 v1, v9;
	[tilespmem:s25+$0xFFFFFC20] =	vst v21  }
0x71: {  	s2 =	simm.s32 $0xF;
	v16 =	vadd.s32 v1, v11;
	[tilespmem:s25+$0xFFFFFD90] =	vst v18;
	v24 =	vld.idx.msk [tilespmem:v24+s14+$0x0], $0xffff  }
0x72: {  	v10 =	vadd.s32 v3, v10;
	v18 =	vmov s2;
	[tilespmem:s25+$0xFFFFFE10] =	vst v15;
	v19 =	vld.idx.msk [tilespmem:v19+s14+$0x0], $0xffff  }
0x73: {  	v23 =	vadd.s32 v1, v7;
	v13 =	vld.idx.msk [tilespmem:v13+s14+$0x0], $0xffff;
	[tilespmem:s25+$0xFFFFFFB0] =	vst v17;
	v17 =	vshll.u32 v18, $0x3  }
0x74: {  	v15 =	vand.u32 $0x7F, v18;
	[tilespmem:s25+$0xFFFFFE90] =	vst v12;
	v18 =	vadd.s32 v2, v5;
	v4 =	vld.idx.msk [tilespmem:v4+s14+$0x0], $0xffff;
	v17 =	vand.u32 $0x7FFFFC00, v17  }
0x75: {  	[tilespmem:s25+$0xFFFFFF10] =	vst v14;
	v12 =	vor.u32 v15, v17;
	v15 =	vld.idx.msk [tilespmem:v20+s14+$0x0], $0xffff;
	v20 =	vadd.s32 v2, v8  }
0x76: {  	v16 =	vld.idx.msk [tilespmem:v16+s14+$0x0], $0xffff;
	[tilespmem:s25+$0xFFFFFC30] =	vst v24;
	v14 =	vadd.s32 v0, v12  }
0x77: {  	s13 =	simm.s32 $0x7;
	s26 =	simm.s32 $0x9;
	[tilespmem:s25+$0xFFFFFD20] =	vst v22;
	v17 =	vadd.s32 v2, v6;
	v10 =	vld.idx.msk [tilespmem:v10+s14+$0x0], $0xffff  }
0x78: {  	s30 =	simm.s32 $0xB;
	s31 =	simm.s32 $0xD;
	v25 =	vmov s13;
	v26 =	vmov s26;
	v21 =	vadd.s32 v2, v9;
	[tilespmem:s25+$0xFFFFFCA0] =	vst v19;
	v19 =	vld.idx.msk [tilespmem:v23+s14+$0x0], $0xffff  }
0x79: {  	v27 =	vmov s30;
	v28 =	vmov s31;
	v23 =	vadd.s32 v2, v11;
	[tilespmem:s25+$0xFFFFFDA0] =	vst v13;
	v18 =	vld.idx.msk [tilespmem:v18+s14+$0x0], $0xffff  }
0x7a: {  	v30 =	vshll.u32 v25, $0x3;
	v22 =	vadd.s32 v2, v7;
	v5 =	vadd.s32 v3, v5;
	[tilespmem:s25+$0xFFFFFFC0] =	vst v4;
	v20 =	vld.idx.msk [tilespmem:v20+s14+$0x0], $0xffff  }
0x7b: {  	v31 =	vshll.u32 v27, $0x3;
	[tilespmem:s25+$0xFFFFFEA0] =	vst v16;
	v4 =	vadd.s32 v3, v6;
	v6 =	vadd.s32 v3, v8;
	v8 =	vld.idx.msk [tilespmem:v14+s14+$0x0], $0xffff  }
0x7c: {  	s3 =	simm.s32 $0x1;
	v54 =	vand.u32 $0x7FFFFC00, v30;
	s7 =	simm.s32 $0x3;
	v9 =	vadd.s32 v3, v9;
	v7 =	vadd.s32 v3, v7;
	[tilespmem:s25+$0xFFFFFE20] =	vst v15;
	v14 =	vld.idx.msk [tilespmem:v17+s14+$0x0], $0xffff  }
0x7d: {  	s12 =	simm.s32 $0x5;
	v13 =	vmov s3;
	v16 =	vadd.s32 v1, v12;
	v15 =	vmov s7;
	v21 =	vld.idx.msk [tilespmem:v21+s14+$0x0], $0xffff;
	[tilespmem:s25+$0xFFFFFC40] =	vst v10  }
0x7e: {  	v11 =	vadd.s32 v3, v11;
	v17 =	vmov s12;
	v52 =	vshll.u32 v15, $0x3;
	[tilespmem:s25+$0xFFFFFF20] =	vst v19;
	v23 =	vld.idx.msk [tilespmem:v23+s14+$0x0], $0xffff  }
0x7f: {  	v15 =	vand.u32 $0x73, v15;
	v19 =	vshll.u32 v13, $0x3;
	v29 =	vshll.u32 v17, $0x3;
	[tilespmem:s25+$0xFFFFFCB0] =	vst v18;
	v18 =	vld.idx.msk [tilespmem:v22+s14+$0x0], $0xffff  }
0x80: {  	v13 =	vand.u32 $0x71, v13;
	v17 =	vand.u32 $0x75, v17;
	v19 =	vand.u32 $0xC00, v19;
	v5 =	vld.idx.msk [tilespmem:v5+s14+$0x0], $0xffff;
	[tilespmem:s25+$0xFFFFFDB0] =	vst v20  }
0x81: {  	v22 =	vshll.u32 v26, $0x3;
	v19 =	vor.u32 v13, v19;
	[tilespmem:s25+$0xFFFFFFD0] =	vst v8;
	v8 =	vand.u32 $0x7FFFFC00, v52;
	v6 =	vld.idx.msk [tilespmem:v6+s14+$0x0], $0xffff  }
0x82: {  	v53 =	vand.u32 $0x7FFFFC00, v29;
	[tilespmem:s25+$0xFFFFFD30] =	vst v14;
	v14 =	vld.idx.msk [tilespmem:v16+s14+$0x0], $0xffff;
	v8 =	vor.u32 v15, v8;
	v15 =	vadd.s32 v0, v19  }
0x83: {  	v13 =	vadd.s32 v2, v12;
	v17 =	vor.u32 v17, v53;
	v20 =	vand.u32 $0x77, v25;
	[tilespmem:s25+$0xFFFFFE30] =	vst v21;
	v4 =	vld.idx.msk [tilespmem:v4+s14+$0x0], $0xffff  }
0x84: {  	v16 =	vand.u32 $0x7FFFFC00, v22;
	v22 =	vand.u32 $0x7FFFFC00, v31;
	[tilespmem:s25+$0xFFFFFEB0] =	vst v23;
	v9 =	vld.idx.msk [tilespmem:v9+s14+$0x0], $0xffff;
	v21 =	vadd.s32 v0, v8  }
0x85: {  	v23 =	vor.u32 v20, v54;
	v20 =	vadd.s32 v0, v17;
	[tilespmem:s25+$0xFFFFFF30] =	vst v18;
	v18 =	vand.u32 $0x79, v26;
	v10 =	vld.idx.msk [tilespmem:v11+s14+$0x0], $0xffff  }
0x86: {  	v11 =	vand.u32 $0x7B, v27;
	v16 =	vor.u32 v18, v16;
	v18 =	vadd.s32 v0, v23;
	v7 =	vld.idx.msk [tilespmem:v7+s14+$0x0], $0xffff;
	[tilespmem:s25+$0xFFFFFCC0] =	vst v5  }
0x87: {  	v22 =	vor.u32 v11, v22;
	v11 =	vadd.s32 v0, v16;
	[tilespmem:s25+$0xFFFFFFE0] =	vst v14;
	v14 =	vshll.u32 v28, $0x3;
	v15 =	vld.idx.msk [tilespmem:v15+s14+$0x0], $0xffff  }
0x88: {  	v55 =	vadd.s32 v0, v22;
	[tilespmem:s25+$0xFFFFFD40] =	vst v4;
	v5 =	vld.idx.msk [tilespmem:v13+s14+$0x0], $0xffff;
	v13 =	vand.u32 $0x7FFFFC00, v14;
	v14 =	vand.u32 $0x7D, v28  }
0x89: {  	[tilespmem:s25+$0xFFFFFE40] =	vst v9;
	v9 =	vadd.s32 v1, v19;
	v4 =	vor.u32 v14, v13;
	v13 =	vld.idx.msk [tilespmem:v21+s14+$0x0], $0xffff  }
0x8a: {  	[tilespmem:s25+$0xFFFFFDC0] =	vst v6;
	v6 =	vadd.s32 v3, v12;
	v14 =	vld.idx.msk [tilespmem:v20+s14+$0x0], $0xffff  }
0x8b: {  	[tilespmem:s25+$0xFFFFFEC0] =	vst v10;
	v18 =	vld.idx.msk [tilespmem:v18+s14+$0x0], $0xffff;
	v12 =	vadd.s32 v0, v4  }
0x8c: {  	v10 =	vadd.s32 v1, v8;
	[tilespmem:s25+$0xFFFFFF40] =	vst v7;
	v11 =	vld.idx.msk [tilespmem:v11+s14+$0x0], $0xffff  }
0x8d: {  	v7 =	vadd.s32 v1, v17;
	v20 =	vld.idx.msk [tilespmem:v55+s14+$0x0], $0xffff;
	[tilespmem:s25+$0xFFFFFC50] =	vst v15  }
0x8e: {  	v56 =	vadd.s32 v1, v16;
	[tilespmem:s25+$0xFFFFFFF0] =	vst v5;
	v59 =	vld.idx.msk [tilespmem:v9+s14+$0x0], $0xffff  }
0x8f: {  	v5 =	vadd.s32 v1, v23;
	v6 =	vld.idx.msk [tilespmem:v6+s14+$0x0], $0xffff;
	[tilespmem:s25+$0xFFFFFCD0] =	vst v13  }
0x90: {  	v58 =	vadd.s32 v1, v22;
	[tilespmem:s25+$0xFFFFFD50] =	vst v14;
	v57 =	vld.idx.msk [tilespmem:v12+s14+$0x0], $0xffff  }
0x91: {  	v62 =	vadd.s32 v2, v19;
	[tilespmem:s25+$0xFFFFFDD0] =	vst v18;
	v61 =	vld.idx.msk [tilespmem:v10+s14+$0x0], $0xffff  }
0x92: {  	v63 =	vadd.s32 v2, v8;
	v60 =	vadd.s32 v1, v4;
	v32 =	vld.idx.msk [tilespmem:v7+s14+$0x0], $0xffff;
	[tilespmem:s25+$0xFFFFFE50] =	vst v11  }
0x93: {  	v15 =	vadd.s32 v2, v17;
	v9 =	vadd.s32 v3, v19;
	[tilespmem:s25+$0xFFFFFED0] =	vst v20;
	v20 =	vld.idx.msk [tilespmem:v56+s14+$0x0], $0xffff  }
0x94: {  	v14 =	vadd.s32 v2, v23;
	v13 =	vadd.s32 v2, v16;
	v21 =	vld.idx.msk [tilespmem:v5+s14+$0x0], $0xffff;
	[tilespmem:s25+$0xFFFFFC60] =	vst v59  }
0x95: {  	v12 =	vadd.s32 v2, v22;
	v11 =	vadd.s32 v2, v4;
	v19 =	vld.idx.msk [tilespmem:v58+s14+$0x0], $0xffff;
	[tilespmem:s25+$0x0] =	vst v6  }
0x96: {  	v10 =	vadd.s32 v3, v8;
	v7 =	vadd.s32 v3, v17;
	v17 =	vld.idx.msk [tilespmem:v62+s14+$0x0], $0xffff;
	[tilespmem:s25+$0xFFFFFF50] =	vst v57  }
0x97: {  	v8 =	vadd.s32 v3, v23;
	v4 =	vadd.s32 v3, v4;
	[tilespmem:s25+$0xFFFFFCE0] =	vst v61;
	v18 =	vld.idx.msk [tilespmem:v60+s14+$0x0], $0xffff  }
0x98: {  	s28 =	simm.s32 $0x0;
	s29 =	simm.s32 $0x1F;
	s26 =	simm.s32 $0x123F0;
	v5 =	vadd.s32 v3, v22;
	v6 =	vadd.s32 v3, v16;
	[tilespmem:s25+$0xFFFFFD60] =	vst v32;
	v16 =	vld.idx.msk [tilespmem:v63+s14+$0x0], $0xffff  }
.LBB2_8:
0x99: {  	s1 =	sadd.s32 $0xFFFFFFF3, s29;
	s2 =	sadd.s32 $0xFFFFFFFF, s29;
	s28 =	sadd.s32 $0x8, s28;
	v15 =	vld.idx.msk [tilespmem:v15+s14+$0x0], $0xffff;
	[tilespmem:s25+$0xFFFFFDE0] =	vst v21  }
0x9a: {  	s3 =	sadd.s32 $0xFFFFFFF7, s29;
	v21 =	vmov s1;
	s1 =	sadd.s32 $0xFFFFFFF5, s29;
	v22 =	vmov s2;
	p1 =	slt.u32 s28, $0xB8;
	v14 =	vld.idx.msk [tilespmem:v14+s14+$0x0], $0xffff;
	[tilespmem:s25+$0xFFFFFE60] =	vst v20  }
0x9b: {  	s7 =	sadd.s32 $0xFFFFFFFD, s29;
	v23 =	vmov s3;
	s2 =	sadd.s32 $0xFFFFFFFB, s29;
	v20 =	vmov s1;
	s1 =	sadd.s32 $0xFFFFFFF9, s29;
	v24 =	vshll.u32 v22, $0x3;
	v13 =	vld.idx.msk [tilespmem:v13+s14+$0x0], $0xffff;
	[tilespmem:s25+$0xFFFFFEE0] =	vst v19  }
0x9c: {  	s13 =	sadd.s32 $0xFFFFFFF2, s29;
	s30 =	sadd.s32 $0xFFFFFFF4, s29;
	s3 =	sadd.s32 $0xFFFFFFF1, s29;
	v22 =	vand.u32 $0x7E, v22;
	v19 =	vmov s1;
	v24 =	vand.u32 $0xC00, v24;
	v12 =	vld.idx.msk [tilespmem:v12+s14+$0x0], $0xffff;
	[tilespmem:s25+$0xFFFFFF60] =	vst v18  }
0x9d: {  	s12 =	sadd.s32 $0xFFFFFFF6, s29;
	s31 =	sadd.s32 $0xFFFFFFFA, s29;
	v25 =	vmov s2;
	v18 =	vmov s3;
	s3 =	sadd.s32 $0xFFFFFFF8, s29;
	v22 =	vor.u32 v22, v24;
	[tilespmem:s25+$0xFFFFFC70] =	vst v17;
	v11 =	vld.idx.msk [tilespmem:v11+s14+$0x0], $0xffff  }
0x9e: {  	s2 =	sadd.s32 $0xFFFFFFFE, s29;
	s1 =	sadd.s32 $0xFFFFFFFC, s29;
	v17 =	vshll.u32 v18, $0x3;
	v24 =	vmov s7;
	v26 =	vadd.s32 v0, v22;
	v9 =	vld.idx.msk [tilespmem:v9+s14+$0x0], $0xffff;
	[tilespmem:s25+$0xFFFFFCF0] =	vst v16  }
0x9f: {  	v28 =	vshll.u32 v23, $0x3;
	v27 =	vshll.u32 v20, $0x3;
	v16 =	vshll.u32 v21, $0x3;
	v10 =	vld.idx.msk [tilespmem:v10+s14+$0x0], $0xffff;
	[tilespmem:s25+$0xFFFFFD70] =	vst v15  }
0xa0: {  	v29 =	vshll.u32 v25, $0x3;
	v30 =	vshll.u32 v24, $0x3;
	v15 =	vshll.u32 v19, $0x3;
	v7 =	vld.idx.msk [tilespmem:v7+s14+$0x0], $0xffff;
	[tilespmem:s25+$0xFFFFFDF0] =	vst v14  }
0xa1: {  	v16 =	vand.u32 $0xC00, v16;
	v14 =	vand.u32 $0xC00, v17;
	v17 =	vand.u32 $0xC00, v27;
	v8 =	vld.idx.msk [tilespmem:v8+s14+$0x0], $0xffff;
	[tilespmem:s25+$0xFFFFFE70] =	vst v13  }
0xa2: {  	v15 =	vand.u32 $0xC00, v15;
	v27 =	vand.u32 $0xC00, v29;
	v13 =	vand.u32 $0xC00, v28;
	v6 =	vld.idx.msk [tilespmem:v6+s14+$0x0], $0xffff;
	[tilespmem:s25+$0xFFFFFEF0] =	vst v12  }
0xa3: {  	v12 =	vand.u32 $0x70, v18;
	v18 =	vand.u32 $0x72, v21;
	v21 =	vand.u32 $0xC00, v30;
	v26 =	vld.idx.msk [tilespmem:v26+s14+$0x0], $0xffff;
	[tilespmem:s25+$0xFFFFFF70] =	vst v11  }
0xa4: {  	v19 =	vand.u32 $0x78, v19;
	v11 =	vand.u32 $0x74, v20;
	v20 =	vand.u32 $0x76, v23;
	[tilespmem:s25+$0xFFFFFC80] =	vst v9;
	v5 =	vld.idx.msk [tilespmem:v5+s14+$0x0], $0xffff  }
0xa5: {  	v23 =	vand.u32 $0x7C, v24;
	v24 =	vadd.s32 v1, v22;
	v9 =	vand.u32 $0x7A, v25;
	[tilespmem:s25+$0xFFFFFD00] =	vst v10;
	v4 =	vld.idx.msk [tilespmem:v4+s14+$0x0], $0xffff  }
0xa6: {  	v11 =	vor.u32 v11, v17;
	v10 =	vor.u32 v12, v14;
	v12 =	vor.u32 v18, v16;
	[tilespmem:s25+$0xFFFFFD80] =	vst v7  }
0xa7: {  	v9 =	vor.u32 v9, v27;
	v7 =	vor.u32 v20, v13;
	v13 =	vor.u32 v19, v15;
	[tilespmem:s25+$0xFFFFFE00] =	vst v8  }
0xa8: {  	v14 =	vadd.s32 v0, v12;
	v15 =	vor.u32 v23, v21;
	v8 =	vadd.s32 v0, v10;
	s25 =	sadd.s32 $0x400, s25;
	[tilespmem:s26+$0xFFFFFE80] =	vst v6  }
0xa9: {  	v16 =	vadd.s32 v0, v7;
	v17 =	vadd.s32 v0, v13;
	v6 =	vadd.s32 v0, v11;
	[tilespmem:s25+$0xFFFFFF90] =	vst v26  }
0xaa: {  	v18 =	vadd.s32 v1, v10;
	v19 =	vadd.s32 v0, v9;
	v20 =	vadd.s32 v0, v15;
	v21 =	vld.idx.msk [tilespmem:v24+s14+$0x0], $0xffff  }
0xab: {  	v23 =	vadd.s32 v1, v12;
	v25 =	vadd.s32 v1, v7;
	v24 =	vadd.s32 v1, v11;
	[tilespmem:s26+$0xFFFFFF00] =	vst v5  }
0xac: {  	v27 =	vadd.s32 v1, v9;
	v26 =	vadd.s32 v1, v13;
	v5 =	vadd.s32 v2, v22;
	[tilespmem:s26+$0xFFFFFF80] =	vst v4;
	s26 =	smov.u32 s25  }
0xad: {  	v29 =	vadd.s32 v2, v10;
	v30 =	vadd.s32 v2, v12;
	v31 =	vadd.s32 v1, v15;
	v28 =	vld.idx.msk [tilespmem:v8+s14+$0x0], $0xffff  }
0xae: {  	v32 =	vadd.s32 v2, v11;
	v33 =	vadd.s32 v2, v7;
	v34 =	vadd.s32 v2, v13;
	v14 =	vld.idx.msk [tilespmem:v14+s14+$0x0], $0xffff  }
0xaf: {  	v36 =	vadd.s32 v2, v9;
	v10 =	vadd.s32 v3, v10;
	v37 =	vadd.s32 v2, v15;
	v35 =	vld.idx.msk [tilespmem:v6+s14+$0x0], $0xffff  }
0xb0: {  	v38 =	vmov s13;
	v12 =	vadd.s32 v3, v12;
	v8 =	vadd.s32 v3, v11;
	v11 =	vld.idx.msk [tilespmem:v16+s14+$0x0], $0xffff;
	[tilespmem:s25+$0xFFFFFFA0] =	vst v21  }
0xb1: {  	v7 =	vadd.s32 v3, v7;
	v4 =	vadd.s32 v3, v9;
	v6 =	vadd.s32 v3, v13;
	v9 =	vld.idx.msk [tilespmem:v5+s14+$0x0], $0xffff  }
0xb2: {  	v13 =	vmov s30;
	v16 =	vmov s12;
	v5 =	vadd.s32 v3, v15;
	v17 =	vld.idx.msk [tilespmem:v17+s14+$0x0], $0xffff  }
0xb3: {  	v22 =	vadd.s32 v3, v22;
	v21 =	vmov s31;
	v15 =	vmov s3;
	[tilespmem:s25+$0xFFFFFC10] =	vst v28;
	v19 =	vld.idx.msk [tilespmem:v19+s14+$0x0], $0xffff  }
0xb4: {  	v39 =	vmov s2;
	v28 =	vshll.u32 v38, $0x3;
	[tilespmem:s25+$0xFFFFFC90] =	vst v14;
	v14 =	vmov s1;
	v20 =	vld.idx.msk [tilespmem:v20+s14+$0x0], $0xffff  }
0xb5: {  	v40 =	vshll.u32 v13, $0x3;
	v41 =	vshll.u32 v15, $0x3;
	v18 =	vld.idx.msk [tilespmem:v18+s14+$0x0], $0xffff;
	[tilespmem:s25+$0xFFFFFD10] =	vst v35;
	v35 =	vshll.u32 v16, $0x3  }
0xb6: {  	v43 =	vmov s29;
	v42 =	vshll.u32 v14, $0x3;
	v23 =	vld.idx.msk [tilespmem:v23+s14+$0x0], $0xffff;
	[tilespmem:s25+$0xFFFFFD90] =	vst v11;
	v11 =	vshll.u32 v21, $0x3  }
0xb7: {  	v44 =	vshll.u32 v39, $0x3;
	v28 =	vand.u32 $0xC00, v28;
	v24 =	vld.idx.msk [tilespmem:v24+s14+$0x0], $0xffff;
	[tilespmem:s25+$0xFFFFFFB0] =	vst v9;
	v9 =	vshll.u32 v43, $0x3  }
0xb8: {  	v40 =	vand.u32 $0x7FFFFC00, v40;
	[tilespmem:s25+$0xFFFFFE10] =	vst v17;
	v17 =	vld.idx.msk [tilespmem:v22+s14+$0x0], $0xffff;
	v22 =	vand.u32 $0x7F, v43;
	v9 =	vand.u32 $0x7FFFFC00, v9  }
0xb9: {  	v41 =	vand.u32 $0x7FFFFC00, v41;
	v35 =	vand.u32 $0x7FFFFC00, v35;
	v25 =	vld.idx.msk [tilespmem:v25+s14+$0x0], $0xffff;
	[tilespmem:s25+$0xFFFFFE90] =	vst v19;
	v19 =	vor.u32 v22, v9  }
0xba: {  	v11 =	vand.u32 $0x7FFFFC00, v11;
	v22 =	vand.u32 $0x7FFFFC00, v42;
	v9 =	vld.idx.msk [tilespmem:v26+s14+$0x0], $0xffff;
	[tilespmem:s25+$0xFFFFFF10] =	vst v20;
	v20 =	vadd.s32 v0, v19  }
0xbb: {  	v13 =	vand.u32 $0x73, v13;
	[tilespmem:s25+$0xFFFFFC20] =	vst v18;
	v18 =	vand.u32 $0x71, v38;
	v26 =	vld.idx.msk [tilespmem:v27+s14+$0x0], $0xffff;
	v27 =	vand.u32 $0x7FFFFC00, v44  }
0xbc: {  	v15 =	vand.u32 $0x77, v15;
	v16 =	vand.u32 $0x75, v16;
	v21 =	vand.u32 $0x79, v21;
	[tilespmem:s25+$0xFFFFFCA0] =	vst v23;
	v23 =	vld.idx.msk [tilespmem:v31+s14+$0x0], $0xffff  }
0xbd: {  	v14 =	vand.u32 $0x7B, v14;
	v18 =	vor.u32 v18, v28;
	v29 =	vld.idx.msk [tilespmem:v29+s14+$0x0], $0xffff;
	[tilespmem:s25+$0xFFFFFD20] =	vst v24;
	v24 =	vand.u32 $0x7D, v39  }
0xbe: {  	v16 =	vor.u32 v16, v35;
	v28 =	vld.idx.msk [tilespmem:v30+s14+$0x0], $0xffff;
	v30 =	vor.u32 v13, v40;
	[tilespmem:s25+$0xFFFFFFC0] =	vst v17  }
0xbf: {  	v21 =	vor.u32 v21, v11;
	v17 =	vor.u32 v15, v41;
	[tilespmem:s25+$0xFFFFFDA0] =	vst v25;
	v11 =	vld.idx.msk [tilespmem:v20+s14+$0x0], $0xffff  }
0xc0: {  	v20 =	vor.u32 v14, v22;
	v22 =	vor.u32 v24, v27;
	v13 =	vld.idx.msk [tilespmem:v32+s14+$0x0], $0xffff;
	[tilespmem:s25+$0xFFFFFE20] =	vst v9  }
0xc1: {  	v24 =	vadd.s32 v0, v18;
	v14 =	vadd.s32 v1, v19;
	v9 =	vld.idx.msk [tilespmem:v33+s14+$0x0], $0xffff;
	[tilespmem:s25+$0xFFFFFEA0] =	vst v26  }
0xc2: {  	v25 =	vadd.s32 v0, v30;
	v26 =	vadd.s32 v0, v16;
	v15 =	vld.idx.msk [tilespmem:v34+s14+$0x0], $0xffff;
	[tilespmem:s25+$0xFFFFFF20] =	vst v23  }
0xc3: {  	v27 =	vadd.s32 v0, v21;
	v23 =	vadd.s32 v0, v17;
	[tilespmem:s25+$0xFFFFFC30] =	vst v29;
	v29 =	vld.idx.msk [tilespmem:v36+s14+$0x0], $0xffff  }
0xc4: {  	v32 =	vadd.s32 v0, v22;
	[tilespmem:s25+$0xFFFFFCB0] =	vst v28;
	v28 =	vadd.s32 v0, v20;
	v31 =	vld.idx.msk [tilespmem:v37+s14+$0x0], $0xffff  }
0xc5: {  	v33 =	vadd.s32 v1, v18;
	v34 =	vadd.s32 v1, v30;
	v10 =	vld.idx.msk [tilespmem:v10+s14+$0x0], $0xffff;
	[tilespmem:s25+$0xFFFFFFD0] =	vst v11  }
0xc6: {  	v35 =	vadd.s32 v1, v16;
	v36 =	vadd.s32 v1, v17;
	[tilespmem:s25+$0xFFFFFD30] =	vst v13;
	v37 =	vld.idx.msk [tilespmem:v14+s14+$0x0], $0xffff  }
0xc7: {  	v39 =	vadd.s32 v1, v21;
	v40 =	vadd.s32 v1, v20;
	v38 =	vld.idx.msk [tilespmem:v12+s14+$0x0], $0xffff;
	[tilespmem:s25+$0xFFFFFDB0] =	vst v9  }
0xc8: {  	v42 =	vadd.s32 v2, v19;
	v41 =	vadd.s32 v1, v22;
	v8 =	vld.idx.msk [tilespmem:v8+s14+$0x0], $0xffff;
	[tilespmem:s25+$0xFFFFFE30] =	vst v15  }
0xc9: {  	v43 =	vadd.s32 v2, v18;
	v44 =	vadd.s32 v2, v30;
	v45 =	vld.idx.msk [tilespmem:v7+s14+$0x0], $0xffff;
	[tilespmem:s25+$0xFFFFFEB0] =	vst v29  }
0xca: {  	v14 =	vadd.s32 v2, v17;
	v15 =	vadd.s32 v2, v16;
	v29 =	vld.idx.msk [tilespmem:v6+s14+$0x0], $0xffff;
	[tilespmem:s25+$0xFFFFFF30] =	vst v31  }
0xcb: {  	v13 =	vadd.s32 v2, v21;
	v12 =	vadd.s32 v2, v20;
	[tilespmem:s25+$0xFFFFFC40] =	vst v10;
	v31 =	vld.idx.msk [tilespmem:v4+s14+$0x0], $0xffff  }
0xcc: {  	v11 =	vadd.s32 v2, v22;
	v9 =	vadd.s32 v3, v18;
	v18 =	vld.idx.msk [tilespmem:v5+s14+$0x0], $0xffff;
	[tilespmem:s25+$0xFFFFFFE0] =	vst v37  }
0xcd: {  	v7 =	vadd.s32 v3, v16;
	v10 =	vadd.s32 v3, v30;
	[tilespmem:s25+$0xFFFFFCC0] =	vst v38;
	v16 =	vld.idx.msk [tilespmem:v42+s14+$0x0], $0xffff  }
0xce: {  	v6 =	vadd.s32 v3, v21;
	v24 =	vld.idx.msk [tilespmem:v24+s14+$0x0], $0xffff;
	[tilespmem:s25+$0xFFFFFD40] =	vst v8;
	v8 =	vadd.s32 v3, v17  }
0xcf: {  	v19 =	vadd.s32 v3, v19;
	v5 =	vadd.s32 v3, v20;
	v17 =	vld.idx.msk [tilespmem:v25+s14+$0x0], $0xffff;
	[tilespmem:s25+$0xFFFFFDC0] =	vst v45  }
0xd0: {  	v4 =	vadd.s32 v3, v22;
	v20 =	vld.idx.msk [tilespmem:v26+s14+$0x0], $0xffff;
	[tilespmem:s25+$0xFFFFFE40] =	vst v29  }
0xd1: {  	v21 =	vld.idx.msk [tilespmem:v23+s14+$0x0], $0xffff;
	[tilespmem:s25+$0xFFFFFEC0] =	vst v31  }
0xd2: {  	v22 =	vld.idx.msk [tilespmem:v27+s14+$0x0], $0xffff;
	[tilespmem:s25+$0xFFFFFF40] =	vst v18  }
0xd3: {  	v18 =	vld.idx.msk [tilespmem:v28+s14+$0x0], $0xffff;
	[tilespmem:s25+$0xFFFFFFF0] =	vst v16  }
0xd4: {  	[tilespmem:s25+$0xFFFFFC50] =	vst v24;
	v16 =	vld.idx.msk [tilespmem:v19+s14+$0x0], $0xffff  }
0xd5: {  	[tilespmem:s25+$0xFFFFFCD0] =	vst v17;
	v17 =	vld.idx.msk [tilespmem:v32+s14+$0x0], $0xffff  }
0xd6: {  	v23 =	vld.idx.msk [tilespmem:v33+s14+$0x0], $0xffff;
	[tilespmem:s25+$0xFFFFFD50] =	vst v20  }
0xd7: {  	v24 =	vld.idx.msk [tilespmem:v34+s14+$0x0], $0xffff;
	[tilespmem:s25+$0xFFFFFDD0] =	vst v21  }
0xd8: {  	v25 =	vld.idx.msk [tilespmem:v35+s14+$0x0], $0xffff;
	[tilespmem:s25+$0xFFFFFE50] =	vst v22  }
0xd9: {  	v21 =	vld.idx.msk [tilespmem:v36+s14+$0x0], $0xffff;
	[tilespmem:s25+$0xFFFFFED0] =	vst v18  }
.Ltmp6:
0xda: {  	v20 =	vld.idx.msk [tilespmem:v39+s14+$0x0], $0xffff;
	[tilespmem:s25+$0x0] =	vst v16;
	(pc) =	sbr.rel @p1 .LBB2_8-.Ltmp6, $4  }
0xdb: {  	v19 =	vld.idx.msk [tilespmem:v40+s14+$0x0], $0xffff;
	[tilespmem:s25+$0xFFFFFF50] =	vst v17  }
0xdc: {  	[tilespmem:s25+$0xFFFFFC60] =	vst v23;
	v18 =	vld.idx.msk [tilespmem:v41+s14+$0x0], $0xffff  }
0xdd: {  	v17 =	vld.idx.msk [tilespmem:v43+s14+$0x0], $0xffff;
	[tilespmem:s25+$0xFFFFFCE0] =	vst v24  }
0xde: {  	s29 =	sadd.s32 $0x10, s29;
	v16 =	vld.idx.msk [tilespmem:v44+s14+$0x0], $0xffff;
	[tilespmem:s25+$0xFFFFFD60] =	vst v25  }
0xdf: {  	_ =	sdelay $0x2  }
0xe0: {  	[tilespmem:s25+$0xFFFFFDE0] =	vst v21  }
0xe1: {  	v15 =	vld.idx.msk [tilespmem:v15+s14+$0x0], $0xffff;
	[tilespmem:s25+$0xFFFFFE60] =	vst v20  }
0xe2: {  	v14 =	vld.idx.msk [tilespmem:v14+s14+$0x0], $0xffff;
	[tilespmem:s25+$0xFFFFFEE0] =	vst v19  }
0xe3: {  	v13 =	vld.idx.msk [tilespmem:v13+s14+$0x0], $0xffff;
	[tilespmem:s25+$0xFFFFFF60] =	vst v18  }
0xe4: {  	v12 =	vld.idx.msk [tilespmem:v12+s14+$0x0], $0xffff;
	[tilespmem:s25+$0xFFFFFC70] =	vst v17  }
0xe5: {  	v11 =	vld.idx.msk [tilespmem:v11+s14+$0x0], $0xffff;
	[tilespmem:s25+$0xFFFFFCF0] =	vst v16  }
0xe6: {  	v9 =	vld.idx.msk [tilespmem:v9+s14+$0x0], $0xffff;
	[tilespmem:s25+$0xFFFFFD70] =	vst v15  }
0xe7: {  	v10 =	vld.idx.msk [tilespmem:v10+s14+$0x0], $0xffff;
	[tilespmem:s25+$0xFFFFFDF0] =	vst v14  }
0xe8: {  	v7 =	vld.idx.msk [tilespmem:v7+s14+$0x0], $0xffff;
	[tilespmem:s25+$0xFFFFFE70] =	vst v13  }
0xe9: {  	v8 =	vld.idx.msk [tilespmem:v8+s14+$0x0], $0xffff;
	[tilespmem:s25+$0xFFFFFEF0] =	vst v12  }
0xea: {  	v6 =	vld.idx.msk [tilespmem:v6+s14+$0x0], $0xffff;
	[tilespmem:s25+$0xFFFFFF70] =	vst v11  }
0xeb: {  	v5 =	vld.idx.msk [tilespmem:v5+s14+$0x0], $0xffff;
	[tilespmem:s25+$0xFFFFFC80] =	vst v9  }
0xec: {  	v4 =	vld.idx.msk [tilespmem:v4+s14+$0x0], $0xffff;
	[tilespmem:s25+$0xFFFFFD00] =	vst v10  }
0xed: {  	[tilespmem:s25+$0xFFFFFD80] =	vst v7  }
0xee: {  	[tilespmem:s25+$0xFFFFFE00] =	vst v8  }
0xef: {  	s1 =	smul.u32 $0xC00, s24;
	p1 =	sgt.u32 s24, $0x9EB;
	[tilespmem:s26+$0xFFFFFE80] =	vst v6  }
.Ltmp7:
0xf0: {  	s2 =	sadd.s32 @!p1 s9, s23;
	[tilespmem:s26+$0xFFFFFF00] =	vst v5;
	(pc) =	sbr.rel .LBB2_10-.Ltmp7, $4  }
0xf1: {  	s3 =	simm.s32 @!p1 $0x7A1400;
	s1 =	sadd.s32 s6, s1;
	s2 =	smul.u32 @!p1 $0x180, s2;
	[tilespmem:s26+$0xFFFFFF80] =	vst v4  }
0xf2: {  	[hbm4b:s1+s4] =	stream.linear.scatter [tilespmem:s16], [sflag:$0x4], $0x6000, $0x38;
	[tilespmem:$0x19000] =	vst v63  }
0xf3: {  	s7 =	simm.s32 @!p1 $0x6000;
	s1 =	sadd.s32 @!p1 s0, s2;
	s2 =	simm.s32 @!p1 $0xC00  }
0xf4: {  	[tilespmem:s7], [sflag:$0x2] =	stream.strided.gather @!p1 [hbm4b:s1+s2], $0x6000, s3, s2, $0x38;
	[tilespmem:$0x19000] =	vst v63  }
.LBB2_4:
0xf5: {  	v5 =	vshll.u32 v4, $0x3;
	s2 =	simm.s32 $0x4  }
0xf6: {  	v4 =	vand.u32 $0x7E, v4;
	s26 =	simm.s32 $0x6;
	s30 =	simm.s32 $0x8;
	s3 =	simm.s32 $0x0;
	v5 =	vand.u32 $0xC00, v5;
	v6 =	vmov s2  }
0xf7: {  	s31 =	simm.s32 $0xA;
	s13 =	simm.s32 $0xC;
	v8 =	vmov s26;
	v9 =	vmov s30;
	v10 =	vmov s3  }
0xf8: {  	s1 =	simm.s32 $0x2;
	v11 =	vmov s31;
	v13 =	vmov s13;
	v4 =	vor.u32 v4, v5  }
0xf9: {  	_ =	swait.ge [sflag:s17], $0x6000;
	v5 =	vmov s1;
	v12 =	vshll.u32 v10, $0x3;
	v15 =	vshll.u32 v6, $0x3  }
0xfa: {  	[sflag:s17] =	ssyncset.done $0x0;
	v16 =	vshll.u32 v8, $0x3;
	v17 =	vshll.u32 v9, $0x3;
	v7 =	vadd.s32 v0, v4  }
0xfb: {  	s12 =	simm.s32 @!p1 $0x3;
	[sflag:s17] =	ssyncadd.s32 $0xFFFFA000;
	v18 =	vshll.u32 v11, $0x3;
	v10 =	vand.u32 $0x70, v10;
	v12 =	vand.u32 $0xC00, v12  }
0xfc: {  	v19 =	vshll.u32 v13, $0x3;
	v6 =	vand.u32 $0x74, v6;
	_ =	swait.ge @!p1 [sflag:s12], $0x6000;
	v10 =	vor.u32 v10, v12  }
0xfd: {  	v8 =	vand.u32 $0x76, v8;
	v15 =	vand.u32 $0xC00, v15;
	[sflag:s12] =	ssyncset.done @!p1 $0x0;
	v12 =	vadd.s32 v0, v10  }
0xfe: {  	v9 =	vand.u32 $0x78, v9;
	v16 =	vand.u32 $0xC00, v16;
	v6 =	vor.u32 v6, v15;
	[sflag:s12] =	ssyncadd.s32 @!p1 $0xFFFFA000  }
0xff: {  	v14 =	vshll.u32 v5, $0x3;
	v8 =	vor.u32 v8, v16;
	v16 =	vadd.s32 v0, v6;
	v7 =	vld.idx.msk [tilespmem:v7+s4+$0x0], $0xffff  }
0x100: {  	v20 =	vadd.s32 v1, v4;
	v5 =	vand.u32 $0x72, v5;
	v14 =	vand.u32 $0xC00, v14  }
0x101: {  	v15 =	vand.u32 $0xC00, v18;
	v5 =	vor.u32 v5, v14;
	v18 =	vadd.s32 v0, v8  }
0x102: {  	v11 =	vand.u32 $0x7A, v11;
	v17 =	vand.u32 $0xC00, v17;
	v14 =	vadd.s32 v0, v5;
	v12 =	vld.idx.msk [tilespmem:v12+s4+$0x0], $0xffff  }
0x103: {  	s25 =	simm.s32 $0xC200;
	v13 =	vand.u32 $0x7C, v13;
	v9 =	vor.u32 v9, v17;
	v21 =	vadd.s32 v1, v10  }
0x104: {  	v11 =	vor.u32 v11, v15;
	v15 =	vadd.s32 v0, v9;
	v16 =	vld.idx.msk [tilespmem:v16+s4+$0x0], $0xffff;
	[tilespmem:s25+$0x180] =	vst v7;
	v7 =	vand.u32 $0xC00, v19  }
0x105: {  	v19 =	vld.idx.msk [tilespmem:v20+s4+$0x0], $0xffff;
	v7 =	vor.u32 v13, v7;
	v13 =	vadd.s32 v0, v11  }
0x106: {  	v17 =	vadd.s32 v2, v4;
	v18 =	vld.idx.msk [tilespmem:v18+s4+$0x0], $0xffff  }
0x107: {  	v22 =	vadd.s32 v1, v6;
	v14 =	vld.idx.msk [tilespmem:v14+s4+$0x0], $0xffff;
	[tilespmem:s25+$0xFFFFFE00] =	vst v12  }
0x108: {  	v20 =	vadd.s32 v0, v7;
	v21 =	vld.idx.msk [tilespmem:v21+s4+$0x0], $0xffff  }
0x109: {  	v24 =	vadd.s32 v2, v10;
	v15 =	vld.idx.msk [tilespmem:v15+s4+$0x0], $0xffff  }
0x10a: {  	[tilespmem:s25+$0x190] =	vst v19;
	v19 =	vadd.s32 v1, v5;
	v12 =	vld.idx.msk [tilespmem:v13+s4+$0x0], $0xffff  }
0x10b: {  	[tilespmem:s25+$0xFFFFFF00] =	vst v16;
	v13 =	vadd.s32 v1, v8;
	v17 =	vld.idx.msk [tilespmem:v17+s4+$0x0], $0xffff  }
0x10c: {  	v4 =	vadd.s32 v3, v4;
	[tilespmem:s25+$0xFFFFFE80] =	vst v14;
	v22 =	vld.idx.msk [tilespmem:v22+s4+$0x0], $0xffff  }
0x10d: {  	v14 =	vld.idx.msk [tilespmem:v20+s4+$0x0], $0xffff;
	v20 =	vadd.s32 v1, v9;
	[tilespmem:s25+$0xFFFFFE10] =	vst v21  }
0x10e: {  	s2 =	simm.s32 $0xF;
	v16 =	vadd.s32 v1, v11;
	[tilespmem:s25+$0xFFFFFF80] =	vst v18;
	v24 =	vld.idx.msk [tilespmem:v24+s4+$0x0], $0xffff  }
0x10f: {  	v10 =	vadd.s32 v3, v10;
	v18 =	vmov s2;
	[tilespmem:s25+$0x0] =	vst v15;
	v19 =	vld.idx.msk [tilespmem:v19+s4+$0x0], $0xffff  }
0x110: {  	v23 =	vadd.s32 v1, v7;
	v13 =	vld.idx.msk [tilespmem:v13+s4+$0x0], $0xffff;
	[tilespmem:s25+$0x1A0] =	vst v17;
	v17 =	vshll.u32 v18, $0x3  }
0x111: {  	v15 =	vand.u32 $0x7F, v18;
	[tilespmem:s25+$0x80] =	vst v12;
	v18 =	vadd.s32 v2, v5;
	v4 =	vld.idx.msk [tilespmem:v4+s4+$0x0], $0xffff;
	v17 =	vand.u32 $0x7FFFFC00, v17  }
0x112: {  	[tilespmem:s25+$0x100] =	vst v14;
	v12 =	vor.u32 v15, v17;
	v15 =	vld.idx.msk [tilespmem:v20+s4+$0x0], $0xffff;
	v20 =	vadd.s32 v2, v8  }
0x113: {  	v16 =	vld.idx.msk [tilespmem:v16+s4+$0x0], $0xffff;
	[tilespmem:s25+$0xFFFFFE20] =	vst v24;
	v14 =	vadd.s32 v0, v12  }
0x114: {  	s13 =	simm.s32 $0x7;
	s26 =	simm.s32 $0x9;
	[tilespmem:s25+$0xFFFFFF10] =	vst v22;
	v17 =	vadd.s32 v2, v6;
	v10 =	vld.idx.msk [tilespmem:v10+s4+$0x0], $0xffff  }
0x115: {  	s30 =	simm.s32 $0xB;
	s31 =	simm.s32 $0xD;
	v25 =	vmov s13;
	v26 =	vmov s26;
	v21 =	vadd.s32 v2, v9;
	[tilespmem:s25+$0xFFFFFE90] =	vst v19;
	v19 =	vld.idx.msk [tilespmem:v23+s4+$0x0], $0xffff  }
0x116: {  	v27 =	vmov s30;
	v28 =	vmov s31;
	v23 =	vadd.s32 v2, v11;
	[tilespmem:s25+$0xFFFFFF90] =	vst v13;
	v18 =	vld.idx.msk [tilespmem:v18+s4+$0x0], $0xffff  }
0x117: {  	v30 =	vshll.u32 v25, $0x3;
	v22 =	vadd.s32 v2, v7;
	v5 =	vadd.s32 v3, v5;
	[tilespmem:s25+$0x1B0] =	vst v4;
	v20 =	vld.idx.msk [tilespmem:v20+s4+$0x0], $0xffff  }
0x118: {  	v31 =	vshll.u32 v27, $0x3;
	[tilespmem:s25+$0x90] =	vst v16;
	v4 =	vadd.s32 v3, v6;
	v6 =	vadd.s32 v3, v8;
	v8 =	vld.idx.msk [tilespmem:v14+s4+$0x0], $0xffff  }
0x119: {  	s7 =	simm.s32 $0x3;
	s3 =	simm.s32 $0x1;
	v54 =	vand.u32 $0x7FFFFC00, v30;
	v9 =	vadd.s32 v3, v9;
	v7 =	vadd.s32 v3, v7;
	[tilespmem:s25+$0x10] =	vst v15;
	v14 =	vld.idx.msk [tilespmem:v17+s4+$0x0], $0xffff  }
0x11a: {  	s12 =	simm.s32 $0x5;
	v13 =	vmov s3;
	v16 =	vadd.s32 v1, v12;
	v15 =	vmov s7;
	v21 =	vld.idx.msk [tilespmem:v21+s4+$0x0], $0xffff;
	[tilespmem:s25+$0xFFFFFE30] =	vst v10  }
0x11b: {  	v11 =	vadd.s32 v3, v11;
	v17 =	vmov s12;
	v52 =	vshll.u32 v15, $0x3;
	[tilespmem:s25+$0x110] =	vst v19;
	v23 =	vld.idx.msk [tilespmem:v23+s4+$0x0], $0xffff  }
0x11c: {  	v15 =	vand.u32 $0x73, v15;
	v19 =	vshll.u32 v13, $0x3;
	v29 =	vshll.u32 v17, $0x3;
	[tilespmem:s25+$0xFFFFFEA0] =	vst v18;
	v18 =	vld.idx.msk [tilespmem:v22+s4+$0x0], $0xffff  }
0x11d: {  	v13 =	vand.u32 $0x71, v13;
	v17 =	vand.u32 $0x75, v17;
	v19 =	vand.u32 $0xC00, v19;
	v5 =	vld.idx.msk [tilespmem:v5+s4+$0x0], $0xffff;
	[tilespmem:s25+$0xFFFFFFA0] =	vst v20  }
0x11e: {  	v22 =	vshll.u32 v26, $0x3;
	v19 =	vor.u32 v13, v19;
	[tilespmem:s25+$0x1C0] =	vst v8;
	v8 =	vand.u32 $0x7FFFFC00, v52;
	v6 =	vld.idx.msk [tilespmem:v6+s4+$0x0], $0xffff  }
0x11f: {  	v53 =	vand.u32 $0x7FFFFC00, v29;
	[tilespmem:s25+$0xFFFFFF20] =	vst v14;
	v14 =	vld.idx.msk [tilespmem:v16+s4+$0x0], $0xffff;
	v8 =	vor.u32 v15, v8;
	v15 =	vadd.s32 v0, v19  }
0x120: {  	v13 =	vadd.s32 v2, v12;
	v17 =	vor.u32 v17, v53;
	v20 =	vand.u32 $0x77, v25;
	[tilespmem:s25+$0x20] =	vst v21;
	v4 =	vld.idx.msk [tilespmem:v4+s4+$0x0], $0xffff  }
0x121: {  	v16 =	vand.u32 $0x7FFFFC00, v22;
	v22 =	vand.u32 $0x7FFFFC00, v31;
	[tilespmem:s25+$0xA0] =	vst v23;
	v9 =	vld.idx.msk [tilespmem:v9+s4+$0x0], $0xffff;
	v21 =	vadd.s32 v0, v8  }
0x122: {  	v23 =	vor.u32 v20, v54;
	v20 =	vadd.s32 v0, v17;
	[tilespmem:s25+$0x120] =	vst v18;
	v18 =	vand.u32 $0x79, v26;
	v10 =	vld.idx.msk [tilespmem:v11+s4+$0x0], $0xffff  }
0x123: {  	v11 =	vand.u32 $0x7B, v27;
	v16 =	vor.u32 v18, v16;
	v18 =	vadd.s32 v0, v23;
	v7 =	vld.idx.msk [tilespmem:v7+s4+$0x0], $0xffff;
	[tilespmem:s25+$0xFFFFFEB0] =	vst v5  }
0x124: {  	v22 =	vor.u32 v11, v22;
	v11 =	vadd.s32 v0, v16;
	[tilespmem:s25+$0x1D0] =	vst v14;
	v14 =	vshll.u32 v28, $0x3;
	v15 =	vld.idx.msk [tilespmem:v15+s4+$0x0], $0xffff  }
0x125: {  	v55 =	vadd.s32 v0, v22;
	[tilespmem:s25+$0xFFFFFF30] =	vst v4;
	v5 =	vld.idx.msk [tilespmem:v13+s4+$0x0], $0xffff;
	v13 =	vand.u32 $0x7FFFFC00, v14;
	v14 =	vand.u32 $0x7D, v28  }
0x126: {  	[tilespmem:s25+$0x30] =	vst v9;
	v9 =	vadd.s32 v1, v19;
	v4 =	vor.u32 v14, v13;
	v13 =	vld.idx.msk [tilespmem:v21+s4+$0x0], $0xffff  }
0x127: {  	[tilespmem:s25+$0xFFFFFFB0] =	vst v6;
	v6 =	vadd.s32 v3, v12;
	v14 =	vld.idx.msk [tilespmem:v20+s4+$0x0], $0xffff  }
0x128: {  	[tilespmem:s25+$0xB0] =	vst v10;
	v18 =	vld.idx.msk [tilespmem:v18+s4+$0x0], $0xffff;
	v12 =	vadd.s32 v0, v4  }
0x129: {  	v10 =	vadd.s32 v1, v8;
	[tilespmem:s25+$0x130] =	vst v7;
	v11 =	vld.idx.msk [tilespmem:v11+s4+$0x0], $0xffff  }
0x12a: {  	v7 =	vadd.s32 v1, v17;
	v20 =	vld.idx.msk [tilespmem:v55+s4+$0x0], $0xffff;
	[tilespmem:s25+$0xFFFFFE40] =	vst v15  }
0x12b: {  	v56 =	vadd.s32 v1, v16;
	[tilespmem:s25+$0x1E0] =	vst v5;
	v59 =	vld.idx.msk [tilespmem:v9+s4+$0x0], $0xffff  }
0x12c: {  	v5 =	vadd.s32 v1, v23;
	v6 =	vld.idx.msk [tilespmem:v6+s4+$0x0], $0xffff;
	[tilespmem:s25+$0xFFFFFEC0] =	vst v13  }
0x12d: {  	v58 =	vadd.s32 v1, v22;
	[tilespmem:s25+$0xFFFFFF40] =	vst v14;
	v57 =	vld.idx.msk [tilespmem:v12+s4+$0x0], $0xffff  }
0x12e: {  	v62 =	vadd.s32 v2, v19;
	[tilespmem:s25+$0xFFFFFFC0] =	vst v18;
	v61 =	vld.idx.msk [tilespmem:v10+s4+$0x0], $0xffff  }
0x12f: {  	v63 =	vadd.s32 v2, v8;
	v60 =	vadd.s32 v1, v4;
	v32 =	vld.idx.msk [tilespmem:v7+s4+$0x0], $0xffff;
	[tilespmem:s25+$0x40] =	vst v11  }
0x130: {  	v15 =	vadd.s32 v2, v17;
	v9 =	vadd.s32 v3, v19;
	[tilespmem:s25+$0xC0] =	vst v20;
	v20 =	vld.idx.msk [tilespmem:v56+s4+$0x0], $0xffff  }
0x131: {  	v14 =	vadd.s32 v2, v23;
	v13 =	vadd.s32 v2, v16;
	v21 =	vld.idx.msk [tilespmem:v5+s4+$0x0], $0xffff;
	[tilespmem:s25+$0xFFFFFE50] =	vst v59  }
0x132: {  	v12 =	vadd.s32 v2, v22;
	v11 =	vadd.s32 v2, v4;
	v19 =	vld.idx.msk [tilespmem:v58+s4+$0x0], $0xffff;
	[tilespmem:s25+$0x1F0] =	vst v6  }
0x133: {  	v10 =	vadd.s32 v3, v8;
	v7 =	vadd.s32 v3, v17;
	v17 =	vld.idx.msk [tilespmem:v62+s4+$0x0], $0xffff;
	[tilespmem:s25+$0x140] =	vst v57  }
0x134: {  	v8 =	vadd.s32 v3, v23;
	v4 =	vadd.s32 v3, v4;
	[tilespmem:s25+$0xFFFFFED0] =	vst v61;
	v18 =	vld.idx.msk [tilespmem:v60+s4+$0x0], $0xffff  }
0x135: {  	s28 =	simm.s32 $0x0;
	s29 =	simm.s32 $0x1F;
	s26 =	simm.s32 $0xC200;
	v5 =	vadd.s32 v3, v22;
	v6 =	vadd.s32 v3, v16;
	[tilespmem:s25+$0xFFFFFF50] =	vst v32;
	v16 =	vld.idx.msk [tilespmem:v63+s4+$0x0], $0xffff  }
.LBB2_5:
0x136: {  	s1 =	sadd.s32 $0xFFFFFFF3, s29;
	s2 =	sadd.s32 $0xFFFFFFFF, s29;
	s28 =	sadd.s32 $0x8, s28;
	v15 =	vld.idx.msk [tilespmem:v15+s4+$0x0], $0xffff;
	[tilespmem:s25+$0xFFFFFFD0] =	vst v21  }
0x137: {  	s3 =	sadd.s32 $0xFFFFFFF7, s29;
	v21 =	vmov s1;
	s1 =	sadd.s32 $0xFFFFFFF5, s29;
	v22 =	vmov s2;
	p1 =	slt.u32 s28, $0xB8;
	v14 =	vld.idx.msk [tilespmem:v14+s4+$0x0], $0xffff;
	[tilespmem:s25+$0x50] =	vst v20  }
0x138: {  	s7 =	sadd.s32 $0xFFFFFFFD, s29;
	v23 =	vmov s3;
	s2 =	sadd.s32 $0xFFFFFFFB, s29;
	v20 =	vmov s1;
	s1 =	sadd.s32 $0xFFFFFFF9, s29;
	v24 =	vshll.u32 v22, $0x3;
	v13 =	vld.idx.msk [tilespmem:v13+s4+$0x0], $0xffff;
	[tilespmem:s25+$0xD0] =	vst v19  }
0x139: {  	s13 =	sadd.s32 $0xFFFFFFF2, s29;
	s30 =	sadd.s32 $0xFFFFFFF4, s29;
	s3 =	sadd.s32 $0xFFFFFFF1, s29;
	v22 =	vand.u32 $0x7E, v22;
	v19 =	vmov s1;
	v24 =	vand.u32 $0xC00, v24;
	v12 =	vld.idx.msk [tilespmem:v12+s4+$0x0], $0xffff;
	[tilespmem:s25+$0x150] =	vst v18  }
0x13a: {  	s12 =	sadd.s32 $0xFFFFFFF6, s29;
	s31 =	sadd.s32 $0xFFFFFFF8, s29;
	v25 =	vmov s2;
	v18 =	vmov s3;
	s3 =	sadd.s32 $0xFFFFFFFA, s29;
	v22 =	vor.u32 v22, v24;
	[tilespmem:s25+$0xFFFFFE60] =	vst v17;
	v11 =	vld.idx.msk [tilespmem:v11+s4+$0x0], $0xffff  }
0x13b: {  	s2 =	sadd.s32 $0xFFFFFFFC, s29;
	s1 =	sadd.s32 $0xFFFFFFFE, s29;
	v17 =	vshll.u32 v18, $0x3;
	v24 =	vmov s7;
	v26 =	vadd.s32 v0, v22;
	v9 =	vld.idx.msk [tilespmem:v9+s4+$0x0], $0xffff;
	[tilespmem:s25+$0xFFFFFEE0] =	vst v16  }
0x13c: {  	v28 =	vshll.u32 v23, $0x3;
	v27 =	vshll.u32 v20, $0x3;
	v16 =	vshll.u32 v21, $0x3;
	v10 =	vld.idx.msk [tilespmem:v10+s4+$0x0], $0xffff;
	[tilespmem:s25+$0xFFFFFF60] =	vst v15  }
0x13d: {  	v29 =	vshll.u32 v25, $0x3;
	v30 =	vshll.u32 v24, $0x3;
	v15 =	vshll.u32 v19, $0x3;
	v7 =	vld.idx.msk [tilespmem:v7+s4+$0x0], $0xffff;
	[tilespmem:s25+$0xFFFFFFE0] =	vst v14  }
0x13e: {  	v16 =	vand.u32 $0xC00, v16;
	v14 =	vand.u32 $0xC00, v17;
	v17 =	vand.u32 $0xC00, v27;
	v8 =	vld.idx.msk [tilespmem:v8+s4+$0x0], $0xffff;
	[tilespmem:s25+$0x60] =	vst v13  }
0x13f: {  	v15 =	vand.u32 $0xC00, v15;
	v27 =	vand.u32 $0xC00, v29;
	v13 =	vand.u32 $0xC00, v28;
	v6 =	vld.idx.msk [tilespmem:v6+s4+$0x0], $0xffff;
	[tilespmem:s25+$0xE0] =	vst v12  }
0x140: {  	v12 =	vand.u32 $0x70, v18;
	v18 =	vand.u32 $0x72, v21;
	v21 =	vand.u32 $0xC00, v30;
	v26 =	vld.idx.msk [tilespmem:v26+s4+$0x0], $0xffff;
	[tilespmem:s25+$0x160] =	vst v11  }
0x141: {  	v19 =	vand.u32 $0x78, v19;
	v11 =	vand.u32 $0x74, v20;
	v20 =	vand.u32 $0x76, v23;
	[tilespmem:s25+$0xFFFFFE70] =	vst v9;
	v5 =	vld.idx.msk [tilespmem:v5+s4+$0x0], $0xffff  }
0x142: {  	v23 =	vand.u32 $0x7C, v24;
	v24 =	vadd.s32 v1, v22;
	v9 =	vand.u32 $0x7A, v25;
	[tilespmem:s25+$0xFFFFFEF0] =	vst v10;
	v4 =	vld.idx.msk [tilespmem:v4+s4+$0x0], $0xffff  }
0x143: {  	v11 =	vor.u32 v11, v17;
	v10 =	vor.u32 v12, v14;
	v12 =	vor.u32 v18, v16;
	[tilespmem:s25+$0xFFFFFF70] =	vst v7  }
0x144: {  	v9 =	vor.u32 v9, v27;
	v7 =	vor.u32 v20, v13;
	v13 =	vor.u32 v19, v15;
	[tilespmem:s25+$0xFFFFFFF0] =	vst v8  }
0x145: {  	v14 =	vadd.s32 v0, v12;
	v15 =	vor.u32 v23, v21;
	v8 =	vadd.s32 v0, v10;
	s25 =	sadd.s32 $0x400, s25;
	[tilespmem:s26+$0x70] =	vst v6  }
0x146: {  	v16 =	vadd.s32 v0, v7;
	v17 =	vadd.s32 v0, v13;
	v6 =	vadd.s32 v0, v11;
	[tilespmem:s25+$0x180] =	vst v26  }
0x147: {  	v18 =	vadd.s32 v1, v10;
	v19 =	vadd.s32 v0, v9;
	v20 =	vadd.s32 v0, v15;
	v21 =	vld.idx.msk [tilespmem:v24+s4+$0x0], $0xffff  }
0x148: {  	v23 =	vadd.s32 v1, v12;
	v25 =	vadd.s32 v1, v7;
	v24 =	vadd.s32 v1, v11;
	[tilespmem:s26+$0xF0] =	vst v5  }
0x149: {  	v27 =	vadd.s32 v1, v9;
	v26 =	vadd.s32 v1, v13;
	v5 =	vadd.s32 v2, v22;
	[tilespmem:s26+$0x170] =	vst v4;
	s26 =	smov.u32 s25  }
0x14a: {  	v29 =	vadd.s32 v2, v10;
	v30 =	vadd.s32 v2, v12;
	v31 =	vadd.s32 v1, v15;
	v28 =	vld.idx.msk [tilespmem:v8+s4+$0x0], $0xffff  }
0x14b: {  	v32 =	vadd.s32 v2, v11;
	v33 =	vadd.s32 v2, v7;
	v34 =	vadd.s32 v2, v13;
	v14 =	vld.idx.msk [tilespmem:v14+s4+$0x0], $0xffff  }
0x14c: {  	v36 =	vadd.s32 v2, v9;
	v10 =	vadd.s32 v3, v10;
	v37 =	vadd.s32 v2, v15;
	v35 =	vld.idx.msk [tilespmem:v6+s4+$0x0], $0xffff  }
0x14d: {  	v38 =	vmov s13;
	v12 =	vadd.s32 v3, v12;
	v8 =	vadd.s32 v3, v11;
	v11 =	vld.idx.msk [tilespmem:v16+s4+$0x0], $0xffff;
	[tilespmem:s25+$0x190] =	vst v21  }
0x14e: {  	v7 =	vadd.s32 v3, v7;
	v4 =	vadd.s32 v3, v9;
	v6 =	vadd.s32 v3, v13;
	v9 =	vld.idx.msk [tilespmem:v5+s4+$0x0], $0xffff  }
0x14f: {  	v13 =	vmov s30;
	v16 =	vmov s12;
	v5 =	vadd.s32 v3, v15;
	v17 =	vld.idx.msk [tilespmem:v17+s4+$0x0], $0xffff  }
0x150: {  	v22 =	vadd.s32 v3, v22;
	v21 =	vmov s3;
	v15 =	vmov s31;
	[tilespmem:s25+$0xFFFFFE00] =	vst v28;
	v19 =	vld.idx.msk [tilespmem:v19+s4+$0x0], $0xffff  }
0x151: {  	v39 =	vmov s1;
	v28 =	vshll.u32 v38, $0x3;
	[tilespmem:s25+$0xFFFFFE80] =	vst v14;
	v14 =	vmov s2;
	v20 =	vld.idx.msk [tilespmem:v20+s4+$0x0], $0xffff  }
0x152: {  	v40 =	vshll.u32 v13, $0x3;
	v41 =	vshll.u32 v15, $0x3;
	v18 =	vld.idx.msk [tilespmem:v18+s4+$0x0], $0xffff;
	[tilespmem:s25+$0xFFFFFF00] =	vst v35;
	v35 =	vshll.u32 v16, $0x3  }
0x153: {  	v43 =	vmov s29;
	v42 =	vshll.u32 v14, $0x3;
	v23 =	vld.idx.msk [tilespmem:v23+s4+$0x0], $0xffff;
	[tilespmem:s25+$0xFFFFFF80] =	vst v11;
	v11 =	vshll.u32 v21, $0x3  }
0x154: {  	v44 =	vshll.u32 v39, $0x3;
	v28 =	vand.u32 $0xC00, v28;
	v24 =	vld.idx.msk [tilespmem:v24+s4+$0x0], $0xffff;
	[tilespmem:s25+$0x1A0] =	vst v9;
	v9 =	vshll.u32 v43, $0x3  }
0x155: {  	v40 =	vand.u32 $0x7FFFFC00, v40;
	[tilespmem:s25+$0x0] =	vst v17;
	v17 =	vld.idx.msk [tilespmem:v22+s4+$0x0], $0xffff;
	v22 =	vand.u32 $0x7F, v43;
	v9 =	vand.u32 $0x7FFFFC00, v9  }
0x156: {  	v41 =	vand.u32 $0x7FFFFC00, v41;
	v35 =	vand.u32 $0x7FFFFC00, v35;
	v25 =	vld.idx.msk [tilespmem:v25+s4+$0x0], $0xffff;
	[tilespmem:s25+$0x80] =	vst v19;
	v19 =	vor.u32 v22, v9  }
0x157: {  	v11 =	vand.u32 $0x7FFFFC00, v11;
	v22 =	vand.u32 $0x7FFFFC00, v42;
	v9 =	vld.idx.msk [tilespmem:v26+s4+$0x0], $0xffff;
	[tilespmem:s25+$0x100] =	vst v20;
	v20 =	vadd.s32 v0, v19  }
0x158: {  	v13 =	vand.u32 $0x73, v13;
	[tilespmem:s25+$0xFFFFFE10] =	vst v18;
	v18 =	vand.u32 $0x71, v38;
	v26 =	vld.idx.msk [tilespmem:v27+s4+$0x0], $0xffff;
	v27 =	vand.u32 $0x7FFFFC00, v44  }
0x159: {  	v15 =	vand.u32 $0x77, v15;
	v16 =	vand.u32 $0x75, v16;
	v21 =	vand.u32 $0x79, v21;
	[tilespmem:s25+$0xFFFFFE90] =	vst v23;
	v23 =	vld.idx.msk [tilespmem:v31+s4+$0x0], $0xffff  }
0x15a: {  	v14 =	vand.u32 $0x7B, v14;
	v18 =	vor.u32 v18, v28;
	v29 =	vld.idx.msk [tilespmem:v29+s4+$0x0], $0xffff;
	[tilespmem:s25+$0xFFFFFF10] =	vst v24;
	v24 =	vand.u32 $0x7D, v39  }
0x15b: {  	v16 =	vor.u32 v16, v35;
	v28 =	vld.idx.msk [tilespmem:v30+s4+$0x0], $0xffff;
	v30 =	vor.u32 v13, v40;
	[tilespmem:s25+$0x1B0] =	vst v17  }
0x15c: {  	v21 =	vor.u32 v21, v11;
	v17 =	vor.u32 v15, v41;
	[tilespmem:s25+$0xFFFFFF90] =	vst v25;
	v11 =	vld.idx.msk [tilespmem:v20+s4+$0x0], $0xffff  }
0x15d: {  	v20 =	vor.u32 v14, v22;
	v22 =	vor.u32 v24, v27;
	v13 =	vld.idx.msk [tilespmem:v32+s4+$0x0], $0xffff;
	[tilespmem:s25+$0x10] =	vst v9  }
0x15e: {  	v24 =	vadd.s32 v0, v18;
	v14 =	vadd.s32 v1, v19;
	v9 =	vld.idx.msk [tilespmem:v33+s4+$0x0], $0xffff;
	[tilespmem:s25+$0x90] =	vst v26  }
0x15f: {  	v25 =	vadd.s32 v0, v30;
	v26 =	vadd.s32 v0, v16;
	v15 =	vld.idx.msk [tilespmem:v34+s4+$0x0], $0xffff;
	[tilespmem:s25+$0x110] =	vst v23  }
0x160: {  	v27 =	vadd.s32 v0, v21;
	v23 =	vadd.s32 v0, v17;
	[tilespmem:s25+$0xFFFFFE20] =	vst v29;
	v29 =	vld.idx.msk [tilespmem:v36+s4+$0x0], $0xffff  }
0x161: {  	v32 =	vadd.s32 v0, v22;
	[tilespmem:s25+$0xFFFFFEA0] =	vst v28;
	v28 =	vadd.s32 v0, v20;
	v31 =	vld.idx.msk [tilespmem:v37+s4+$0x0], $0xffff  }
0x162: {  	v33 =	vadd.s32 v1, v18;
	v34 =	vadd.s32 v1, v30;
	v10 =	vld.idx.msk [tilespmem:v10+s4+$0x0], $0xffff;
	[tilespmem:s25+$0x1C0] =	vst v11  }
0x163: {  	v35 =	vadd.s32 v1, v16;
	v36 =	vadd.s32 v1, v17;
	[tilespmem:s25+$0xFFFFFF20] =	vst v13;
	v37 =	vld.idx.msk [tilespmem:v14+s4+$0x0], $0xffff  }
0x164: {  	v39 =	vadd.s32 v1, v21;
	v40 =	vadd.s32 v1, v20;
	v38 =	vld.idx.msk [tilespmem:v12+s4+$0x0], $0xffff;
	[tilespmem:s25+$0xFFFFFFA0] =	vst v9  }
0x165: {  	v42 =	vadd.s32 v2, v19;
	v41 =	vadd.s32 v1, v22;
	v8 =	vld.idx.msk [tilespmem:v8+s4+$0x0], $0xffff;
	[tilespmem:s25+$0x20] =	vst v15  }
0x166: {  	v43 =	vadd.s32 v2, v18;
	v44 =	vadd.s32 v2, v30;
	v45 =	vld.idx.msk [tilespmem:v7+s4+$0x0], $0xffff;
	[tilespmem:s25+$0xA0] =	vst v29  }
0x167: {  	v14 =	vadd.s32 v2, v17;
	v15 =	vadd.s32 v2, v16;
	v29 =	vld.idx.msk [tilespmem:v6+s4+$0x0], $0xffff;
	[tilespmem:s25+$0x120] =	vst v31  }
0x168: {  	v13 =	vadd.s32 v2, v21;
	v12 =	vadd.s32 v2, v20;
	[tilespmem:s25+$0xFFFFFE30] =	vst v10;
	v31 =	vld.idx.msk [tilespmem:v4+s4+$0x0], $0xffff  }
0x169: {  	v11 =	vadd.s32 v2, v22;
	v9 =	vadd.s32 v3, v18;
	v18 =	vld.idx.msk [tilespmem:v5+s4+$0x0], $0xffff;
	[tilespmem:s25+$0x1D0] =	vst v37  }
0x16a: {  	v7 =	vadd.s32 v3, v16;
	v10 =	vadd.s32 v3, v30;
	[tilespmem:s25+$0xFFFFFEB0] =	vst v38;
	v16 =	vld.idx.msk [tilespmem:v42+s4+$0x0], $0xffff  }
0x16b: {  	v6 =	vadd.s32 v3, v21;
	v24 =	vld.idx.msk [tilespmem:v24+s4+$0x0], $0xffff;
	[tilespmem:s25+$0xFFFFFF30] =	vst v8;
	v8 =	vadd.s32 v3, v17  }
0x16c: {  	v19 =	vadd.s32 v3, v19;
	v5 =	vadd.s32 v3, v20;
	v17 =	vld.idx.msk [tilespmem:v25+s4+$0x0], $0xffff;
	[tilespmem:s25+$0xFFFFFFB0] =	vst v45  }
0x16d: {  	v4 =	vadd.s32 v3, v22;
	v20 =	vld.idx.msk [tilespmem:v26+s4+$0x0], $0xffff;
	[tilespmem:s25+$0x30] =	vst v29  }
0x16e: {  	v21 =	vld.idx.msk [tilespmem:v23+s4+$0x0], $0xffff;
	[tilespmem:s25+$0xB0] =	vst v31  }
0x16f: {  	v22 =	vld.idx.msk [tilespmem:v27+s4+$0x0], $0xffff;
	[tilespmem:s25+$0x130] =	vst v18  }
0x170: {  	v18 =	vld.idx.msk [tilespmem:v28+s4+$0x0], $0xffff;
	[tilespmem:s25+$0x1E0] =	vst v16  }
0x171: {  	[tilespmem:s25+$0xFFFFFE40] =	vst v24;
	v16 =	vld.idx.msk [tilespmem:v19+s4+$0x0], $0xffff  }
0x172: {  	[tilespmem:s25+$0xFFFFFEC0] =	vst v17;
	v17 =	vld.idx.msk [tilespmem:v32+s4+$0x0], $0xffff  }
0x173: {  	v23 =	vld.idx.msk [tilespmem:v33+s4+$0x0], $0xffff;
	[tilespmem:s25+$0xFFFFFF40] =	vst v20  }
0x174: {  	v24 =	vld.idx.msk [tilespmem:v34+s4+$0x0], $0xffff;
	[tilespmem:s25+$0xFFFFFFC0] =	vst v21  }
0x175: {  	v25 =	vld.idx.msk [tilespmem:v35+s4+$0x0], $0xffff;
	[tilespmem:s25+$0x40] =	vst v22  }
0x176: {  	v21 =	vld.idx.msk [tilespmem:v36+s4+$0x0], $0xffff;
	[tilespmem:s25+$0xC0] =	vst v18  }
.Ltmp8:
0x177: {  	v20 =	vld.idx.msk [tilespmem:v39+s4+$0x0], $0xffff;
	[tilespmem:s25+$0x1F0] =	vst v16;
	(pc) =	sbr.rel @p1 .LBB2_5-.Ltmp8, $4  }
0x178: {  	v19 =	vld.idx.msk [tilespmem:v40+s4+$0x0], $0xffff;
	[tilespmem:s25+$0x140] =	vst v17  }
0x179: {  	[tilespmem:s25+$0xFFFFFE50] =	vst v23;
	v18 =	vld.idx.msk [tilespmem:v41+s4+$0x0], $0xffff  }
0x17a: {  	v17 =	vld.idx.msk [tilespmem:v43+s4+$0x0], $0xffff;
	[tilespmem:s25+$0xFFFFFED0] =	vst v24  }
0x17b: {  	s29 =	sadd.s32 $0x10, s29;
	v16 =	vld.idx.msk [tilespmem:v44+s4+$0x0], $0xffff;
	[tilespmem:s25+$0xFFFFFF50] =	vst v25  }
.Ltmp9:
0x17c: {  	_ = 	snop;
	(pc) =	sbr.rel .LBB2_6-.Ltmp9, $1  }
0x17d: {  	_ =	sdelay $0x3  }
.LBB2_12:
0x17e: {  	_ =	sfence.sel $0x180000  }
0x17f: {  	[bflag:$0x0] =	sbarrier.arrive $0xFFFF  }
0x180: {  	_ =	strace $0x90000047  }
0x181: {  	s0 =	stileid.u32;
	[bflag:$0x2] =	sbarrier.arrive $0xFFFF  }
0x182: {  	p0 =	sne.s32 s0, $0x0;
	s0 =	rddreg [dreg:$0x3]  }
0x183: {  	s0 =	sadd.s32 @!p0 $0x100000, s0  }
0x184: {  	[sflag:s0] =	ssyncadd.tile.s32 @!p0 $0x1;
	_ =	shalt  }
.Lfunc_end2:
_tile_overlayer_lowered:
.L_overlay_start_2:
0x185: {  	(tag) =	ssettag $0x2  }
0x186: {  	s0 =	rddreg [dreg:$0x0];
	s2 =	stileid.u32  }
0x187: {  	s1 =	rddreg [dreg:$0x1];
	p0 =	sne.s32 s2, $0x0  }
0x188: {  	s3 =	rddreg [dreg:$0x2];
	[bflag:$0x3] =	sbarrier.arrive $0xFFFF;
	s2 =	simm.s32 @!p0 $0x1C06  }
0x189: {  	[timem:s3], [sflag:s2] =	dma.local @!p0 [hbm:s0], s1  }
0x18a: {  	s0 =	simm.s32 @!p0 $0x6  }
0x18b: {  	_ =	swait.ge @!p0 [sflag:s0], s1  }
0x18c: {  	s1 =	ssub.s32 @!p0 $0x0, s1;
	[sflag:s0] =	ssyncset.done @!p0 $0x0  }
0x18d: {  	[sflag:s0] =	ssyncadd.s32 @!p0 s1  }
0x18e: {  	[bflag:$0x3] =	sbarrier.arrive $0xFFFF  }
0x18f: {  	_ =	shalt  }

// kernel: kernel.7.cloned.1.call-start
scs
__scs_entry_jumppad:
0x0: {  	(pc) =	sbr.rel $0x88, $3  }
0x1: {  	(tag) =	ssettag $0x0;
	lr =	simm.s32 $0x1  }
0x2: {  	[smem:$0x3F9F] =	sst lr;
	_ =	strace $0xD0000000  }
0x3: {  	_ = 	snop  }
0x4: {  	_ = 	snop  }
0x5: {  	_ = 	snop  }
0x6: {  	_ = 	snop  }
0x7: {  	_ = 	snop  }
__scs_overlays_trampoline_lowered:
0x8: {  	[smem:$0x3FAE] =	sst s0  }
0x9: {  	[smem:$0x3FAF] =	sst s1  }
0xa: {  	[smem:$0x3FB0] =	sst s2  }
0xb: {  	[smem:$0x3FB1] =	sst s3  }
0xc: {  	[smem:$0x3FB2] =	sst s4  }
0xd: {  	[smem:$0x3FB3] =	sst s5  }
0xe: {  	[smem:$0x3FB4] =	sst s6  }
0xf: {  	[smem:$0x3FB5] =	sst s7  }
0x10: {  	[smem:$0x3FB6] =	sst s8  }
0x11: {  	[smem:$0x3FB7] =	sst s9;
	s0 =	simm.s32 @!p0 $0x0  }
0x12: {  	s1 =	sld [smem:$0x3F9D];
	s0 =	simm.s32 @p0 $0x1  }
0x13: {  	[smem:$0x3FB8] =	sst s0;
	s0 =	simm.s32 @!p1 $0x0  }
0x14: {  	s2 =	sld [smem:$0x3F9C];
	s0 =	simm.s32 @p1 $0x1  }
0x15: {  	[smem:$0x3FB9] =	sst s0;
	s0 =	simm.s32 @!p2 $0x0  }
0x16: {  	s3 =	sld [smem:$0x3FDB];
	s0 =	simm.s32 @p2 $0x1  }
0x17: {  	s4 =	simm.s32 $0x1BF5;
	[smem:$0x3FBB] =	sst s0  }
0x18: {  	s0 =	sld [smem:$0x3F9E];
	_ =	swait.ge [sflag:s4], $0x0  }
0x19: {  	s7 =	sld [smem:$0x3F9F]  }
0x1a: {  	s8 =	sadd.s32 $0xFFFFE003, lr  }
0x1b: {  	s9 =	sadd.s32 $0xFFFFFEF7, lr;
	s5 =	simm.s32 $0xFFFFFFFF;
	p2 =	slt.u32 s8, $0xFFFFF086  }
0x1c: {  	p1 =	slt.u32 s9, $0xF7A;
	s5 =	simm.s32 @!p2 $0x0  }
0x1d: {  	s5 =	simm.s32 @p1 $0x1;
	p0 =	seq.s32 s7, s2  }
0x1e: {  	s7 =	smul.u32 @!p0 $0xF7A, s2;
	p2 =	seq.s32 @!p0 s5, $0x0  }
0x1f: {  	s9 =	smul.u32 $0xF7A, s1;
	s8 =	simm.s32 @!p0 $0x1BF5;
	p2 =	por !p2, p0  }
0x20: {  	[sflag:s8] =	ssyncset.s32 @!p0 $0xFFFFF086;
	s6 =	sadd.s32 @!p0 s3, s7;
	s7 =	simm.s32 @!p0 $0x108  }
0x21: {  	s3 =	sadd.s32 s3, s9;
	s6 =	sadd.s32 @!p0 $0x88, s6;
	s7 =	simm.s32 @p2 $0x1082  }
0x22: {  	[simem:s7], [sflag:s8] =	dma.local @!p0 [hbm:s6], $0xF7A  }
0x23: {  	s9 =	sor.u32 $0xD0000000, s2;
	s6 =	simm.s32 $0x108;
	_ =	swait.ge @!p0 [sflag:s8], $0x0  }
0x24: {  	s3 =	sadd.s32 $0x88, s3;
	s6 =	simm.s32 @!p1 $0x1082;
	[sflag:s4] =	ssyncset.s32 $0xFFFFF086  }
0x25: {  	[simem:s6], [sflag:s4] =	dma.local [hbm:s3], $0xF7A  }
0x26: {  	[smem:$0x3F9F] =	sst s1;
	(tag) =	ssettag s2;
	_ =	strace s9  }
0x27: {  	s1 =	sld [smem:$0x3FAF]  }
0x28: {  	s2 =	sld [smem:$0x3FB0]  }
0x29: {  	s4 =	sld [smem:$0x3FB2]  }
0x2a: {  	p0 =	seq.s32 s5, $0x0;
	s5 =	sld [smem:$0x3FB3]  }
0x2b: {  	s6 =	sld [smem:$0x3FB4]  }
0x2c: {  	s7 =	sld [smem:$0x3FB5]  }
0x2d: {  	s3 =	simm.s32 $0x108;
	s8 =	sld [smem:$0x3FB6]  }
0x2e: {  	s3 =	simm.s32 @!p0 $0x1082;
	s9 =	sld [smem:$0x3FB7]  }
0x2f: {  	lr =	sadd.s32 s0, s3;
	s0 =	sld [smem:$0x3FAE]  }
0x30: {  	s3 =	sld [smem:$0x3FB1]  }
0x31: {  	[smem:$0x3FBA] =	sst s10  }
0x32: {  	s10 =	sld [smem:$0x3FB8];
	_ =	sdelay $0x3  }
0x33: {  	p0 =	seq.s32 s10, $0x1;
	s10 =	sld [smem:$0x3FBA];
	_ =	sdelay $0x3  }
0x34: {  	[smem:$0x3FBA] =	sst s10  }
0x35: {  	s10 =	sld [smem:$0x3FB9];
	_ =	sdelay $0x3  }
0x36: {  	p1 =	seq.s32 s10, $0x1;
	s10 =	sld [smem:$0x3FBA];
	_ =	sdelay $0x3  }
0x37: {  	[smem:$0x3FBA] =	sst s10  }
0x38: {  	s10 =	sld [smem:$0x3FBB]  }
0x39: {  	_ = 	snop;
	(pc) =	sbr.ind lr, $3  }
0x3a: {  	_ = 	snop  }
0x3b: {  	_ = 	snop  }
0x3c: {  	p2 =	seq.s32 s10, $0x1;
	s10 =	sld [smem:$0x3FBA]  }
0x3d: {  	_ =	shalt  }
0x3e: {  	_ =	shalt  }
0x3f: {  	_ =	shalt  }
0x40: {  	_ =	shalt  }
0x41: {  	_ =	shalt  }
0x42: {  	_ =	shalt  }
0x43: {  	_ =	shalt  }
0x44: {  	_ =	shalt  }
0x45: {  	_ =	shalt  }
0x46: {  	_ =	shalt  }
0x47: {  	_ =	shalt  }
0x48: {  	_ =	shalt  }
0x49: {  	_ =	shalt  }
0x4a: {  	_ =	shalt  }
0x4b: {  	_ =	shalt  }
0x4c: {  	_ =	shalt  }
0x4d: {  	_ =	shalt  }
0x4e: {  	_ =	shalt  }
0x4f: {  	_ =	shalt  }
0x50: {  	_ =	shalt  }
0x51: {  	_ =	shalt  }
0x52: {  	_ =	shalt  }
0x53: {  	_ =	shalt  }
0x54: {  	_ =	shalt  }
0x55: {  	_ =	shalt  }
0x56: {  	_ =	shalt  }
0x57: {  	_ =	shalt  }
0x58: {  	_ =	shalt  }
0x59: {  	_ =	shalt  }
0x5a: {  	_ =	shalt  }
0x5b: {  	_ =	shalt  }
0x5c: {  	_ =	shalt  }
0x5d: {  	_ =	shalt  }
0x5e: {  	_ =	shalt  }
0x5f: {  	_ =	shalt  }
0x60: {  	_ =	shalt  }
0x61: {  	_ =	shalt  }
0x62: {  	_ =	shalt  }
0x63: {  	_ =	shalt  }
0x64: {  	_ =	shalt  }
0x65: {  	_ =	shalt  }
0x66: {  	_ =	shalt  }
0x67: {  	_ =	shalt  }
0x68: {  	_ =	shalt  }
0x69: {  	_ =	shalt  }
0x6a: {  	_ =	shalt  }
0x6b: {  	_ =	shalt  }
0x6c: {  	_ =	shalt  }
0x6d: {  	_ =	shalt  }
0x6e: {  	_ =	shalt  }
0x6f: {  	_ =	shalt  }
0x70: {  	_ =	shalt  }
0x71: {  	_ =	shalt  }
0x72: {  	_ =	shalt  }
0x73: {  	_ =	shalt  }
0x74: {  	_ =	shalt  }
0x75: {  	_ =	shalt  }
0x76: {  	_ =	shalt  }
0x77: {  	_ =	shalt  }
0x78: {  	_ =	shalt  }
0x79: {  	_ =	shalt  }
0x7a: {  	_ =	shalt  }
0x7b: {  	_ =	shalt  }
0x7c: {  	_ =	shalt  }
0x7d: {  	_ =	shalt  }
0x7e: {  	_ =	shalt  }
0x7f: {  	_ =	shalt  }
0x80: {  	_ =	shalt  }
0x81: {  	_ =	shalt  }
0x82: {  	_ =	shalt  }
0x83: {  	_ =	shalt  }
0x84: {  	_ =	shalt  }
0x85: {  	_ =	shalt  }
0x86: {  	_ =	shalt  }
0x87: {  	_ =	shalt  }
.Lfunc_end0:
.L_simem_size_0:
called_computation.2_lowered:
.L_overlay_start_0:
0x88: {  	s2 =	sld [smem:$0x3FD9]  }
0x89: {  	s3 =	sld [smem:$0x3FFE];
	_ =	sdelay $0x1  }
0x8a: {  	s1 =	srdreg.scid  }
0x8b: {  	s0 =	sand.u32 $0x1, s1  }
0x8c: {  	s17 =	sshll.u32 s0, $0xA;
	s2 =	sadd.s32 s3, s2  }
0x8d: {  	s2 =	sadd.s32 s2, s17  }
0x8e: {  	[smem:$0x3FC6] =	sst s2  }
0x8f: {  	_ = 	snop  }
0x90: {  	s2 =	sld [smem:$0x3FD0];
	(tm) =	ssettm $0x1  }
0x91: {  	s18 =	sld [smem:$0x3FFB];
	_ =	sdelay $0x3  }
0x92: {  	_ =	strace s18  }
0x93: {  	s3 =	sld [smem:$0x3FFC];
	_ =	sdelay $0x3  }
0x94: {  	_ =	strace s3  }
0x95: {  	s3 =	sld [smem:$0x3FFD];
	_ =	sdelay $0x3  }
0x96: {  	_ =	strace s3  }
0x97: {  	_ =	strace $0x8FFFFFFF  }
0x98: {  	s19 =	sld [smem:$0x3FDB];
	_ =	sdelay $0x1  }
0x99: {  	s4 =	simm.s32 $_scs_section_size  }
0x9a: {  	s5 =	simm.s32 $_size__tile_overlayer_lowered;
	s6 =	simm.s32 $_tile_overlayer_lowered  }
0x9b: {  	s22 =	simm.s32 $0x1BFF;
	s21 =	sshll.u32 s6, $0x1;
	s3 =	sadd.s32 s4, s19  }
0x9c: {  	s7 =	simm.s32 $0x0;
	s20 =	sshll.u32 s5, $0x1;
	s5 =	sadd.s32 s21, s3  }
0x9d: {  	[timem:s7], [sflag:s22] =	dma.local [hbm:s5], s20  }
0x9e: {  	_ =	swait.ge [sflag:s22], s20  }
0x9f: {  	s4 =	ssub.s32 $0x0, s20;
	[sflag:s22] =	ssyncset.done $0x0  }
0xa0: {  	[sflag:s22] =	ssyncadd.s32 s4;
	_ =	sdelay $0x1  }
0xa1: {  	s23 =	simm.s32 $0x1B8B  }
0xa2: {  	_ =	swait.ge [sflag:s23], $0x1  }
0xa3: {  	[sflag:s23] =	ssyncset.done $0x0  }
0xa4: {  	s25 =	simm.s32 $0x1B8E;
	s24 =	sld [smem:$0x3FFE];
	[sflag:s23] =	ssyncadd.s32 $0xFFFFFFFF  }
0xa5: {  	s26 =	simm.s32 $execute0_lowered;
	[smem:$0x3FD2] =	sst s25  }
0xa6: {  	s5 =	sshll.u32 s26, $0x1;
	_ =	strace $0x80000049;
	[dreg:$0x1] =	wrdreg $0xFFFFFFFF  }
0xa7: {  	s28 =	simm.s32 $_size_execute0_lowered;
	s3 =	sadd.s32 s3, s5;
	[dreg:$0x0] =	wrdreg $0x0  }
0xa8: {  	s5 =	sshll.u32 s28, $0x1;
	[dreg:$0x2] =	wrdreg s3  }
0xa9: {  	[dreg:$0x3] =	wrdreg s5  }
0xaa: {  	[dreg:$0x4] =	wrdreg $0xC0  }
0xab: {  	_ =	task [dreg:s7], $0x5FFFF  }
0xac: {  	[dreg:$0x1] =	wrdreg $0xFFFFFFFF  }
0xad: {  	[dreg:$0x0] =	wrdreg $0x60  }
0xae: {  	[dreg:$0x2] =	wrdreg s24  }
0xaf: {  	[dreg:$0x3] =	wrdreg s2  }
0xb0: {  	[dreg:$0x4] =	wrdreg $0x9  }
0xb1: {  	_ =	task.clear_ibuf [dreg:s7], $0x5FFFF;
	_ =	strace $0x90000049  }
0xb2: {  	s29 =	simm.s32 $0x9;
	_ =	strace $0x8000004B  }
0xb3: {  	_ =	swait.ge [sflag:s29], $0x1  }
0xb4: {  	[sflag:s29] =	ssyncadd.s32 $0xFFFFFFFF  }
0xb5: {  	_ =	strace $0x9000004B  }
0xb6: {  	_ =	sfence  }
0xb7: {  	s30 =	sld [smem:$0x0];
	_ =	sdelay $0x2  }
0xb8: {  	s31 =	sshll.u32 s1, $0xD;
	s1 =	sshrl.u32 s1, $0x2  }
0xb9: {  	s3 =	sand.u32 $0x4000, s31;
	s1 =	sadd.s32 s1, s30  }
0xba: {  	s0 =	sor.u32 s3, s0;
	s1 =	sshll.u32 s1, $0x11  }
0xbb: {  	s0 =	sor.u32 s1, s0  }
0xbc: {  	s0 =	sadd.s32 $0x8F2B, s0  }
0xbd: {  	[sflag:s0] =	ssyncadd.remote.s32 $0x1  }
0xbe: {  	_ =	sfence.sel $0xFFFF  }
0xbf: {  	[dreg:$0x0] =	wrdreg $0xFFFFFFFF;
	(pc) =	sbr.abs _section_cstart, $3  }
0xc0: {  	[dreg:$0x1] =	wrdreg $0xFFFFFFFF  }
0xc1: {  	_ =	task.clear_ibuf [dreg:s7], $0x2FFFF;
	_ =	strace $0x9FFFFFFF  }
0xc2: {  	(tm) =	ssettm $0x7FFFFFFF  }
0xc3: {  	_ =	shalt  }
tec
execute0_lowered:
.L_overlay_start_1:
0x0: {  	(tag) =	ssettag $0x1  }
0x1: {  	s0 =	rddreg [dreg:$0x0];
	s1 =	srdreg.scid  }
0x2: {  	s7 =	stileid.u32;
	s10 =	rddreg [dreg:$0x1]  }
0x3: {  	s2 =	simm.s32 $0x0;
	s14 =	simm.s32 $0x9;
	s15 =	simm.s32 $0x100  }
0x4: {  	s16 =	simm.s32 $0x6400;
	s17 =	simm.s32 $0xA400;
	s19 =	simm.s32 $0xE400  }
0x5: {  	s21 =	simm.s32 $0x12400;
	s22 =	simm.s32 $0x1;
	s23 =	simm.s32 $0x5  }
0x6: {  	s28 =	simm.s32 $0x7;
	s29 =	simm.s32 $0x4;
	s9 =	smul.u32 $0x320000, s7  }
0x7: {  	s30 =	simm.s32 $0x8;
	s1 =	sand.u32 $0x1, s1;
	s8 =	smul.u32 $0xC800, s7  }
0x8: {  	s31 =	simm.s32 $0x0;
	s3 =	sshll.u32 s7, $0x1;
	s13 =	smul.u32 $0x6400, s1  }
0x9: {  	[smem:$0x7FF] =	sst s2;
	s4 =	sor.u32 s1, s3;
	s25 =	smul.u32 $0x190000, s1  }
0xa: {  	_ =	strace $0x8000004A;
	s24 =	ssub.s32 $0x2, s1;
	s5 =	smul.u32 $0x6400, s4  }
0xb: {  	s3 =	sadd.s32 $0xE00, s0;
	s4 =	smul.u32 $0x190000, s4;
	s6 =	sshrl.u32 s24, $0x1  }
0xc: {  	s11 =	ssub.s32 s24, s6;
	s26 =	sadd.s32 s13, s8;
	s24 =	simm.s32 $0x2  }
0xd: {  	s5 =	sshrl.u32 s5, $0x3;
	s4 =	sshrl.u32 s4, $0x3;
	s1 =	sshll.u32 s26, $0x3  }
0xe: {  	s26 =	simm.s32 $0x3;
	s0 =	sadd.s32 s5, s0;
	s12 =	sadd.s32 s10, s4  }
0xf: {  	s1 =	sadd.s32 s1, s10;
	s0 =	sadd.s32 $0x7A2000, s0;
	s5 =	sadd.s32 $0x30000, s12  }
0x10: {  	s6 =	sadd.s32 $0x30800, s12;
	s7 =	sadd.s32 $0x31000, s12;
	s8 =	sadd.s32 $0x31800, s12  }
0x11: {  	s12 =	sadd.s32 $0x1000, s1;
	[dreg:$0x3] =	wrdreg s0;
	s0 =	sadd.s32 s25, s9  }
0x12: {  	s13 =	sadd.s32 $0x800, s1;
	s9 =	smax.u32 s11, $0x1;
	s0 =	sshrl.u32 s0, $0x3  }
0x13: {  	s11 =	sadd.s32 $0x1800, s1;
	s25 =	simm.s32 $0x6;
	s10 =	sadd.s32 s0, s10  }
.LBB2_1:
0x14: {  	s0 =	rddreg [dreg:$0x3]  }
0x15: {  	[tilespmem:s2], [sflag:$0x9] =	stream.linear.gather [hbm4b:s0+s2], $0x6400, $0x38;
	[tilespmem:$0x16400] =	vst v63  }
0x16: {  	_ =	swait.ge [sflag:s14], $0x6400  }
0x17: {  	[sflag:s14] =	ssyncset.done $0x0  }
0x18: {  	[sflag:s14] =	ssyncadd.s32 $0xFFFF9C00  }
0x19: {  	[tilespmem:s16], [sflag:$0x1] =	stream.indirect.gather [hbm4b:s3+s15], $0x40, s2, s15, $0xb8;
	[tilespmem:$0x16400] =	vst v63  }
0x1a: {  	_ = 	snop  }
0x1b: {  	[tilespmem:s17], [sflag:$0x2] =	stream.indirect.gather [hbm4b:s3+s15], $0x40, s15, s15, $0xb8;
	[tilespmem:$0x16400] =	vst v63  }
0x1c: {  	s20 =	simm.s32 $0x200  }
0x1d: {  	[tilespmem:s19], [sflag:$0x3] =	stream.indirect.gather [hbm4b:s3+s15], $0x40, s20, s15, $0xb8;
	[tilespmem:$0x16400] =	vst v63  }
0x1e: {  	s1 =	simm.s32 $0x300  }
0x1f: {  	[tilespmem:s21], [sflag:$0x4] =	stream.indirect.gather [hbm4b:s3+s15], $0x40, s1, s15, $0xb8;
	[tilespmem:$0x16400] =	vst v63  }
0x20: {  	_ =	swait.ge [sflag:s22], $0x4000  }
0x21: {  	[sflag:s22] =	ssyncset.done $0x0  }
0x22: {  	s4 =	sadd.s32 $0x0, s10;
	[sflag:s22] =	ssyncadd.s32 $0xFFFFC000  }
0x23: {  	[hbm4b:s4+s2] =	stream.linear.scatter [tilespmem:s16], [sflag:$0x5], $0x4000, $0x38;
	[tilespmem:$0x16400] =	vst v63  }
0x24: {  	_ =	swait.ge [sflag:s23], $0x4000  }
0x25: {  	[sflag:s23] =	ssyncset.done $0x0  }
0x26: {  	s18 =	simm.s32 $0x400;
	[sflag:s23] =	ssyncadd.s32 $0xFFFFC000  }
0x27: {  	[tilespmem:s16], [sflag:$0x1] =	stream.indirect.gather [hbm4b:s3+s15], $0x40, s18, s15, $0xb8;
	[tilespmem:$0x16400] =	vst v63  }
0x28: {  	_ =	swait.ge [sflag:s24], $0x4000  }
0x29: {  	[sflag:s24] =	ssyncset.done $0x0  }
0x2a: {  	s20 =	sadd.s32 $0x0, s13;
	[sflag:s24] =	ssyncadd.s32 $0xFFFFC000  }
0x2b: {  	[hbm4b:s20+s2] =	stream.linear.scatter [tilespmem:s17], [sflag:$0x6], $0x4000, $0x38;
	[tilespmem:$0x16400] =	vst v63  }
0x2c: {  	_ =	swait.ge [sflag:s25], $0x4000  }
0x2d: {  	[sflag:s25] =	ssyncset.done $0x0  }
0x2e: {  	s1 =	simm.s32 $0x500;
	[sflag:s25] =	ssyncadd.s32 $0xFFFFC000  }
0x2f: {  	[tilespmem:s17], [sflag:$0x2] =	stream.indirect.gather [hbm4b:s3+s15], $0x40, s1, s15, $0xb8;
	[tilespmem:$0x16400] =	vst v63  }
0x30: {  	_ =	swait.ge [sflag:s26], $0x4000  }
0x31: {  	[sflag:s26] =	ssyncset.done $0x0  }
0x32: {  	s4 =	sadd.s32 $0x0, s12;
	[sflag:s26] =	ssyncadd.s32 $0xFFFFC000  }
0x33: {  	[hbm4b:s4+s2] =	stream.linear.scatter [tilespmem:s19], [sflag:$0x7], $0x4000, $0x38;
	[tilespmem:$0x16400] =	vst v63  }
0x34: {  	_ =	swait.ge [sflag:s28], $0x4000  }
0x35: {  	[sflag:s28] =	ssyncset.done $0x0  }
0x36: {  	s18 =	simm.s32 $0x600;
	[sflag:s28] =	ssyncadd.s32 $0xFFFFC000  }
0x37: {  	[tilespmem:s19], [sflag:$0x3] =	stream.indirect.gather [hbm4b:s3+s15], $0x40, s18, s15, $0xb8;
	[tilespmem:$0x16400] =	vst v63  }
0x38: {  	_ =	swait.ge [sflag:s29], $0x4000  }
0x39: {  	[sflag:s29] =	ssyncset.done $0x0  }
0x3a: {  	s20 =	sadd.s32 $0x0, s11;
	[sflag:s29] =	ssyncadd.s32 $0xFFFFC000  }
0x3b: {  	[hbm4b:s20+s2] =	stream.linear.scatter [tilespmem:s21], [sflag:$0x8], $0x4000, $0x38;
	[tilespmem:$0x16400] =	vst v63  }
0x3c: {  	_ =	swait.ge [sflag:s30], $0x4000  }
0x3d: {  	s0 =	simm.s32 $0x2000;
	[sflag:s30] =	ssyncset.done $0x0  }
0x3e: {  	s1 =	simm.s32 $0x700;
	s18 =	simm.s32 $0xB00;
	[sflag:s30] =	ssyncadd.s32 $0xFFFFC000  }
.LBB2_2:
0x3f: {  	[tilespmem:s21], [sflag:$0x4] =	stream.indirect.gather [hbm4b:s3+s15], $0x40, s1, s15, $0xb8;
	[tilespmem:$0x16400] =	vst v63  }
0x40: {  	s20 =	smov.u32 s0;
	s1 =	smov.u32 s18  }
0x41: {  	p0 =	sne.s32 s0, $0x2E000;
	s0 =	sadd.s32 $0x2000, s0;
	_ =	swait.ge [sflag:s22], $0x4000  }
0x42: {  	[sflag:s22] =	ssyncset.done $0x0  }
0x43: {  	s4 =	sadd.s32 s20, s10;
	[sflag:s22] =	ssyncadd.s32 $0xFFFFC000  }
0x44: {  	[hbm4b:s4+s2] =	stream.linear.scatter [tilespmem:s16], [sflag:$0x5], $0x4000, $0x38;
	[tilespmem:$0x16400] =	vst v63  }
0x45: {  	_ =	swait.ge [sflag:s23], $0x4000  }
0x46: {  	[sflag:s23] =	ssyncset.done $0x0  }
0x47: {  	s4 =	sadd.s32 $0xFFFFFD00, s18;
	[sflag:s23] =	ssyncadd.s32 $0xFFFFC000  }
0x48: {  	[tilespmem:s16], [sflag:$0x1] =	stream.indirect.gather [hbm4b:s3+s15], $0x40, s4, s15, $0xb8;
	[tilespmem:$0x16400] =	vst v63  }
0x49: {  	_ =	swait.ge [sflag:s24], $0x4000  }
0x4a: {  	[sflag:s24] =	ssyncset.done $0x0  }
0x4b: {  	s4 =	sadd.s32 s20, s13;
	[sflag:s24] =	ssyncadd.s32 $0xFFFFC000  }
0x4c: {  	[hbm4b:s4+s2] =	stream.linear.scatter [tilespmem:s17], [sflag:$0x6], $0x4000, $0x38;
	[tilespmem:$0x16400] =	vst v63  }
0x4d: {  	_ =	swait.ge [sflag:s25], $0x4000  }
0x4e: {  	[sflag:s25] =	ssyncset.done $0x0  }
0x4f: {  	s4 =	sadd.s32 $0xFFFFFE00, s18;
	[sflag:s25] =	ssyncadd.s32 $0xFFFFC000  }
0x50: {  	[tilespmem:s17], [sflag:$0x2] =	stream.indirect.gather [hbm4b:s3+s15], $0x40, s4, s15, $0xb8;
	[tilespmem:$0x16400] =	vst v63  }
0x51: {  	_ =	swait.ge [sflag:s26], $0x4000  }
0x52: {  	[sflag:s26] =	ssyncset.done $0x0  }
0x53: {  	s4 =	sadd.s32 s20, s12;
	[sflag:s26] =	ssyncadd.s32 $0xFFFFC000  }
0x54: {  	[hbm4b:s4+s2] =	stream.linear.scatter [tilespmem:s19], [sflag:$0x7], $0x4000, $0x38;
	[tilespmem:$0x16400] =	vst v63  }
0x55: {  	_ =	swait.ge [sflag:s28], $0x4000  }
0x56: {  	[sflag:s28] =	ssyncset.done $0x0  }
0x57: {  	s4 =	sadd.s32 $0xFFFFFF00, s18;
	[sflag:s28] =	ssyncadd.s32 $0xFFFFC000  }
0x58: {  	[tilespmem:s19], [sflag:$0x3] =	stream.indirect.gather [hbm4b:s3+s15], $0x40, s4, s15, $0xb8;
	[tilespmem:$0x16400] =	vst v63  }
0x59: {  	_ =	swait.ge [sflag:s29], $0x4000  }
0x5a: {  	[sflag:s29] =	ssyncset.done $0x0  }
.Ltmp0:
0x5b: {  	s4 =	sadd.s32 s20, s11;
	[sflag:s29] =	ssyncadd.s32 $0xFFFFC000;
	(pc) =	sbr.rel @p0 .LBB2_2-.Ltmp0, $4  }
0x5c: {  	[hbm4b:s4+s2] =	stream.linear.scatter [tilespmem:s21], [sflag:$0x8], $0x4000, $0x38;
	[tilespmem:$0x16400] =	vst v63  }
0x5d: {  	_ =	swait.ge [sflag:s30], $0x4000  }
0x5e: {  	[sflag:s30] =	ssyncset.done $0x0  }
0x5f: {  	s18 =	sadd.s32 $0x400, s18;
	[sflag:s30] =	ssyncadd.s32 $0xFFFFC000  }
0x60: {  	[tilespmem:s21], [sflag:$0x4] =	stream.indirect.gather [hbm4b:s3+s15], $0x40, s1, s15, $0xb8;
	[tilespmem:$0x16400] =	vst v63  }
0x61: {  	_ =	swait.ge [sflag:s22], $0x4000  }
0x62: {  	[sflag:s22] =	ssyncset.done $0x0  }
0x63: {  	[sflag:s22] =	ssyncadd.s32 $0xFFFFC000  }
0x64: {  	[hbm4b:s5+s2] =	stream.linear.scatter [tilespmem:s16], [sflag:$0x5], $0x4000, $0x38;
	[tilespmem:$0x16400] =	vst v63  }
0x65: {  	_ =	swait.ge [sflag:s23], $0x4000  }
0x66: {  	[sflag:s23] =	ssyncset.done $0x0  }
0x67: {  	[sflag:s23] =	ssyncadd.s32 $0xFFFFC000  }
0x68: {  	_ =	swait.ge [sflag:s24], $0x4000  }
0x69: {  	[sflag:s24] =	ssyncset.done $0x0  }
0x6a: {  	[sflag:s24] =	ssyncadd.s32 $0xFFFFC000  }
0x6b: {  	[hbm4b:s6+s2] =	stream.linear.scatter [tilespmem:s17], [sflag:$0x6], $0x4000, $0x38;
	[tilespmem:$0x16400] =	vst v63  }
0x6c: {  	_ =	swait.ge [sflag:s25], $0x4000  }
0x6d: {  	[sflag:s25] =	ssyncset.done $0x0  }
0x6e: {  	[sflag:s25] =	ssyncadd.s32 $0xFFFFC000  }
0x6f: {  	_ =	swait.ge [sflag:s26], $0x4000  }
0x70: {  	[sflag:s26] =	ssyncset.done $0x0  }
0x71: {  	[sflag:s26] =	ssyncadd.s32 $0xFFFFC000  }
0x72: {  	[hbm4b:s7+s2] =	stream.linear.scatter [tilespmem:s19], [sflag:$0x7], $0x4000, $0x38;
	[tilespmem:$0x16400] =	vst v63  }
0x73: {  	_ =	swait.ge [sflag:s28], $0x4000  }
0x74: {  	[sflag:s28] =	ssyncset.done $0x0  }
0x75: {  	[sflag:s28] =	ssyncadd.s32 $0xFFFFC000  }
0x76: {  	s31 =	sadd.s32 $0x1, s31;
	_ =	swait.ge [sflag:s29], $0x4000  }
0x77: {  	p0 =	sne.s32 s31, s9;
	[sflag:s29] =	ssyncset.done $0x0  }
.Ltmp1:
0x78: {  	[sflag:s29] =	ssyncadd.s32 $0xFFFFC000;
	(pc) =	sbr.rel @p0 .LBB2_1-.Ltmp1, $4  }
0x79: {  	[hbm4b:s8+s2] =	stream.linear.scatter [tilespmem:s21], [sflag:$0x8], $0x4000, $0x38;
	[tilespmem:$0x16400] =	vst v63  }
0x7a: {  	_ =	swait.ge [sflag:s30], $0x4000  }
0x7b: {  	[sflag:s30] =	ssyncset.done $0x0  }
0x7c: {  	[sflag:s30] =	ssyncadd.s32 $0xFFFFC000  }
0x7d: {  	_ =	sfence.sel $0x180000  }
0x7e: {  	[bflag:$0x0] =	sbarrier.arrive $0xFFFF  }
0x7f: {  	_ =	strace $0x9000004A  }
0x80: {  	s0 =	stileid.u32;
	[bflag:$0x2] =	sbarrier.arrive $0xFFFF  }
0x81: {  	p0 =	sne.s32 s0, $0x0;
	s0 =	rddreg [dreg:$0x2]  }
0x82: {  	s0 =	sadd.s32 @!p0 $0x100000, s0  }
0x83: {  	[sflag:s0] =	ssyncadd.tile.s32 @!p0 $0x1;
	_ =	shalt  }
.Lfunc_end2:
_tile_overlayer_lowered:
.L_overlay_start_2:
0x84: {  	(tag) =	ssettag $0x2  }
0x85: {  	s0 =	rddreg [dreg:$0x0];
	s2 =	stileid.u32  }
0x86: {  	s1 =	rddreg [dreg:$0x1];
	p0 =	sne.s32 s2, $0x0  }
0x87: {  	s3 =	rddreg [dreg:$0x2];
	[bflag:$0x3] =	sbarrier.arrive $0xFFFF;
	s2 =	simm.s32 @!p0 $0x1C09  }
0x88: {  	[timem:s3], [sflag:s2] =	dma.local @!p0 [hbm:s0], s1  }
0x89: {  	s0 =	simm.s32 @!p0 $0x9  }
0x8a: {  	_ =	swait.ge @!p0 [sflag:s0], s1  }
0x8b: {  	s1 =	ssub.s32 @!p0 $0x0, s1;
	[sflag:s0] =	ssyncset.done @!p0 $0x0  }
0x8c: {  	[sflag:s0] =	ssyncadd.s32 @!p0 s1  }
0x8d: {  	[bflag:$0x3] =	sbarrier.arrive $0xFFFF  }
0x8e: {  	_ =	shalt  }

// kernel: sparse-core-data-format-call.cloned.1.call-start
scs
called_computation_lowered:
.L_overlay_start_0:
0x0: {  	s2 =	sld [smem:$0x3FD9]  }
0x1: {  	s3 =	sld [smem:$0x3FFE];
	_ =	sdelay $0x1  }
0x2: {  	s1 =	srdreg.scid  }
0x3: {  	s0 =	sand.u32 $0x1, s1  }
0x4: {  	s18 =	sshll.u32 s0, $0xA;
	s2 =	sadd.s32 s3, s2  }
0x5: {  	s2 =	sadd.s32 s2, s18  }
0x6: {  	[smem:$0x3FC6] =	sst s2  }
0x7: {  	_ = 	snop  }
0x8: {  	s2 =	sld [smem:$0x3FD0];
	(tm) =	ssettm $0x1  }
0x9: {  	s19 =	sld [smem:$0x3FFB];
	_ =	sdelay $0x3  }
0xa: {  	_ =	strace s19  }
0xb: {  	s3 =	sld [smem:$0x3FFC];
	_ =	sdelay $0x3  }
0xc: {  	_ =	strace s3  }
0xd: {  	s3 =	sld [smem:$0x3FFD];
	_ =	sdelay $0x3  }
0xe: {  	_ =	strace s3  }
0xf: {  	_ =	strace $0x8FFFFFFF  }
0x10: {  	s20 =	sld [smem:$0x3FDB];
	_ =	sdelay $0x1  }
0x11: {  	s4 =	simm.s32 $_scs_section_size  }
0x12: {  	s5 =	simm.s32 $_size__tile_overlayer_lowered;
	s6 =	simm.s32 $_tile_overlayer_lowered  }
0x13: {  	s23 =	simm.s32 $0x1BFF;
	s22 =	sshll.u32 s6, $0x1;
	s3 =	sadd.s32 s4, s20  }
0x14: {  	s7 =	simm.s32 $0x0;
	s21 =	sshll.u32 s5, $0x1;
	s5 =	sadd.s32 s22, s3  }
0x15: {  	[timem:s7], [sflag:s23] =	dma.local [hbm:s5], s21  }
0x16: {  	_ =	swait.ge [sflag:s23], s21  }
0x17: {  	s4 =	ssub.s32 $0x0, s21;
	[sflag:s23] =	ssyncset.done $0x0  }
0x18: {  	[sflag:s23] =	ssyncadd.s32 s4;
	_ =	sdelay $0x1  }
0x19: {  	s24 =	simm.s32 $0x1B8B  }
0x1a: {  	_ =	swait.ge [sflag:s24], $0x1  }
0x1b: {  	[sflag:s24] =	ssyncset.done $0x0  }
0x1c: {  	s26 =	simm.s32 $0x1B8E;
	s25 =	sld [smem:$0x3FFE];
	[sflag:s24] =	ssyncadd.s32 $0xFFFFFFFF  }
0x1d: {  	s27 =	simm.s32 $execute0_lowered;
	[smem:$0x3FD2] =	sst s26  }
0x1e: {  	s5 =	sshll.u32 s27, $0x1;
	_ =	strace $0x8000004C;
	[dreg:$0x1] =	wrdreg $0xFFFFFFFF  }
0x1f: {  	s28 =	simm.s32 $_size_execute0_lowered;
	s3 =	sadd.s32 s3, s5;
	[dreg:$0x0] =	wrdreg $0x0  }
0x20: {  	s5 =	sshll.u32 s28, $0x1;
	[dreg:$0x2] =	wrdreg s3  }
0x21: {  	[dreg:$0x3] =	wrdreg s5  }
0x22: {  	[dreg:$0x4] =	wrdreg $0xC0  }
0x23: {  	_ =	task [dreg:s7], $0x5FFFF  }
0x24: {  	[dreg:$0x1] =	wrdreg $0xFFFFFFFF  }
0x25: {  	[dreg:$0x0] =	wrdreg $0x60  }
0x26: {  	[dreg:$0x2] =	wrdreg s25  }
0x27: {  	[dreg:$0x3] =	wrdreg s2  }
0x28: {  	[dreg:$0x4] =	wrdreg $0x9  }
0x29: {  	_ =	task.clear_ibuf [dreg:s7], $0x5FFFF;
	_ =	strace $0x9000004C  }
0x2a: {  	s29 =	simm.s32 $0x9;
	_ =	strace $0x8000004E  }
0x2b: {  	_ =	swait.ge [sflag:s29], $0x1  }
0x2c: {  	[sflag:s29] =	ssyncadd.s32 $0xFFFFFFFF  }
0x2d: {  	_ =	strace $0x9000004E  }
0x2e: {  	_ =	sfence  }
0x2f: {  	s30 =	sld [smem:$0x0];
	_ =	sdelay $0x2  }
0x30: {  	s31 =	sshll.u32 s1, $0xD;
	s1 =	sshrl.u32 s1, $0x2  }
0x31: {  	s3 =	sand.u32 $0x4000, s31;
	s1 =	sadd.s32 s1, s30  }
0x32: {  	s0 =	sor.u32 s3, s0;
	s1 =	sshll.u32 s1, $0x11  }
0x33: {  	s0 =	sor.u32 s1, s0  }
0x34: {  	s0 =	sadd.s32 $0x8F2B, s0  }
0x35: {  	[sflag:s0] =	ssyncadd.remote.s32 $0x1  }
0x36: {  	_ =	sfence.sel $0xFFFF  }
0x37: {  	[dreg:$0x0] =	wrdreg $0xFFFFFFFF;
	(pc) =	sbr.abs _section_cstart, $3  }
0x38: {  	[dreg:$0x1] =	wrdreg $0xFFFFFFFF  }
0x39: {  	_ =	task.clear_ibuf [dreg:s7], $0x2FFFF;
	_ =	strace $0x9FFFFFFF  }
0x3a: {  	(tm) =	ssettm $0x7FFFFFFF  }
0x3b: {  	_ =	shalt  }
tec
execute0_lowered:
.L_overlay_start_1:
0x0: {  	(tag) =	ssettag $0x1  }
0x1: {  	s0 =	srdreg.scid  }
0x2: {  	s1 =	sshll.u32 s0, $0x4  }
0x3: {  	s5 =	rddreg [dreg:$0x0];
	s0 =	stileid.u32;
	s1 =	sand.u32 $0x10, s1  }
0x4: {  	s3 =	rddreg [dreg:$0x1];
	s31 =	simm.s32 $0x2;
	s4 =	sor.u32 s0, s1  }
0x5: {  	s13 =	simm.s32 $0x0;
	s9 =	simm.s32 $0x400;
	s2 =	sshll.u32 s4, $0x7  }
0x6: {  	s10 =	simm.s32 $0x8000;
	s14 =	simm.s32 $0x0;
	s6 =	ssub.s32 $0x1000, s2  }
0x7: {  	s1 =	rddreg [dreg:$0x2];
	_ =	strace $0x8000004D;
	s7 =	sand.u32 $0xF80, s6  }
0x8: {  	s4 =	sshll.u32 s4, $0xB;
	p0 =	sne.s32 s7, $0x0;
	s7 =	simm.s32 $0x1  }
.Ltmp0:
0x9: {  	s6 =	sshrl.u32 s6, $0xC;
	s7 =	simm.s32 @!p0 $0x0;
	(pc) =	sbr.rel .LBB1_1-.Ltmp0, $4  }
0xa: {  	s8 =	sadd.s32 s4, s5;
	s4 =	simm.s32 $0x1;
	s30 =	sadd.s32 s7, s6  }
0xb: {  	s11 =	simm.s32 $0x0;
	[sflag:s4] =	ssyncpa.u1 $0x0;
	s5 =	smul.u32 $0x64, s30  }
0xc: {  	s12 =	simm.s32 $0x0;
	[sflag:s31] =	ssyncpa.u1 $0x0;
	p0 =	por $0x0, $0x0  }
0xd: {  	s6 =	sadd.s32 $0xE00, s8;
	s7 =	sadd.s32 $0x10E00, s8;
	s8 =	sor.u32 $0x1, s5  }
.LBB1_7:
0xe: {  	s15 =	sadd.s32 $0x2, s11  }
0xf: {  	p2 =	sgt.s32 s15, $0xC7  }
0x10: {  	s15 =	simm.s32 @p2 $0x0;
	p2 =	sne.s32 s12, s8  }
.Ltmp1:
0x11: {  	p1 =	slt.u32 s12, $0x2;
	(pc) =	sbr.rel @!p2 .LBB1_8-.Ltmp1, $4  }
0x12: {  	s13 =	simm.s32 @!p1 $0x2  }
0x13: {  	s16 =	sadd.s32 $0x1, s12;
	s14 =	smov.u32 s11;
	_ =	swait.ge @!p1 [sflag:s13], $0x4000  }
0x14: {  	p0 =	por !p0, !p0;
	s12 =	smov.u32 s16;
	[sflag:s13] =	ssyncset.done @!p1 $0x0  }
0x15: {  	s11 =	smov.u32 s15;
	[sflag:s13] =	ssyncadd.s32 @!p1 $0xFFFFC000;
	s13 =	smov.u32 s2  }
.LBB1_1:
0x16: {  	p1 =	sge.u32 s12, s5  }
0x17: {  	s15 =	sxor.u32 @!p1 $0xFFFFFFFF, s12  }
0x18: {  	s16 =	sshll.u32 @!p1 s11, $0x10;
	s18 =	simm.s32 @!p1 $0x40;
	s15 =	sshll.u32 @!p1 s15, $0xE  }
0x19: {  	s19 =	simm.s32 @!p1 $0x80;
	s17 =	sadd.s32 @!p1 s16, s6;
	s15 =	sand.u32 @!p1 $0x4000, s15  }
0x1a: {  	[tilespmem:s15], [sflag:$0x1] =	stream.strided.gather @!p1 [hbm4b:s17+s18], $0x2000, s19, s18, $0x38;
	[tilespmem:$0x10100] =	vst v63  }
0x1b: {  	s31 =	sadd.s32 $0xFFFFFFFF, s12;
	s16 =	sadd.s32 @!p1 s16, s7;
	s15 =	sor.u32 @!p1 $0x2000, s15  }
0x1c: {  	[tilespmem:s15], [sflag:$0x1] =	stream.strided.gather @!p1 [hbm4b:s16+s18], $0x2000, s19, s18, $0x38;
	[tilespmem:$0x10100] =	vst v63  }
0x1d: {  	p1 =	sge.u32 s31, s5  }
.Ltmp2:
0x1e: {  	_ = 	snop;
	(pc) =	sbr.rel @p1 .LBB1_7-.Ltmp2, $1  }
0x1f: {  	_ =	sdelay $0x3  }
0x20: {  	s15 =	simm.s32 $0x1;
	s17 =	sand.u32 $0x1, s12  }
0x21: {  	_ =	swait.ge [sflag:s4], $0x4000;
	s15 =	simm.s32 @!p0 $0x0;
	s17 =	smul.u32 $0x10200, s17  }
0x22: {  	p2 =	por $0x1, $0x1;
	[sflag:s4] =	ssyncset.done $0x0;
	s16 =	smul.u32 $0x10200, s15  }
0x23: {  	s18 =	sshll.u32 s15, $0x10;
	[sflag:s4] =	ssyncadd.s32 $0xFFFFC000;
	s30 =	sshrl.u32 s17, $0x2  }
0x24: {  	s31 =	sshrl.u32 s18, $0x2;
	s18 =	simm.s32 $0x0;
	s16 =	sshrl.u32 s16, $0x2  }
0x25: {  	s15 =	sor.u32 $0x8000, s30;
	s17 =	sadd.s32 $0x20, s31;
	s16 =	sor.u32 $0x8000, s16  }
.LBB1_3:
0x26: {  	s19 =	sshll.u32 s18, $0xD  }
0x27: {  	s19 =	sand.u32 $0x3FFFE000, s19  }
0x28: {  	s21 =	sadd.s32 s19, s17  }
0x29: {  	s31 =	smul.u32 $0x8100, s18;
	v3 =	vld [tilespmem:s21+$0x10]  }
0x2a: {  	v1 =	vld [tilespmem:s21+$0xFFFFFFF0]  }
0x2b: {  	s18 =	sshra.s32 s31, $0x2;
	v0 =	vld [tilespmem:s21+$0x0]  }
0x2c: {  	s18 =	sadd.s32 s18, s16;
	v2 =	vld [tilespmem:s21+$0xFFFFFFE0]  }
0x2d: {  	s19 =	sadd.s32 $0x0, s18  }
0x2e: {  	p1 =	por p2, p2;
	s20 =	simm.s32 $0x4;
	s21 =	sadd.s32 $0x40, s21;
	[tilespmem:s19+$0x1830 ss:$0x81] =	vst.msk $0xffff, v3  }
.LBB1_4:
0x2f: {  	v3 =	vld [tilespmem:s21+$0x10];
	p2 =	sne.s32 s20, $0x1FC;
	[tilespmem:s19+$0x810 ss:$0x81] =	vst.msk $0xffff, v1;
	s22 =	smov.u32 s20;
	s20 =	sadd.s32 $0x4, s20  }
.Ltmp3:
0x30: {  	v1 =	vld [tilespmem:s21+$0xFFFFFFF0];
	[tilespmem:s19+$0x1020 ss:$0x81] =	vst.msk $0xffff, v0;
	(pc) =	sbr.rel @p2 .LBB1_4-.Ltmp3, $4  }
0x31: {  	v0 =	vld [tilespmem:s21+$0x0];
	[tilespmem:s19+$0x0 ss:$0x81] =	vst.msk $0xffff, v2  }
0x32: {  	s19 =	sshra.s32 s22, $0x2;
	v2 =	vld [tilespmem:s21+$0xFFFFFFE0]  }
0x33: {  	s19 =	sadd.s32 s19, s18  }
0x34: {  	s21 =	sadd.s32 $0x40, s21;
	[tilespmem:s19+$0x1830 ss:$0x81] =	vst.msk $0xffff, v3  }
.Ltmp4:
0x35: {  	(pc) =	sbr.rel @p1 .LBB1_3-.Ltmp4, $4  }
0x36: {  	_ = 	snop  }
0x37: {  	[tilespmem:s19+$0x810 ss:$0x81] =	vst.msk $0xffff, v1  }
0x38: {  	[tilespmem:s19+$0x1020 ss:$0x81] =	vst.msk $0xffff, v0  }
0x39: {  	s18 =	simm.s32 $0x1;
	p2 =	por $0x0, $0x0;
	[tilespmem:s19+$0x0 ss:$0x81] =	vst.msk $0xffff, v2  }
.Ltmp5:
0x3a: {  	(pc) =	sbr.rel .LBB1_7-.Ltmp5, $4  }
0x3b: {  	s14 =	sshll.u32 s14, $0xF  }
0x3c: {  	s14 =	sadd.s32 s3, s14  }
0x3d: {  	s13 =	sadd.s32 s13, s14  }
0x3e: {  	[hbm4b:s13+s9] =	stream.strided.scatter [tilespmem:s15], [sflag:$0x2], $0x4000, s10, s9, $0x20;
	[tilespmem:$0x10100] =	vst v63  }
.LBB1_8:
0x3f: {  	_ =	sfence.sel $0x180000  }
0x40: {  	s2 =	simm.s32 $0x1;
	[bflag:$0x0] =	sbarrier.arrive $0xFFFF  }
0x41: {  	s31 =	simm.s32 $0x2;
	[sflag:s2] =	ssyncpa.u1 $0x1  }
0x42: {  	[sflag:s31] =	ssyncpa.u1 $0x1  }
0x43: {  	p0 =	sne.s32 s0, $0x0;
	_ =	strace $0x9000004D  }
0x44: {  	s0 =	sadd.s32 @!p0 $0x100000, s1;
	[bflag:$0x2] =	sbarrier.arrive $0xFFFF  }
0x45: {  	[sflag:s0] =	ssyncadd.tile.s32 @!p0 $0x1;
	_ =	shalt  }
.Lfunc_end1:
_tile_overlayer_lowered:
.L_overlay_start_2:
0x46: {  	(tag) =	ssettag $0x2  }
0x47: {  	s0 =	rddreg [dreg:$0x0];
	s2 =	stileid.u32  }
0x48: {  	s1 =	rddreg [dreg:$0x1];
	p0 =	sne.s32 s2, $0x0  }
0x49: {  	s3 =	rddreg [dreg:$0x2];
	[bflag:$0x3] =	sbarrier.arrive $0xFFFF;
	s2 =	simm.s32 @!p0 $0x1C01  }
0x4a: {  	[timem:s3], [sflag:s2] =	dma.local @!p0 [hbm:s0], s1  }
0x4b: {  	s0 =	simm.s32 @!p0 $0x1  }
0x4c: {  	_ =	swait.ge @!p0 [sflag:s0], s1  }
0x4d: {  	s1 =	ssub.s32 @!p0 $0x0, s1;
	[sflag:s0] =	ssyncset.done @!p0 $0x0  }
0x4e: {  	[sflag:s0] =	ssyncadd.s32 @!p0 s1  }
0x4f: {  	[bflag:$0x3] =	sbarrier.arrive $0xFFFF  }
0x50: {  	_ =	shalt  }

</sc_bundles>
